<compile_context>
chip_gen: v7x
topology: tpu7x:2x2x1
jax: 0.10.2.dev20260603
libtpu: 0.0.44.dev20260713+nightly
codegen_flags: <defaults>
</compile_context>

<pallas_src>
import functools

import jax
import jax.numpy as jnp
from jax import lax
from jax.experimental import pallas as pl
from jax.experimental.pallas import tpu as pltpu
from jax.experimental.pallas import tpu_sc as plsc

NSEG = 10_000
NTILES = 32
CHUNK = 2_000
MASK_BLK = 128_000
GATHER_TILES = 25
GROWS = NSEG // GATHER_TILES

_f32 = jnp.float32
_i32 = jnp.int32


def _take(x, idx):
    return x.at[idx].get(mode="promise_in_bounds")


def _mask_kernel(h3_ref, h4_ref, h5_ref, h6_ref, chi_ref, chim_ref):
    h3 = h3_ref[...]
    h4 = h4_ref[...]
    h5 = h5_ref[...]
    h6 = h6_ref[...]
    filt = (h4 > h3) & (h4 >= h5) & (h4 >= h6)
    chim_ref[...] = jnp.where(filt, chi_ref[...], jnp.inf)


def _build_stage_a(nrows):
    rows_per_tile = nrows // NTILES
    nchunks = rows_per_tile // CHUNK
    groups = CHUNK // 16
    mesh = plsc.VectorSubcoreMesh(core_axis_name="c", subcore_axis_name="s")
    out_type = [
        jax.ShapeDtypeStruct((NTILES, NSEG), _f32),
        jax.ShapeDtypeStruct((NTILES, NSEG), _i32),
        jax.ShapeDtypeStruct((NTILES, NSEG), _f32),
        jax.ShapeDtypeStruct((NTILES, NSEG), _f32),
        jax.ShapeDtypeStruct((NTILES, NSEG), _f32),
        jax.ShapeDtypeStruct((NTILES, NSEG), _f32),
    ]
    scratch = (
        [pltpu.VMEM((CHUNK,), _f32) for _ in range(5)]
        + [pltpu.VMEM((CHUNK,), _i32)]
        + [pltpu.VMEM((CHUNK,), _f32) for _ in range(5)]
        + [pltpu.VMEM((CHUNK,), _i32)]
        + [pltpu.VMEM((NSEG,), _f32), pltpu.VMEM((NSEG,), _i32),
           pltpu.VMEM((NSEG,), _f32), pltpu.VMEM((NSEG,), _f32),
           pltpu.VMEM((NSEG,), _f32), pltpu.VMEM((NSEG,), _f32)]
        + [pltpu.SemaphoreType.DMA, pltpu.SemaphoreType.DMA]
    )

    @functools.partial(pl.kernel, mesh=mesh, out_type=out_type,
                       scratch_types=scratch,
                       compiler_params=pltpu.CompilerParams(
                           needs_layout_passes=False))
    def stage_a(cm_hbm, e_hbm, h0_hbm, h1_hbm, h2_hbm, bi_hbm,
                mc_o, mi_o, sx_o, sy_o, sz_o, se_o,
                cm_b0, e_b0, h0_b0, h1_b0, h2_b0, bi_b0,
                cm_b1, e_b1, h1_b1_, h1_b1b, h2_b1, bi_b1,
                mc_v, mi_v, sx_v, sy_v, sz_v, se_v,
                sem0, sem1):
        cid = lax.axis_index("c")
        sid = lax.axis_index("s")
        wid = sid * 2 + cid
        row_base = wid * rows_per_tile

        iota = lax.iota(_i32, 16)
        inf16 = jnp.full((16,), jnp.inf, _f32)
        nrows16 = jnp.full((16,), nrows, _i32)
        zero16 = jnp.zeros((16,), _f32)

        def init_body(i, c):
            sl = pl.ds(i * 16, 16)
            mc_v[sl] = inf16
            mi_v[sl] = nrows16
            sx_v[sl] = zero16
            sy_v[sl] = zero16
            sz_v[sl] = zero16
            se_v[sl] = zero16
            return c

        lax.fori_loop(0, NSEG // 16, init_body, 0)

        hbm_refs = (cm_hbm, e_hbm, h0_hbm, h1_hbm, h2_hbm, bi_hbm)
        bufs = ((cm_b0, e_b0, h0_b0, h1_b0, h2_b0, bi_b0),
                (cm_b1, e_b1, h1_b1_, h1_b1b, h2_b1, bi_b1))
        sems = (sem0, sem1)

        def start(chunk, b):
            r0 = row_base + chunk * CHUNK
            for src, dst in zip(hbm_refs, bufs[b]):
                pltpu.async_copy(src.at[pl.ds(r0, CHUNK)], dst, sems[b])

        def wait(b):
            for src, dst in zip(hbm_refs, bufs[b]):
                pltpu.make_async_copy(src.at[pl.ds(0, CHUNK)], dst,
                                      sems[b]).wait()

        def compute(b, chunk):
            cm_r, e_r, h0_r, h1_r, h2_r, bi_r = bufs[b]
            row0 = row_base + chunk * CHUNK

            def group(g, carry):
                ro = g * 16
                sl = pl.ds(ro, 16)
                seg = bi_r[sl]
                cs = cm_r[sl]
                ev = e_r[sl]
                a0 = h0_r[sl]
                a1 = h1_r[sl]
                a2 = h2_r[sl]
                ix = jnp.where(cs < inf16, (row0 + ro) + iota, nrows16)

                _scan_group(seg, cs, ix, ev, a0, a1, a2)
                return carry

            def _scan_group(seg, cs, ix, ev, a0, a1, a2):
                for k in (1, 2, 4, 8):
                    pidx = jnp.maximum(iota - k, 0)
                    pseg = _take(seg, pidx)
                    pcs = _take(cs, pidx)
                    pix = _take(ix, pidx)
                    take = (pseg == seg) & (
                        (pcs < cs) | ((pcs == cs) & (pix < ix)))
                    cs = jnp.where(take, pcs, cs)
                    ix = jnp.where(take, pix, ix)

                nseg = _take(seg, jnp.minimum(iota + 1, 15))
                islast = (seg != nseg) | (iota == 15)

                cur_c = plsc.load_gather(mc_v, [seg])
                cur_i = plsc.load_gather(mi_v, [seg])
                better = (cs < cur_c) | ((cs == cur_c) & (ix < cur_i))
                plsc.store_scatter(mc_v, [seg], jnp.where(better, cs, cur_c),
                                   mask=islast)
                plsc.store_scatter(mi_v, [seg], jnp.where(better, ix, cur_i),
                                   mask=islast)

                prev1 = _take(seg, jnp.maximum(iota - 1, 0))
                firstrun = (seg != prev1) | (iota == 0)
                run_start = plsc.cummax(jnp.where(firstrun, iota, 0))

                def run_sum(v):
                    cum = plsc.cumsum(v)
                    base = _take(cum - v, run_start)
                    return cum - base

                plsc.addupdate_scatter(sx_v, [seg], run_sum(a0 * ev),
                                       mask=islast)
                plsc.addupdate_scatter(sy_v, [seg], run_sum(a1 * ev),
                                       mask=islast)
                plsc.addupdate_scatter(sz_v, [seg], run_sum(a2 * ev),
                                       mask=islast)
                plsc.addupdate_scatter(se_v, [seg], run_sum(ev), mask=islast)

            lax.fori_loop(0, groups, group, 0)

        start(0, 0)

        def outer(s, carry):
            for b in range(2):
                chunk = s * 2 + b
                wait(b)

                @pl.when(chunk + 1 < nchunks)
                def _():
                    start(chunk + 1, 1 - b)

                compute(b, chunk)
            return carry

        lax.fori_loop(0, nchunks // 2, outer, 0)

        pltpu.sync_copy(mc_v, mc_o.at[wid])
        pltpu.sync_copy(mi_v, mi_o.at[wid])
        pltpu.sync_copy(sx_v, sx_o.at[wid])
        pltpu.sync_copy(sy_v, sy_o.at[wid])
        pltpu.sync_copy(sz_v, sz_o.at[wid])
        pltpu.sync_copy(se_v, se_o.at[wid])

    return stage_a


def _build_stage_c():
    mesh = plsc.VectorSubcoreMesh(core_axis_name="c", subcore_axis_name="s")
    out_type = [jax.ShapeDtypeStruct((NSEG,), _f32) for _ in range(6)]
    scratch = (
        [pltpu.VMEM((GROWS,), _i32)]
        + [pltpu.VMEM((GROWS,), _f32) for _ in range(6)]
        + [pltpu.SemaphoreType.DMA for _ in range(6)]
    )

    @functools.partial(pl.kernel, mesh=mesh, out_type=out_type,
                       scratch_types=scratch,
                       compiler_params=pltpu.CompilerParams(
                           needs_layout_passes=False,
                           use_tc_tiling_on_sc=False))
    def stage_c(px_hbm, py_hbm, pz_hbm, hx_hbm, hy_hbm, hz_hbm, amin_hbm,
                px_o, py_o, pz_o, hx_o, hy_o, hz_o,
                amin_v, gp0, gp1, gp2, gh0, gh1, gh2,
                s0, s1, s2, s3, s4, s5):
        cid = lax.axis_index("c")
        sid = lax.axis_index("s")
        wid = sid * 2 + cid

        @pl.when(wid < GATHER_TILES)
        def _():
            base = wid * GROWS
            pltpu.sync_copy(amin_hbm.at[pl.ds(base, GROWS)], amin_v)
            cps = [
                pltpu.async_copy(px_hbm.at[amin_v], gp0, s0),
                pltpu.async_copy(py_hbm.at[amin_v], gp1, s1),
                pltpu.async_copy(pz_hbm.at[amin_v], gp2, s2),
                pltpu.async_copy(hx_hbm.at[amin_v], gh0, s3),
                pltpu.async_copy(hy_hbm.at[amin_v], gh1, s4),
                pltpu.async_copy(hz_hbm.at[amin_v], gh2, s5),
            ]
            for cp in cps:
                cp.wait()
            sl = pl.ds(base, GROWS)
            pltpu.sync_copy(gp0, px_o.at[sl])
            pltpu.sync_copy(gp1, py_o.at[sl])
            pltpu.sync_copy(gp2, pz_o.at[sl])
            pltpu.sync_copy(gh0, hx_o.at[sl])
            pltpu.sync_copy(gh1, hy_o.at[sl])
            pltpu.sync_copy(gh2, hz_o.at[sl])

    return stage_c


def _merge_kernel(mc_ref, mi_ref, sx_ref, sy_ref, sz_ref, se_ref,
                  amin_ref, bary_ref, *, nrows):
    bc = mc_ref[0]
    bi = mi_ref[0]
    for k in range(1, NTILES):
        c = mc_ref[k]
        i = mi_ref[k]
        t = (c < bc) | ((c == bc) & (i < bi))
        bc = jnp.where(t, c, bc)
        bi = jnp.where(t, i, bi)
    amin_ref[...] = jnp.minimum(jnp.maximum(bi, 0), nrows - 1)
    sx = jnp.sum(sx_ref[...], axis=0)
    sy = jnp.sum(sy_ref[...], axis=0)
    sz = jnp.sum(sz_ref[...], axis=0)
    se = jnp.sum(se_ref[...], axis=0)
    bary_ref[...] = jnp.stack([sx, sy, sz], axis=1) / se[:, None]


def _final_kernel(px_ref, py_ref, pz_ref, hx_ref, hy_ref, hz_ref, bary_ref,
                  pt_ref, pdir_ref, diff_ref):
    px = px_ref[...]
    py = py_ref[...]
    pz = pz_ref[...]
    pt_ref[...] = jnp.sqrt(px * px + py * py + pz * pz)
    pdir_ref[...] = jnp.stack([px, py, pz], axis=1)
    diff_ref[...] = bary_ref[...] - jnp.stack(
        [hx_ref[...], hy_ref[...], hz_ref[...]], axis=1)


def kernel(x_global_features, h, pos_pxpypz_at_vertex, chi_squared_tracks,
           batch_idx):
    del x_global_features
    nrows = h.shape[0]
    bi = batch_idx.astype(_i32)
    chi = chi_squared_tracks.astype(_f32)

    h0, h1, h2, h3, h4, h5, h6 = (h[:, c] for c in range(7))
    e = h[:, 8]
    px, py, pz = (pos_pxpypz_at_vertex[:, c] for c in range(3))

    grid = nrows // MASK_BLK
    bspec = pl.BlockSpec((MASK_BLK,), lambda i: (i,))
    chi_m = pl.pallas_call(
        _mask_kernel,
        grid=(grid,),
        in_specs=[bspec] * 5,
        out_specs=bspec,
        out_shape=jax.ShapeDtypeStruct((nrows,), _f32),
    )(h3, h4, h5, h6, chi)

    mc, mi, sx, sy, sz, se = _build_stage_a(nrows)(chi_m, e, h0, h1, h2, bi)

    amin, bary = pl.pallas_call(
        functools.partial(_merge_kernel, nrows=nrows),
        out_shape=[jax.ShapeDtypeStruct((NSEG,), _i32),
                   jax.ShapeDtypeStruct((NSEG, 3), _f32)],
    )(mc, mi, sx, sy, sz, se)

    gpx, gpy, gpz, ghx, ghy, ghz = _build_stage_c()(
        px, py, pz, h0, h1, h2, amin)

    ptracks, pdir, diff = pl.pallas_call(
        _final_kernel,
        out_shape=[jax.ShapeDtypeStruct((NSEG,), _f32),
                   jax.ShapeDtypeStruct((NSEG, 3), _f32),
                   jax.ShapeDtypeStruct((NSEG, 3), _f32)],
    )(gpx, gpy, gpz, ghx, ghy, ghz, bary)

    return (ptracks, pdir, diff)

# --- scband reference (transcript-rebuilt; emitter-appended) ---
"""Pipeline reference for scband-pick-pat-dca-21784074125452 (READ-ONLY COPY).

The authoritative reference and input builder live on the scoring server;
editing this copy changes nothing except your own understanding.
"""

import jax, jax.numpy as jnp
import numpy as np

N = 3200000
B = 10000

def setup_inputs(seed: int = 0):
    key = jax.random.key(seed)
    k1, k2, k3, k4, k5 = jax.random.split(key, 5)
    x_global_features = jax.random.normal(k1, (B, 16), dtype=jnp.float32)
    h = jax.random.normal(k2, (N, 9), dtype=jnp.float32)
    pos = jax.random.normal(k3, (N, 3), dtype=jnp.float32)
    chi = jax.random.uniform(k4, (N,), dtype=jnp.float32)
    batch_idx = jnp.sort(jax.random.randint(k5, (N,), 0, B))
    return {"x_global_features": x_global_features, "h": h, "pos_pxpypz_at_vertex": pos, "chi_squared_tracks": chi, "batch_idx": batch_idx}

def _forward(x_global_features, h, pos_pxpypz_at_vertex, chi_squared_tracks, batch_idx):
    n = h.shape[0]
    # ht = argmax over hit-type one-hot columns 3:7; tracks are ht == 1
    ht = jnp.argmax(h[:, 3:7], axis=1)
    filt = ht == 1
    # pick_lowest_chi_squared: per-segment argmin of chi over track nodes only
    chi_m = jnp.where(filt, jax.lax.stop_gradient(chi_squared_tracks), jnp.inf)
    min_per_seg = jax.ops.segment_min(chi_m, batch_idx, num_segments=B)
    is_min = filt & (chi_m == min_per_seg[batch_idx])
    cand = jnp.where(is_min, jnp.arange(n), n)
    amin = jax.ops.segment_min(cand, batch_idx, num_segments=B)
    amin = jnp.clip(amin, 0, n - 1)
    p_direction = pos_pxpypz_at_vertex[amin]
    p_xyz = h[amin, :3]
    # energy-weighted barycenter over ALL nodes (scatter_sum over batch_idx)
    xyz_hits = h[:, :3]
    E_hits = h[:, 8]
    weighted_avg_hits = jax.ops.segment_sum(xyz_hits * E_hits[:, None], batch_idx, num_segments=B)
    E_total = jax.ops.segment_sum(E_hits, batch_idx, num_segments=B)
    barycenters = weighted_avg_hits / E_total[:, None]
    p_tracks = jnp.linalg.norm(p_direction, axis=1)
    return (p_tracks, p_direction, barycenters - p_xyz)

def reference(x_global_features, h, pos_pxpypz_at_vertex, chi_squared_tracks, batch_idx):
    return _forward(x_global_features, h, pos_pxpypz_at_vertex, chi_squared_tracks, batch_idx)

if __name__ == "__main__":
    import jax
    _d = setup_inputs()
    print(jax.jit(kernel)(*tuple(_d.values())))

</pallas_src>

<mosaic_0001>
#map = affine_map<(d0, d1) -> (0)>
module attributes {stable_mosaic.version = 14 : i64} {
  func.func @stage_c(%arg0: i32, %arg1: i32, %arg2: memref<3200000xf32, #tpu.memory_space<hbm>>, %arg3: memref<3200000xf32, #tpu.memory_space<hbm>>, %arg4: memref<3200000xf32, #tpu.memory_space<hbm>>, %arg5: memref<3200000xf32, #tpu.memory_space<hbm>>, %arg6: memref<3200000xf32, #tpu.memory_space<hbm>>, %arg7: memref<3200000xf32, #tpu.memory_space<hbm>>, %arg8: memref<10000xi32, #tpu.memory_space<hbm>>, %arg9: memref<10000xf32, #tpu.memory_space<hbm>>, %arg10: memref<10000xf32, #tpu.memory_space<hbm>>, %arg11: memref<10000xf32, #tpu.memory_space<hbm>>, %arg12: memref<10000xf32, #tpu.memory_space<hbm>>, %arg13: memref<10000xf32, #tpu.memory_space<hbm>>, %arg14: memref<10000xf32, #tpu.memory_space<hbm>>, %arg15: memref<400xi32, #tpu.memory_space<vmem>>, %arg16: memref<400xf32, #tpu.memory_space<vmem>>, %arg17: memref<400xf32, #tpu.memory_space<vmem>>, %arg18: memref<400xf32, #tpu.memory_space<vmem>>, %arg19: memref<400xf32, #tpu.memory_space<vmem>>, %arg20: memref<400xf32, #tpu.memory_space<vmem>>, %arg21: memref<400xf32, #tpu.memory_space<vmem>>, %arg22: memref<!tpu.dma_semaphore, #tpu.memory_space<semaphore_mem>>, %arg23: memref<!tpu.dma_semaphore, #tpu.memory_space<semaphore_mem>>, %arg24: memref<!tpu.dma_semaphore, #tpu.memory_space<semaphore_mem>>, %arg25: memref<!tpu.dma_semaphore, #tpu.memory_space<semaphore_mem>>, %arg26: memref<!tpu.dma_semaphore, #tpu.memory_space<semaphore_mem>>, %arg27: memref<!tpu.dma_semaphore, #tpu.memory_space<semaphore_mem>>) attributes {dimension_semantics = [#tpu.dimension_semantics<core_parallel>, #tpu.dimension_semantics<subcore_parallel>], iteration_bounds = array<i64: 2, 16>, scalar_prefetch = 0 : i64, scratch_operands = 13 : i64, tpu.core_type = #tpu.core_type<sc_vector_subcore>, window_params = [{transform_indices = #map}, {transform_indices = #map}, {transform_indices = #map}, {transform_indices = #map}, {transform_indices = #map}, {transform_indices = #map}, {transform_indices = #map}, {transform_indices = #map}, {transform_indices = #map}, {transform_indices = #map}, {transform_indices = #map}, {transform_indices = #map}, {transform_indices = #map}]} {
    %mul3A = arith.constant 2 : i32
    %mul3A_0 = arith.muli %arg1, %mul3A : i32
    %add3A = arith.addi %mul3A_0, %arg0 : i32
    %lt3A = arith.constant 25 : i32
    %lt3A_1 = arith.cmpi slt, %add3A, %lt3A : i32
    %convert_element_type3A = arith.extui %lt3A_1 : i1 to i32
    %cond3A = arith.constant 0 : i32
    %cond3A_2 = arith.cmpi ne, %convert_element_type3A, %cond3A : i32
    scf.if %cond3A_2 {
      %mul3A_3 = arith.constant 400 : i32
      %mul3A_4 = arith.muli %add3A, %mul3A_3 : i32
      "tpu.region"() ({
        %run_scoped3A = tpu.sem_alloc : memref<!tpu.dma_semaphore, #tpu.memory_space<semaphore_mem>>
        %dma_start3A_27 = tpu.memref_slice %arg8[%mul3A_4] : memref<10000xi32, #tpu.memory_space<hbm>> -> memref<400xi32, #tpu.memory_space<hbm>>
        %dma_start3A_28 = tpu.memref_slice %arg8[%mul3A_4] : memref<10000xi32, #tpu.memory_space<hbm>> -> memref<400xi32, #tpu.memory_space<hbm>>
        tpu.enqueue_dma source(%dma_start3A_28 : memref<400xi32, #tpu.memory_space<hbm>>) target(%arg15 : memref<400xi32, #tpu.memory_space<vmem>>) target_semaphore(%run_scoped3A : memref<!tpu.dma_semaphore, #tpu.memory_space<semaphore_mem>>)
        %dma_wait3A_29 = tpu.memref_slice %arg8[%mul3A_4] : memref<10000xi32, #tpu.memory_space<hbm>> -> memref<400xi32, #tpu.memory_space<hbm>>
        %dma_wait3A_30 = tpu.memref_slice %arg8[%mul3A_4] : memref<10000xi32, #tpu.memory_space<hbm>> -> memref<400xi32, #tpu.memory_space<hbm>>
        tpu.wait_dma2 semaphore(%run_scoped3A : memref<!tpu.dma_semaphore, #tpu.memory_space<semaphore_mem>>) src(%dma_wait3A_30 : memref<400xi32, #tpu.memory_space<hbm>>) dst(%arg15 : memref<400xi32, #tpu.memory_space<vmem>>)
        tpu.yield
      }) : () -> ()
      %dma_start3A = arith.constant 0 : i32
      %dma_start3A_5 = tpu.memref_slice %arg2[%dma_start3A] : memref<3200000xf32, #tpu.memory_space<hbm>> -> memref<3200000xf32, #tpu.memory_space<hbm>>
      tpu.enqueue_indirect_dma source(%dma_start3A_5 : memref<3200000xf32, #tpu.memory_space<hbm>>) target(%arg16 : memref<400xf32, #tpu.memory_space<vmem>>) offsets(%arg15 : memref<400xi32, #tpu.memory_space<vmem>>) semaphore(%arg22 : memref<!tpu.dma_semaphore, #tpu.memory_space<semaphore_mem>>)
      %dma_start3A_6 = arith.constant 0 : i32
      %dma_start3A_7 = tpu.memref_slice %arg3[%dma_start3A_6] : memref<3200000xf32, #tpu.memory_space<hbm>> -> memref<3200000xf32, #tpu.memory_space<hbm>>
      tpu.enqueue_indirect_dma source(%dma_start3A_7 : memref<3200000xf32, #tpu.memory_space<hbm>>) target(%arg17 : memref<400xf32, #tpu.memory_space<vmem>>) offsets(%arg15 : memref<400xi32, #tpu.memory_space<vmem>>) semaphore(%arg23 : memref<!tpu.dma_semaphore, #tpu.memory_space<semaphore_mem>>)
      %dma_start3A_8 = arith.constant 0 : i32
      %dma_start3A_9 = tpu.memref_slice %arg4[%dma_start3A_8] : memref<3200000xf32, #tpu.memory_space<hbm>> -> memref<3200000xf32, #tpu.memory_space<hbm>>
      tpu.enqueue_indirect_dma source(%dma_start3A_9 : memref<3200000xf32, #tpu.memory_space<hbm>>) target(%arg18 : memref<400xf32, #tpu.memory_space<vmem>>) offsets(%arg15 : memref<400xi32, #tpu.memory_space<vmem>>) semaphore(%arg24 : memref<!tpu.dma_semaphore, #tpu.memory_space<semaphore_mem>>)
      %dma_start3A_10 = arith.constant 0 : i32
      %dma_start3A_11 = tpu.memref_slice %arg5[%dma_start3A_10] : memref<3200000xf32, #tpu.memory_space<hbm>> -> memref<3200000xf32, #tpu.memory_space<hbm>>
      tpu.enqueue_indirect_dma source(%dma_start3A_11 : memref<3200000xf32, #tpu.memory_space<hbm>>) target(%arg19 : memref<400xf32, #tpu.memory_space<vmem>>) offsets(%arg15 : memref<400xi32, #tpu.memory_space<vmem>>) semaphore(%arg25 : memref<!tpu.dma_semaphore, #tpu.memory_space<semaphore_mem>>)
      %dma_start3A_12 = arith.constant 0 : i32
      %dma_start3A_13 = tpu.memref_slice %arg6[%dma_start3A_12] : memref<3200000xf32, #tpu.memory_space<hbm>> -> memref<3200000xf32, #tpu.memory_space<hbm>>
      tpu.enqueue_indirect_dma source(%dma_start3A_13 : memref<3200000xf32, #tpu.memory_space<hbm>>) target(%arg20 : memref<400xf32, #tpu.memory_space<vmem>>) offsets(%arg15 : memref<400xi32, #tpu.memory_space<vmem>>) semaphore(%arg26 : memref<!tpu.dma_semaphore, #tpu.memory_space<semaphore_mem>>)
      %dma_start3A_14 = arith.constant 0 : i32
      %dma_start3A_15 = tpu.memref_slice %arg7[%dma_start3A_14] : memref<3200000xf32, #tpu.memory_space<hbm>> -> memref<3200000xf32, #tpu.memory_space<hbm>>
      tpu.enqueue_indirect_dma source(%dma_start3A_15 : memref<3200000xf32, #tpu.memory_space<hbm>>) target(%arg21 : memref<400xf32, #tpu.memory_space<vmem>>) offsets(%arg15 : memref<400xi32, #tpu.memory_space<vmem>>) semaphore(%arg27 : memref<!tpu.dma_semaphore, #tpu.memory_space<semaphore_mem>>)
      %dma_wait3A = arith.constant 0 : i32
      %dma_wait3A_16 = tpu.memref_slice %arg2[%dma_wait3A] : memref<3200000xf32, #tpu.memory_space<hbm>> -> memref<3200000xf32, #tpu.memory_space<hbm>>
      tpu.wait_indirect_dma semaphore(%arg22 : memref<!tpu.dma_semaphore, #tpu.memory_space<semaphore_mem>>) src(%dma_wait3A_16 : memref<3200000xf32, #tpu.memory_space<hbm>>) dst(%arg16 : memref<400xf32, #tpu.memory_space<vmem>>)
      %dma_wait3A_17 = arith.constant 0 : i32
      %dma_wait3A_18 = tpu.memref_slice %arg3[%dma_wait3A_17] : memref<3200000xf32, #tpu.memory_space<hbm>> -> memref<3200000xf32, #tpu.memory_space<hbm>>
      tpu.wait_indirect_dma semaphore(%arg23 : memref<!tpu.dma_semaphore, #tpu.memory_space<semaphore_mem>>) src(%dma_wait3A_18 : memref<3200000xf32, #tpu.memory_space<hbm>>) dst(%arg17 : memref<400xf32, #tpu.memory_space<vmem>>)
      %dma_wait3A_19 = arith.constant 0 : i32
      %dma_wait3A_20 = tpu.memref_slice %arg4[%dma_wait3A_19] : memref<3200000xf32, #tpu.memory_space<hbm>> -> memref<3200000xf32, #tpu.memory_space<hbm>>
      tpu.wait_indirect_dma semaphore(%arg24 : memref<!tpu.dma_semaphore, #tpu.memory_space<semaphore_mem>>) src(%dma_wait3A_20 : memref<3200000xf32, #tpu.memory_space<hbm>>) dst(%arg18 : memref<400xf32, #tpu.memory_space<vmem>>)
      %dma_wait3A_21 = arith.constant 0 : i32
      %dma_wait3A_22 = tpu.memref_slice %arg5[%dma_wait3A_21] : memref<3200000xf32, #tpu.memory_space<hbm>> -> memref<3200000xf32, #tpu.memory_space<hbm>>
      tpu.wait_indirect_dma semaphore(%arg25 : memref<!tpu.dma_semaphore, #tpu.memory_space<semaphore_mem>>) src(%dma_wait3A_22 : memref<3200000xf32, #tpu.memory_space<hbm>>) dst(%arg19 : memref<400xf32, #tpu.memory_space<vmem>>)
      %dma_wait3A_23 = arith.constant 0 : i32
      %dma_wait3A_24 = tpu.memref_slice %arg6[%dma_wait3A_23] : memref<3200000xf32, #tpu.memory_space<hbm>> -> memref<3200000xf32, #tpu.memory_space<hbm>>
      tpu.wait_indirect_dma semaphore(%arg26 : memref<!tpu.dma_semaphore, #tpu.memory_space<semaphore_mem>>) src(%dma_wait3A_24 : memref<3200000xf32, #tpu.memory_space<hbm>>) dst(%arg20 : memref<400xf32, #tpu.memory_space<vmem>>)
      %dma_wait3A_25 = arith.constant 0 : i32
      %dma_wait3A_26 = tpu.memref_slice %arg7[%dma_wait3A_25] : memref<3200000xf32, #tpu.memory_space<hbm>> -> memref<3200000xf32, #tpu.memory_space<hbm>>
      tpu.wait_indirect_dma semaphore(%arg27 : memref<!tpu.dma_semaphore, #tpu.memory_space<semaphore_mem>>) src(%dma_wait3A_26 : memref<3200000xf32, #tpu.memory_space<hbm>>) dst(%arg21 : memref<400xf32, #tpu.memory_space<vmem>>)
      "tpu.region"() ({
        %run_scoped3A = tpu.sem_alloc : memref<!tpu.dma_semaphore, #tpu.memory_space<semaphore_mem>>
        %dma_start3A_27 = tpu.memref_slice %arg9[%mul3A_4] : memref<10000xf32, #tpu.memory_space<hbm>> -> memref<400xf32, #tpu.memory_space<hbm>>
        %dma_start3A_28 = tpu.memref_slice %arg9[%mul3A_4] : memref<10000xf32, #tpu.memory_space<hbm>> -> memref<400xf32, #tpu.memory_space<hbm>>
        tpu.enqueue_dma source(%arg16 : memref<400xf32, #tpu.memory_space<vmem>>) target(%dma_start3A_28 : memref<400xf32, #tpu.memory_space<hbm>>) target_semaphore(%run_scoped3A : memref<!tpu.dma_semaphore, #tpu.memory_space<semaphore_mem>>)
        %dma_wait3A_29 = tpu.memref_slice %arg9[%mul3A_4] : memref<10000xf32, #tpu.memory_space<hbm>> -> memref<400xf32, #tpu.memory_space<hbm>>
        %dma_wait3A_30 = tpu.memref_slice %arg9[%mul3A_4] : memref<10000xf32, #tpu.memory_space<hbm>> -> memref<400xf32, #tpu.memory_space<hbm>>
        tpu.wait_dma2 semaphore(%run_scoped3A : memref<!tpu.dma_semaphore, #tpu.memory_space<semaphore_mem>>) src(%arg16 : memref<400xf32, #tpu.memory_space<vmem>>) dst(%dma_wait3A_30 : memref<400xf32, #tpu.memory_space<hbm>>)
        tpu.yield
      }) : () -> ()
      "tpu.region"() ({
        %run_scoped3A = tpu.sem_alloc : memref<!tpu.dma_semaphore, #tpu.memory_space<semaphore_mem>>
        %dma_start3A_27 = tpu.memref_slice %arg10[%mul3A_4] : memref<10000xf32, #tpu.memory_space<hbm>> -> memref<400xf32, #tpu.memory_space<hbm>>
        %dma_start3A_28 = tpu.memref_slice %arg10[%mul3A_4] : memref<10000xf32, #tpu.memory_space<hbm>> -> memref<400xf32, #tpu.memory_space<hbm>>
        tpu.enqueue_dma source(%arg17 : memref<400xf32, #tpu.memory_space<vmem>>) target(%dma_start3A_28 : memref<400xf32, #tpu.memory_space<hbm>>) target_semaphore(%run_scoped3A : memref<!tpu.dma_semaphore, #tpu.memory_space<semaphore_mem>>)
        %dma_wait3A_29 = tpu.memref_slice %arg10[%mul3A_4] : memref<10000xf32, #tpu.memory_space<hbm>> -> memref<400xf32, #tpu.memory_space<hbm>>
        %dma_wait3A_30 = tpu.memref_slice %arg10[%mul3A_4] : memref<10000xf32, #tpu.memory_space<hbm>> -> memref<400xf32, #tpu.memory_space<hbm>>
        tpu.wait_dma2 semaphore(%run_scoped3A : memref<!tpu.dma_semaphore, #tpu.memory_space<semaphore_mem>>) src(%arg17 : memref<400xf32, #tpu.memory_space<vmem>>) dst(%dma_wait3A_30 : memref<400xf32, #tpu.memory_space<hbm>>)
        tpu.yield
      }) : () -> ()
      "tpu.region"() ({
        %run_scoped3A = tpu.sem_alloc : memref<!tpu.dma_semaphore, #tpu.memory_space<semaphore_mem>>
        %dma_start3A_27 = tpu.memref_slice %arg11[%mul3A_4] : memref<10000xf32, #tpu.memory_space<hbm>> -> memref<400xf32, #tpu.memory_space<hbm>>
        %dma_start3A_28 = tpu.memref_slice %arg11[%mul3A_4] : memref<10000xf32, #tpu.memory_space<hbm>> -> memref<400xf32, #tpu.memory_space<hbm>>
        tpu.enqueue_dma source(%arg18 : memref<400xf32, #tpu.memory_space<vmem>>) target(%dma_start3A_28 : memref<400xf32, #tpu.memory_space<hbm>>) target_semaphore(%run_scoped3A : memref<!tpu.dma_semaphore, #tpu.memory_space<semaphore_mem>>)
        %dma_wait3A_29 = tpu.memref_slice %arg11[%mul3A_4] : memref<10000xf32, #tpu.memory_space<hbm>> -> memref<400xf32, #tpu.memory_space<hbm>>
        %dma_wait3A_30 = tpu.memref_slice %arg11[%mul3A_4] : memref<10000xf32, #tpu.memory_space<hbm>> -> memref<400xf32, #tpu.memory_space<hbm>>
        tpu.wait_dma2 semaphore(%run_scoped3A : memref<!tpu.dma_semaphore, #tpu.memory_space<semaphore_mem>>) src(%arg18 : memref<400xf32, #tpu.memory_space<vmem>>) dst(%dma_wait3A_30 : memref<400xf32, #tpu.memory_space<hbm>>)
        tpu.yield
      }) : () -> ()
      "tpu.region"() ({
        %run_scoped3A = tpu.sem_alloc : memref<!tpu.dma_semaphore, #tpu.memory_space<semaphore_mem>>
        %dma_start3A_27 = tpu.memref_slice %arg12[%mul3A_4] : memref<10000xf32, #tpu.memory_space<hbm>> -> memref<400xf32, #tpu.memory_space<hbm>>
        %dma_start3A_28 = tpu.memref_slice %arg12[%mul3A_4] : memref<10000xf32, #tpu.memory_space<hbm>> -> memref<400xf32, #tpu.memory_space<hbm>>
        tpu.enqueue_dma source(%arg19 : memref<400xf32, #tpu.memory_space<vmem>>) target(%dma_start3A_28 : memref<400xf32, #tpu.memory_space<hbm>>) target_semaphore(%run_scoped3A : memref<!tpu.dma_semaphore, #tpu.memory_space<semaphore_mem>>)
        %dma_wait3A_29 = tpu.memref_slice %arg12[%mul3A_4] : memref<10000xf32, #tpu.memory_space<hbm>> -> memref<400xf32, #tpu.memory_space<hbm>>
        %dma_wait3A_30 = tpu.memref_slice %arg12[%mul3A_4] : memref<10000xf32, #tpu.memory_space<hbm>> -> memref<400xf32, #tpu.memory_space<hbm>>
        tpu.wait_dma2 semaphore(%run_scoped3A : memref<!tpu.dma_semaphore, #tpu.memory_space<semaphore_mem>>) src(%arg19 : memref<400xf32, #tpu.memory_space<vmem>>) dst(%dma_wait3A_30 : memref<400xf32, #tpu.memory_space<hbm>>)
        tpu.yield
      }) : () -> ()
      "tpu.region"() ({
        %run_scoped3A = tpu.sem_alloc : memref<!tpu.dma_semaphore, #tpu.memory_space<semaphore_mem>>
        %dma_start3A_27 = tpu.memref_slice %arg13[%mul3A_4] : memref<10000xf32, #tpu.memory_space<hbm>> -> memref<400xf32, #tpu.memory_space<hbm>>
        %dma_start3A_28 = tpu.memref_slice %arg13[%mul3A_4] : memref<10000xf32, #tpu.memory_space<hbm>> -> memref<400xf32, #tpu.memory_space<hbm>>
        tpu.enqueue_dma source(%arg20 : memref<400xf32, #tpu.memory_space<vmem>>) target(%dma_start3A_28 : memref<400xf32, #tpu.memory_space<hbm>>) target_semaphore(%run_scoped3A : memref<!tpu.dma_semaphore, #tpu.memory_space<semaphore_mem>>)
        %dma_wait3A_29 = tpu.memref_slice %arg13[%mul3A_4] : memref<10000xf32, #tpu.memory_space<hbm>> -> memref<400xf32, #tpu.memory_space<hbm>>
        %dma_wait3A_30 = tpu.memref_slice %arg13[%mul3A_4] : memref<10000xf32, #tpu.memory_space<hbm>> -> memref<400xf32, #tpu.memory_space<hbm>>
        tpu.wait_dma2 semaphore(%run_scoped3A : memref<!tpu.dma_semaphore, #tpu.memory_space<semaphore_mem>>) src(%arg20 : memref<400xf32, #tpu.memory_space<vmem>>) dst(%dma_wait3A_30 : memref<400xf32, #tpu.memory_space<hbm>>)
        tpu.yield
      }) : () -> ()
      "tpu.region"() ({
        %run_scoped3A = tpu.sem_alloc : memref<!tpu.dma_semaphore, #tpu.memory_space<semaphore_mem>>
        %dma_start3A_27 = tpu.memref_slice %arg14[%mul3A_4] : memref<10000xf32, #tpu.memory_space<hbm>> -> memref<400xf32, #tpu.memory_space<hbm>>
        %dma_start3A_28 = tpu.memref_slice %arg14[%mul3A_4] : memref<10000xf32, #tpu.memory_space<hbm>> -> memref<400xf32, #tpu.memory_space<hbm>>
        tpu.enqueue_dma source(%arg21 : memref<400xf32, #tpu.memory_space<vmem>>) target(%dma_start3A_28 : memref<400xf32, #tpu.memory_space<hbm>>) target_semaphore(%run_scoped3A : memref<!tpu.dma_semaphore, #tpu.memory_space<semaphore_mem>>)
        %dma_wait3A_29 = tpu.memref_slice %arg14[%mul3A_4] : memref<10000xf32, #tpu.memory_space<hbm>> -> memref<400xf32, #tpu.memory_space<hbm>>
        %dma_wait3A_30 = tpu.memref_slice %arg14[%mul3A_4] : memref<10000xf32, #tpu.memory_space<hbm>> -> memref<400xf32, #tpu.memory_space<hbm>>
        tpu.wait_dma2 semaphore(%run_scoped3A : memref<!tpu.dma_semaphore, #tpu.memory_space<semaphore_mem>>) src(%arg21 : memref<400xf32, #tpu.memory_space<vmem>>) dst(%dma_wait3A_30 : memref<400xf32, #tpu.memory_space<hbm>>)
        tpu.yield
      }) : () -> ()
    } else {
    }
    return
  }
}

#map = affine_map<(d0, d1) -> (0)>
#map1 = affine_map<(d0, d1) -> (0, 0)>
module attributes {stable_mosaic.version = 14 : i64} {
  func.func @stage_a(%arg0: i32, %arg1: i32, %arg2: memref<3200000xf32, #tpu.memory_space<hbm>>, %arg3: memref<3200000xf32, #tpu.memory_space<hbm>>, %arg4: memref<3200000xf32, #tpu.memory_space<hbm>>, %arg5: memref<3200000xf32, #tpu.memory_space<hbm>>, %arg6: memref<3200000xf32, #tpu.memory_space<hbm>>, %arg7: memref<3200000xi32, #tpu.memory_space<hbm>>, %arg8: memref<32x10000xf32, #tpu.memory_space<hbm>>, %arg9: memref<32x10000xi32, #tpu.memory_space<hbm>>, %arg10: memref<32x10000xf32, #tpu.memory_space<hbm>>, %arg11: memref<32x10000xf32, #tpu.memory_space<hbm>>, %arg12: memref<32x10000xf32, #tpu.memory_space<hbm>>, %arg13: memref<32x10000xf32, #tpu.memory_space<hbm>>, %arg14: memref<2000xf32, #tpu.memory_space<vmem>>, %arg15: memref<2000xf32, #tpu.memory_space<vmem>>, %arg16: memref<2000xf32, #tpu.memory_space<vmem>>, %arg17: memref<2000xf32, #tpu.memory_space<vmem>>, %arg18: memref<2000xf32, #tpu.memory_space<vmem>>, %arg19: memref<2000xi32, #tpu.memory_space<vmem>>, %arg20: memref<2000xf32, #tpu.memory_space<vmem>>, %arg21: memref<2000xf32, #tpu.memory_space<vmem>>, %arg22: memref<2000xf32, #tpu.memory_space<vmem>>, %arg23: memref<2000xf32, #tpu.memory_space<vmem>>, %arg24: memref<2000xf32, #tpu.memory_space<vmem>>, %arg25: memref<2000xi32, #tpu.memory_space<vmem>>, %arg26: memref<10000xf32, #tpu.memory_space<vmem>>, %arg27: memref<10000xi32, #tpu.memory_space<vmem>>, %arg28: memref<10000xf32, #tpu.memory_space<vmem>>, %arg29: memref<10000xf32, #tpu.memory_space<vmem>>, %arg30: memref<10000xf32, #tpu.memory_space<vmem>>, %arg31: memref<10000xf32, #tpu.memory_space<vmem>>, %arg32: memref<!tpu.dma_semaphore, #tpu.memory_space<semaphore_mem>>, %arg33: memref<!tpu.dma_semaphore, #tpu.memory_space<semaphore_mem>>) attributes {dimension_semantics = [#tpu.dimension_semantics<core_parallel>, #tpu.dimension_semantics<subcore_parallel>], iteration_bounds = array<i64: 2, 16>, scalar_prefetch = 0 : i64, scratch_operands = 20 : i64, tpu.core_type = #tpu.core_type<sc_vector_subcore>, window_params = [{transform_indices = #map}, {transform_indices = #map}, {transform_indices = #map}, {transform_indices = #map}, {transform_indices = #map}, {transform_indices = #map}, {transform_indices = #map1}, {transform_indices = #map1}, {transform_indices = #map1}, {transform_indices = #map1}, {transform_indices = #map1}, {transform_indices = #map1}]} {
    %mul3A = arith.constant 2 : i32
    %mul3A_0 = arith.muli %arg1, %mul3A : i32
    %add3A = arith.addi %mul3A_0, %arg0 : i32
    %mul3A_1 = arith.constant 100000 : i32
    %mul3A_2 = arith.muli %add3A, %mul3A_1 : i32
    %iota3A = tpu.iota {dimensions = array<i32: 0>} : vector<16xi32>
    %broadcast_in_dim3A = arith.constant 0x7F800000 : f32
    %broadcast_in_dim3A_3 = vector.broadcast %broadcast_in_dim3A : f32 to vector<16xf32>
    %broadcast_in_dim3A_4 = arith.constant 3200000 : i32
    %broadcast_in_dim3A_5 = vector.broadcast %broadcast_in_dim3A_4 : i32 to vector<16xi32>
    %broadcast_in_dim3A_6 = arith.constant 0.000000e+00 : f32
    %broadcast_in_dim3A_7 = vector.broadcast %broadcast_in_dim3A_6 : f32 to vector<16xf32>
    %scan3A = arith.constant 0 : i32
    %scan3A_8 = arith.constant 0 : i32
    %scan3A_9 = arith.constant 625 : i32
    %scan3A_10 = arith.addi %scan3A_8, %scan3A_9 : i32
    %scan3A_11 = arith.constant 1 : i32
    scf.for %scan3A_32 = %scan3A_8 to %scan3A_10 step %scan3A_11  : i32 {
      %mul3A_33 = arith.constant 16 : i32
      %mul3A_34 = arith.muli %scan3A_32, %mul3A_33 : i32
      %swap3A = arith.index_cast %mul3A_34 : i32 to index
      %swap3A_35 = tpu.vector_load %arg26[%swap3A] {strides = array<i32>} : memref<10000xf32, #tpu.memory_space<vmem>>, vector<16xf32>,
      tpu.vector_store %arg26[%swap3A], %broadcast_in_dim3A_3 {strides = array<i32>} : memref<10000xf32, #tpu.memory_space<vmem>>, vector<16xf32>,
      %swap3A_36 = arith.index_cast %mul3A_34 : i32 to index
      %swap3A_37 = tpu.vector_load %arg27[%swap3A_36] {strides = array<i32>} : memref<10000xi32, #tpu.memory_space<vmem>>, vector<16xi32>,
      tpu.vector_store %arg27[%swap3A_36], %broadcast_in_dim3A_5 {strides = array<i32>} : memref<10000xi32, #tpu.memory_space<vmem>>, vector<16xi32>,
      %swap3A_38 = arith.index_cast %mul3A_34 : i32 to index
      %swap3A_39 = tpu.vector_load %arg28[%swap3A_38] {strides = array<i32>} : memref<10000xf32, #tpu.memory_space<vmem>>, vector<16xf32>,
      tpu.vector_store %arg28[%swap3A_38], %broadcast_in_dim3A_7 {strides = array<i32>} : memref<10000xf32, #tpu.memory_space<vmem>>, vector<16xf32>,
      %swap3A_40 = arith.index_cast %mul3A_34 : i32 to index
      %swap3A_41 = tpu.vector_load %arg29[%swap3A_40] {strides = array<i32>} : memref<10000xf32, #tpu.memory_space<vmem>>, vector<16xf32>,
      tpu.vector_store %arg29[%swap3A_40], %broadcast_in_dim3A_7 {strides = array<i32>} : memref<10000xf32, #tpu.memory_space<vmem>>, vector<16xf32>,
      %swap3A_42 = arith.index_cast %mul3A_34 : i32 to index
      %swap3A_43 = tpu.vector_load %arg30[%swap3A_42] {strides = array<i32>} : memref<10000xf32, #tpu.memory_space<vmem>>, vector<16xf32>,
      tpu.vector_store %arg30[%swap3A_42], %broadcast_in_dim3A_7 {strides = array<i32>} : memref<10000xf32, #tpu.memory_space<vmem>>, vector<16xf32>,
      %swap3A_44 = arith.index_cast %mul3A_34 : i32 to index
      %swap3A_45 = tpu.vector_load %arg31[%swap3A_44] {strides = array<i32>} : memref<10000xf32, #tpu.memory_space<vmem>>, vector<16xf32>,
      tpu.vector_store %arg31[%swap3A_44], %broadcast_in_dim3A_7 {strides = array<i32>} : memref<10000xf32, #tpu.memory_space<vmem>>, vector<16xf32>,
    }
    %scan3A_12 = arith.constant 625 : i32
    %add3A_13 = arith.constant 0 : i32
    %add3A_14 = arith.addi %mul3A_2, %add3A_13 : i32
    %dma_start3A = tpu.memref_slice %arg2[%add3A_14] : memref<3200000xf32, #tpu.memory_space<hbm>> -> memref<2000xf32, #tpu.memory_space<hbm>>
    %dma_start3A_15 = tpu.memref_slice %arg2[%add3A_14] : memref<3200000xf32, #tpu.memory_space<hbm>> -> memref<2000xf32, #tpu.memory_space<hbm>>
    tpu.enqueue_dma source(%dma_start3A_15 : memref<2000xf32, #tpu.memory_space<hbm>>) target(%arg14 : memref<2000xf32, #tpu.memory_space<vmem>>) target_semaphore(%arg32 : memref<!tpu.dma_semaphore, #tpu.memory_space<semaphore_mem>>)
    %dma_start3A_16 = tpu.memref_slice %arg3[%add3A_14] : memref<3200000xf32, #tpu.memory_space<hbm>> -> memref<2000xf32, #tpu.memory_space<hbm>>
    %dma_start3A_17 = tpu.memref_slice %arg3[%add3A_14] : memref<3200000xf32, #tpu.memory_space<hbm>> -> memref<2000xf32, #tpu.memory_space<hbm>>
    tpu.enqueue_dma source(%dma_start3A_17 : memref<2000xf32, #tpu.memory_space<hbm>>) target(%arg15 : memref<2000xf32, #tpu.memory_space<vmem>>) target_semaphore(%arg32 : memref<!tpu.dma_semaphore, #tpu.memory_space<semaphore_mem>>)
    %dma_start3A_18 = tpu.memref_slice %arg4[%add3A_14] : memref<3200000xf32, #tpu.memory_space<hbm>> -> memref<2000xf32, #tpu.memory_space<hbm>>
    %dma_start3A_19 = tpu.memref_slice %arg4[%add3A_14] : memref<3200000xf32, #tpu.memory_space<hbm>> -> memref<2000xf32, #tpu.memory_space<hbm>>
    tpu.enqueue_dma source(%dma_start3A_19 : memref<2000xf32, #tpu.memory_space<hbm>>) target(%arg16 : memref<2000xf32, #tpu.memory_space<vmem>>) target_semaphore(%arg32 : memref<!tpu.dma_semaphore, #tpu.memory_space<semaphore_mem>>)
    %dma_start3A_20 = tpu.memref_slice %arg5[%add3A_14] : memref<3200000xf32, #tpu.memory_space<hbm>> -> memref<2000xf32, #tpu.memory_space<hbm>>
    %dma_start3A_21 = tpu.memref_slice %arg5[%add3A_14] : memref<3200000xf32, #tpu.memory_space<hbm>> -> memref<2000xf32, #tpu.memory_space<hbm>>
    tpu.enqueue_dma source(%dma_start3A_21 : memref<2000xf32, #tpu.memory_space<hbm>>) target(%arg17 : memref<2000xf32, #tpu.memory_space<vmem>>) target_semaphore(%arg32 : memref<!tpu.dma_semaphore, #tpu.memory_space<semaphore_mem>>)
    %dma_start3A_22 = tpu.memref_slice %arg6[%add3A_14] : memref<3200000xf32, #tpu.memory_space<hbm>> -> memref<2000xf32, #tpu.memory_space<hbm>>
    %dma_start3A_23 = tpu.memref_slice %arg6[%add3A_14] : memref<3200000xf32, #tpu.memory_space<hbm>> -> memref<2000xf32, #tpu.memory_space<hbm>>
    tpu.enqueue_dma source(%dma_start3A_23 : memref<2000xf32, #tpu.memory_space<hbm>>) target(%arg18 : memref<2000xf32, #tpu.memory_space<vmem>>) target_semaphore(%arg32 : memref<!tpu.dma_semaphore, #tpu.memory_space<semaphore_mem>>)
    %dma_start3A_24 = tpu.memref_slice %arg7[%add3A_14] : memref<3200000xi32, #tpu.memory_space<hbm>> -> memref<2000xi32, #tpu.memory_space<hbm>>
    %dma_start3A_25 = tpu.memref_slice %arg7[%add3A_14] : memref<3200000xi32, #tpu.memory_space<hbm>> -> memref<2000xi32, #tpu.memory_space<hbm>>
    tpu.enqueue_dma source(%dma_start3A_25 : memref<2000xi32, #tpu.memory_space<hbm>>) target(%arg19 : memref<2000xi32, #tpu.memory_space<vmem>>) target_semaphore(%arg32 : memref<!tpu.dma_semaphore, #tpu.memory_space<semaphore_mem>>)
    %scan3A_26 = arith.constant 0 : i32
    %scan3A_27 = arith.constant 0 : i32
    %scan3A_28 = arith.constant 25 : i32
    %scan3A_29 = arith.addi %scan3A_27, %scan3A_28 : i32
    %scan3A_30 = arith.constant 1 : i32
    scf.for %scan3A_32 = %scan3A_27 to %scan3A_29 step %scan3A_30  : i32 {
      %mul3A_33 = arith.constant 2 : i32
      %mul3A_34 = arith.muli %scan3A_32, %mul3A_33 : i32
      %add3A_35 = arith.constant 0 : i32
      %add3A_36 = arith.addi %mul3A_34, %add3A_35 : i32
      %dma_wait3A = arith.constant 0 : i32
      %dma_wait3A_37 = tpu.memref_slice %arg2[%dma_wait3A] : memref<3200000xf32, #tpu.memory_space<hbm>> -> memref<2000xf32, #tpu.memory_space<hbm>>
      %dma_wait3A_38 = arith.constant 0 : i32
      %dma_wait3A_39 = tpu.memref_slice %arg2[%dma_wait3A_38] : memref<3200000xf32, #tpu.memory_space<hbm>> -> memref<2000xf32, #tpu.memory_space<hbm>>
      tpu.wait_dma2 semaphore(%arg32 : memref<!tpu.dma_semaphore, #tpu.memory_space<semaphore_mem>>) src(%dma_wait3A_39 : memref<2000xf32, #tpu.memory_space<hbm>>) dst(%arg14 : memref<2000xf32, #tpu.memory_space<vmem>>)
      %dma_wait3A_40 = arith.constant 0 : i32
      %dma_wait3A_41 = tpu.memref_slice %arg3[%dma_wait3A_40] : memref<3200000xf32, #tpu.memory_space<hbm>> -> memref<2000xf32, #tpu.memory_space<hbm>>
      %dma_wait3A_42 = arith.constant 0 : i32
      %dma_wait3A_43 = tpu.memref_slice %arg3[%dma_wait3A_42] : memref<3200000xf32, #tpu.memory_space<hbm>> -> memref<2000xf32, #tpu.memory_space<hbm>>
      tpu.wait_dma2 semaphore(%arg32 : memref<!tpu.dma_semaphore, #tpu.memory_space<semaphore_mem>>) src(%dma_wait3A_43 : memref<2000xf32, #tpu.memory_space<hbm>>) dst(%arg15 : memref<2000xf32, #tpu.memory_space<vmem>>)
      %dma_wait3A_44 = arith.constant 0 : i32
      %dma_wait3A_45 = tpu.memref_slice %arg4[%dma_wait3A_44] : memref<3200000xf32, #tpu.memory_space<hbm>> -> memref<2000xf32, #tpu.memory_space<hbm>>
      %dma_wait3A_46 = arith.constant 0 : i32
      %dma_wait3A_47 = tpu.memref_slice %arg4[%dma_wait3A_46] : memref<3200000xf32, #tpu.memory_space<hbm>> -> memref<2000xf32, #tpu.memory_space<hbm>>
      tpu.wait_dma2 semaphore(%arg32 : memref<!tpu.dma_semaphore, #tpu.memory_space<semaphore_mem>>) src(%dma_wait3A_47 : memref<2000xf32, #tpu.memory_space<hbm>>) dst(%arg16 : memref<2000xf32, #tpu.memory_space<vmem>>)
      %dma_wait3A_48 = arith.constant 0 : i32
      %dma_wait3A_49 = tpu.memref_slice %arg5[%dma_wait3A_48] : memref<3200000xf32, #tpu.memory_space<hbm>> -> memref<2000xf32, #tpu.memory_space<hbm>>
      %dma_wait3A_50 = arith.constant 0 : i32
      %dma_wait3A_51 = tpu.memref_slice %arg5[%dma_wait3A_50] : memref<3200000xf32, #tpu.memory_space<hbm>> -> memref<2000xf32, #tpu.memory_space<hbm>>
      tpu.wait_dma2 semaphore(%arg32 : memref<!tpu.dma_semaphore, #tpu.memory_space<semaphore_mem>>) src(%dma_wait3A_51 : memref<2000xf32, #tpu.memory_space<hbm>>) dst(%arg17 : memref<2000xf32, #tpu.memory_space<vmem>>)
      %dma_wait3A_52 = arith.constant 0 : i32
      %dma_wait3A_53 = tpu.memref_slice %arg6[%dma_wait3A_52] : memref<3200000xf32, #tpu.memory_space<hbm>> -> memref<2000xf32, #tpu.memory_space<hbm>>
      %dma_wait3A_54 = arith.constant 0 : i32
      %dma_wait3A_55 = tpu.memref_slice %arg6[%dma_wait3A_54] : memref<3200000xf32, #tpu.memory_space<hbm>> -> memref<2000xf32, #tpu.memory_space<hbm>>
      tpu.wait_dma2 semaphore(%arg32 : memref<!tpu.dma_semaphore, #tpu.memory_space<semaphore_mem>>) src(%dma_wait3A_55 : memref<2000xf32, #tpu.memory_space<hbm>>) dst(%arg18 : memref<2000xf32, #tpu.memory_space<vmem>>)
      %dma_wait3A_56 = arith.constant 0 : i32
      %dma_wait3A_57 = tpu.memref_slice %arg7[%dma_wait3A_56] : memref<3200000xi32, #tpu.memory_space<hbm>> -> memref<2000xi32, #tpu.memory_space<hbm>>
      %dma_wait3A_58 = arith.constant 0 : i32
      %dma_wait3A_59 = tpu.memref_slice %arg7[%dma_wait3A_58] : memref<3200000xi32, #tpu.memory_space<hbm>> -> memref<2000xi32, #tpu.memory_space<hbm>>
      tpu.wait_dma2 semaphore(%arg32 : memref<!tpu.dma_semaphore, #tpu.memory_space<semaphore_mem>>) src(%dma_wait3A_59 : memref<2000xi32, #tpu.memory_space<hbm>>) dst(%arg19 : memref<2000xi32, #tpu.memory_space<vmem>>)
      %add3A_60 = arith.constant 1 : i32
      %add3A_61 = arith.addi %add3A_36, %add3A_60 : i32
      %lt3A = arith.constant 50 : i32
      %lt3A_62 = arith.cmpi slt, %add3A_61, %lt3A : i32
      %convert_element_type3A = arith.extui %lt3A_62 : i1 to i32
      %cond3A = arith.constant 0 : i32
      %cond3A_63 = arith.cmpi ne, %convert_element_type3A, %cond3A : i32
      scf.if %cond3A_63 {
        %add3A_117 = arith.constant 1 : i32
        %add3A_118 = arith.addi %add3A_36, %add3A_117 : i32
        %mul3A_119 = arith.constant 2000 : i32
        %mul3A_120 = arith.muli %add3A_118, %mul3A_119 : i32
        %add3A_121 = arith.addi %mul3A_2, %mul3A_120 : i32
        %dma_start3A_122 = tpu.memref_slice %arg2[%add3A_121] : memref<3200000xf32, #tpu.memory_space<hbm>> -> memref<2000xf32, #tpu.memory_space<hbm>>
        %dma_start3A_123 = tpu.memref_slice %arg2[%add3A_121] : memref<3200000xf32, #tpu.memory_space<hbm>> -> memref<2000xf32, #tpu.memory_space<hbm>>
        tpu.enqueue_dma source(%dma_start3A_123 : memref<2000xf32, #tpu.memory_space<hbm>>) target(%arg20 : memref<2000xf32, #tpu.memory_space<vmem>>) target_semaphore(%arg33 : memref<!tpu.dma_semaphore, #tpu.memory_space<semaphore_mem>>)
        %dma_start3A_124 = tpu.memref_slice %arg3[%add3A_121] : memref<3200000xf32, #tpu.memory_space<hbm>> -> memref<2000xf32, #tpu.memory_space<hbm>>
        %dma_start3A_125 = tpu.memref_slice %arg3[%add3A_121] : memref<3200000xf32, #tpu.memory_space<hbm>> -> memref<2000xf32, #tpu.memory_space<hbm>>
        tpu.enqueue_dma source(%dma_start3A_125 : memref<2000xf32, #tpu.memory_space<hbm>>) target(%arg21 : memref<2000xf32, #tpu.memory_space<vmem>>) target_semaphore(%arg33 : memref<!tpu.dma_semaphore, #tpu.memory_space<semaphore_mem>>)
        %dma_start3A_126 = tpu.memref_slice %arg4[%add3A_121] : memref<3200000xf32, #tpu.memory_space<hbm>> -> memref<2000xf32, #tpu.memory_space<hbm>>
        %dma_start3A_127 = tpu.memref_slice %arg4[%add3A_121] : memref<3200000xf32, #tpu.memory_space<hbm>> -> memref<2000xf32, #tpu.memory_space<hbm>>
        tpu.enqueue_dma source(%dma_start3A_127 : memref<2000xf32, #tpu.memory_space<hbm>>) target(%arg22 : memref<2000xf32, #tpu.memory_space<vmem>>) target_semaphore(%arg33 : memref<!tpu.dma_semaphore, #tpu.memory_space<semaphore_mem>>)
        %dma_start3A_128 = tpu.memref_slice %arg5[%add3A_121] : memref<3200000xf32, #tpu.memory_space<hbm>> -> memref<2000xf32, #tpu.memory_space<hbm>>
        %dma_start3A_129 = tpu.memref_slice %arg5[%add3A_121] : memref<3200000xf32, #tpu.memory_space<hbm>> -> memref<2000xf32, #tpu.memory_space<hbm>>
        tpu.enqueue_dma source(%dma_start3A_129 : memref<2000xf32, #tpu.memory_space<hbm>>) target(%arg23 : memref<2000xf32, #tpu.memory_space<vmem>>) target_semaphore(%arg33 : memref<!tpu.dma_semaphore, #tpu.memory_space<semaphore_mem>>)
        %dma_start3A_130 = tpu.memref_slice %arg6[%add3A_121] : memref<3200000xf32, #tpu.memory_space<hbm>> -> memref<2000xf32, #tpu.memory_space<hbm>>
        %dma_start3A_131 = tpu.memref_slice %arg6[%add3A_121] : memref<3200000xf32, #tpu.memory_space<hbm>> -> memref<2000xf32, #tpu.memory_space<hbm>>
        tpu.enqueue_dma source(%dma_start3A_131 : memref<2000xf32, #tpu.memory_space<hbm>>) target(%arg24 : memref<2000xf32, #tpu.memory_space<vmem>>) target_semaphore(%arg33 : memref<!tpu.dma_semaphore, #tpu.memory_space<semaphore_mem>>)
        %dma_start3A_132 = tpu.memref_slice %arg7[%add3A_121] : memref<3200000xi32, #tpu.memory_space<hbm>> -> memref<2000xi32, #tpu.memory_space<hbm>>
        %dma_start3A_133 = tpu.memref_slice %arg7[%add3A_121] : memref<3200000xi32, #tpu.memory_space<hbm>> -> memref<2000xi32, #tpu.memory_space<hbm>>
        tpu.enqueue_dma source(%dma_start3A_133 : memref<2000xi32, #tpu.memory_space<hbm>>) target(%arg25 : memref<2000xi32, #tpu.memory_space<vmem>>) target_semaphore(%arg33 : memref<!tpu.dma_semaphore, #tpu.memory_space<semaphore_mem>>)
      } else {
      }
      %mul3A_64 = arith.constant 2000 : i32
      %mul3A_65 = arith.muli %add3A_36, %mul3A_64 : i32
      %add3A_66 = arith.addi %mul3A_2, %mul3A_65 : i32
      %scan3A_67 = arith.constant 0 : i32
      %scan3A_68 = arith.constant 0 : i32
      %scan3A_69 = arith.constant 125 : i32
      %scan3A_70 = arith.addi %scan3A_68, %scan3A_69 : i32
      %scan3A_71 = arith.constant 1 : i32
      scf.for %scan3A_117 = %scan3A_68 to %scan3A_70 step %scan3A_71  : i32 {
        %mul3A_118 = arith.constant 16 : i32
        %mul3A_119 = arith.muli %scan3A_117, %mul3A_118 : i32
        %get3A = arith.index_cast %mul3A_119 : i32 to index
        %get3A_120 = tpu.vector_load %arg19[%get3A] {strides = array<i32>} : memref<2000xi32, #tpu.memory_space<vmem>>, vector<16xi32>,
        %get3A_121 = arith.index_cast %mul3A_119 : i32 to index
        %get3A_122 = tpu.vector_load %arg14[%get3A_121] {strides = array<i32>} : memref<2000xf32, #tpu.memory_space<vmem>>, vector<16xf32>,
        %get3A_123 = arith.index_cast %mul3A_119 : i32 to index
        %get3A_124 = tpu.vector_load %arg15[%get3A_123] {strides = array<i32>} : memref<2000xf32, #tpu.memory_space<vmem>>, vector<16xf32>,
        %get3A_125 = arith.index_cast %mul3A_119 : i32 to index
        %get3A_126 = tpu.vector_load %arg16[%get3A_125] {strides = array<i32>} : memref<2000xf32, #tpu.memory_space<vmem>>, vector<16xf32>,
        %get3A_127 = arith.index_cast %mul3A_119 : i32 to index
        %get3A_128 = tpu.vector_load %arg17[%get3A_127] {strides = array<i32>} : memref<2000xf32, #tpu.memory_space<vmem>>, vector<16xf32>,
        %get3A_129 = arith.index_cast %mul3A_119 : i32 to index
        %get3A_130 = tpu.vector_load %arg18[%get3A_129] {strides = array<i32>} : memref<2000xf32, #tpu.memory_space<vmem>>, vector<16xf32>,
        %lt3A_131 = arith.cmpf olt, %get3A_122, %broadcast_in_dim3A_3 : vector<16xf32>
        %add3A_132 = arith.addi %add3A_66, %mul3A_119 : i32
        %add3A_133 = vector.broadcast %add3A_132 : i32 to vector<16xi32>
        %add3A_134 = arith.addi %add3A_133, %iota3A : vector<16xi32>
        %select_n3A = arith.select %lt3A_131, %add3A_134, %broadcast_in_dim3A_5 : vector<16xi1>, vector<16xi32>
        %sub3A = arith.constant 1 : i32
        %sub3A_135 = vector.broadcast %sub3A : i32 to vector<16xi32>
        %sub3A_136 = arith.subi %iota3A, %sub3A_135 : vector<16xi32>
        %max3A = arith.constant 0 : i32
        %max3A_137 = vector.broadcast %max3A : i32 to vector<16xi32>
        %max3A_138 = arith.maxsi %sub3A_136, %max3A_137 : vector<16xi32>
        %lt3A_139 = arith.constant 0 : i32
        %lt3A_140 = vector.broadcast %lt3A_139 : i32 to vector<16xi32>
        %lt3A_141 = arith.cmpi slt, %max3A_138, %lt3A_140 : vector<16xi32>
        %add3A_142 = arith.constant 16 : i32
        %add3A_143 = vector.broadcast %add3A_142 : i32 to vector<16xi32>
        %add3A_144 = arith.addi %max3A_138, %add3A_143 : vector<16xi32>
        %select_n3A_145 = arith.select %lt3A_141, %add3A_144, %max3A_138 : vector<16xi1>, vector<16xi32>
        %broadcast_in_dim3A_146 = vector.shape_cast %select_n3A_145 : vector<16xi32> to vector<16x1xi32>
        %gather3A = vector.shape_cast %broadcast_in_dim3A_146 : vector<16x1xi32> to vector<16xi32>
        %gather3A_147 = tpu.dynamic_gather %get3A_120[%gather3A] in [0] : vector<16xi32>, vector<16xi32> -> vector<16xi32>
        %lt3A_148 = arith.constant 0 : i32
        %lt3A_149 = vector.broadcast %lt3A_148 : i32 to vector<16xi32>
        %lt3A_150 = arith.cmpi slt, %max3A_138, %lt3A_149 : vector<16xi32>
        %add3A_151 = arith.constant 16 : i32
        %add3A_152 = vector.broadcast %add3A_151 : i32 to vector<16xi32>
        %add3A_153 = arith.addi %max3A_138, %add3A_152 : vector<16xi32>
        %select_n3A_154 = arith.select %lt3A_150, %add3A_153, %max3A_138 : vector<16xi1>, vector<16xi32>
        %broadcast_in_dim3A_155 = vector.shape_cast %select_n3A_154 : vector<16xi32> to vector<16x1xi32>
        %gather3A_156 = vector.shape_cast %broadcast_in_dim3A_155 : vector<16x1xi32> to vector<16xi32>
        %gather3A_157 = tpu.dynamic_gather %get3A_122[%gather3A_156] in [0] : vector<16xf32>, vector<16xi32> -> vector<16xf32>
        %lt3A_158 = arith.constant 0 : i32
        %lt3A_159 = vector.broadcast %lt3A_158 : i32 to vector<16xi32>
        %lt3A_160 = arith.cmpi slt, %max3A_138, %lt3A_159 : vector<16xi32>
        %add3A_161 = arith.constant 16 : i32
        %add3A_162 = vector.broadcast %add3A_161 : i32 to vector<16xi32>
        %add3A_163 = arith.addi %max3A_138, %add3A_162 : vector<16xi32>
        %select_n3A_164 = arith.select %lt3A_160, %add3A_163, %max3A_138 : vector<16xi1>, vector<16xi32>
        %broadcast_in_dim3A_165 = vector.shape_cast %select_n3A_164 : vector<16xi32> to vector<16x1xi32>
        %gather3A_166 = vector.shape_cast %broadcast_in_dim3A_165 : vector<16x1xi32> to vector<16xi32>
        %gather3A_167 = tpu.dynamic_gather %select_n3A[%gather3A_166] in [0] : vector<16xi32>, vector<16xi32> -> vector<16xi32>
        %eq3A = arith.cmpi eq, %gather3A_147, %get3A_120 : vector<16xi32>
        %lt3A_168 = arith.cmpf olt, %gather3A_157, %get3A_122 : vector<16xf32>
        %eq3A_169 = arith.cmpf oeq, %gather3A_157, %get3A_122 : vector<16xf32>
        %lt3A_170 = arith.cmpi slt, %gather3A_167, %select_n3A : vector<16xi32>
        %and3A = arith.andi %eq3A_169, %lt3A_170 : vector<16xi1>
        %or3A = arith.ori %lt3A_168, %and3A : vector<16xi1>
        %and3A_171 = arith.andi %eq3A, %or3A : vector<16xi1>
        %select_n3A_172 = arith.select %and3A_171, %gather3A_157, %get3A_122 : vector<16xi1>, vector<16xf32>
        %select_n3A_173 = arith.select %and3A_171, %gather3A_167, %select_n3A : vector<16xi1>, vector<16xi32>
        %sub3A_174 = arith.constant 2 : i32
        %sub3A_175 = vector.broadcast %sub3A_174 : i32 to vector<16xi32>
        %sub3A_176 = arith.subi %iota3A, %sub3A_175 : vector<16xi32>
        %max3A_177 = arith.constant 0 : i32
        %max3A_178 = vector.broadcast %max3A_177 : i32 to vector<16xi32>
        %max3A_179 = arith.maxsi %sub3A_176, %max3A_178 : vector<16xi32>
        %lt3A_180 = arith.constant 0 : i32
        %lt3A_181 = vector.broadcast %lt3A_180 : i32 to vector<16xi32>
        %lt3A_182 = arith.cmpi slt, %max3A_179, %lt3A_181 : vector<16xi32>
        %add3A_183 = arith.constant 16 : i32
        %add3A_184 = vector.broadcast %add3A_183 : i32 to vector<16xi32>
        %add3A_185 = arith.addi %max3A_179, %add3A_184 : vector<16xi32>
        %select_n3A_186 = arith.select %lt3A_182, %add3A_185, %max3A_179 : vector<16xi1>, vector<16xi32>
        %broadcast_in_dim3A_187 = vector.shape_cast %select_n3A_186 : vector<16xi32> to vector<16x1xi32>
        %gather3A_188 = vector.shape_cast %broadcast_in_dim3A_187 : vector<16x1xi32> to vector<16xi32>
        %gather3A_189 = tpu.dynamic_gather %get3A_120[%gather3A_188] in [0] : vector<16xi32>, vector<16xi32> -> vector<16xi32>
        %lt3A_190 = arith.constant 0 : i32
        %lt3A_191 = vector.broadcast %lt3A_190 : i32 to vector<16xi32>
        %lt3A_192 = arith.cmpi slt, %max3A_179, %lt3A_191 : vector<16xi32>
        %add3A_193 = arith.constant 16 : i32
        %add3A_194 = vector.broadcast %add3A_193 : i32 to vector<16xi32>
        %add3A_195 = arith.addi %max3A_179, %add3A_194 : vector<16xi32>
        %select_n3A_196 = arith.select %lt3A_192, %add3A_195, %max3A_179 : vector<16xi1>, vector<16xi32>
        %broadcast_in_dim3A_197 = vector.shape_cast %select_n3A_196 : vector<16xi32> to vector<16x1xi32>
        %gather3A_198 = vector.shape_cast %broadcast_in_dim3A_197 : vector<16x1xi32> to vector<16xi32>
        %gather3A_199 = tpu.dynamic_gather %select_n3A_172[%gather3A_198] in [0] : vector<16xf32>, vector<16xi32> -> vector<16xf32>
        %lt3A_200 = arith.constant 0 : i32
        %lt3A_201 = vector.broadcast %lt3A_200 : i32 to vector<16xi32>
        %lt3A_202 = arith.cmpi slt, %max3A_179, %lt3A_201 : vector<16xi32>
        %add3A_203 = arith.constant 16 : i32
        %add3A_204 = vector.broadcast %add3A_203 : i32 to vector<16xi32>
        %add3A_205 = arith.addi %max3A_179, %add3A_204 : vector<16xi32>
        %select_n3A_206 = arith.select %lt3A_202, %add3A_205, %max3A_179 : vector<16xi1>, vector<16xi32>
        %broadcast_in_dim3A_207 = vector.shape_cast %select_n3A_206 : vector<16xi32> to vector<16x1xi32>
        %gather3A_208 = vector.shape_cast %broadcast_in_dim3A_207 : vector<16x1xi32> to vector<16xi32>
        %gather3A_209 = tpu.dynamic_gather %select_n3A_173[%gather3A_208] in [0] : vector<16xi32>, vector<16xi32> -> vector<16xi32>
        %eq3A_210 = arith.cmpi eq, %gather3A_189, %get3A_120 : vector<16xi32>
        %lt3A_211 = arith.cmpf olt, %gather3A_199, %select_n3A_172 : vector<16xf32>
        %eq3A_212 = arith.cmpf oeq, %gather3A_199, %select_n3A_172 : vector<16xf32>
        %lt3A_213 = arith.cmpi slt, %gather3A_209, %select_n3A_173 : vector<16xi32>
        %and3A_214 = arith.andi %eq3A_212, %lt3A_213 : vector<16xi1>
        %or3A_215 = arith.ori %lt3A_211, %and3A_214 : vector<16xi1>
        %and3A_216 = arith.andi %eq3A_210, %or3A_215 : vector<16xi1>
        %select_n3A_217 = arith.select %and3A_216, %gather3A_199, %select_n3A_172 : vector<16xi1>, vector<16xf32>
        %select_n3A_218 = arith.select %and3A_216, %gather3A_209, %select_n3A_173 : vector<16xi1>, vector<16xi32>
        %sub3A_219 = arith.constant 4 : i32
        %sub3A_220 = vector.broadcast %sub3A_219 : i32 to vector<16xi32>
        %sub3A_221 = arith.subi %iota3A, %sub3A_220 : vector<16xi32>
        %max3A_222 = arith.constant 0 : i32
        %max3A_223 = vector.broadcast %max3A_222 : i32 to vector<16xi32>
        %max3A_224 = arith.maxsi %sub3A_221, %max3A_223 : vector<16xi32>
        %lt3A_225 = arith.constant 0 : i32
        %lt3A_226 = vector.broadcast %lt3A_225 : i32 to vector<16xi32>
        %lt3A_227 = arith.cmpi slt, %max3A_224, %lt3A_226 : vector<16xi32>
        %add3A_228 = arith.constant 16 : i32
        %add3A_229 = vector.broadcast %add3A_228 : i32 to vector<16xi32>
        %add3A_230 = arith.addi %max3A_224, %add3A_229 : vector<16xi32>
        %select_n3A_231 = arith.select %lt3A_227, %add3A_230, %max3A_224 : vector<16xi1>, vector<16xi32>
        %broadcast_in_dim3A_232 = vector.shape_cast %select_n3A_231 : vector<16xi32> to vector<16x1xi32>
        %gather3A_233 = vector.shape_cast %broadcast_in_dim3A_232 : vector<16x1xi32> to vector<16xi32>
        %gather3A_234 = tpu.dynamic_gather %get3A_120[%gather3A_233] in [0] : vector<16xi32>, vector<16xi32> -> vector<16xi32>
        %lt3A_235 = arith.constant 0 : i32
        %lt3A_236 = vector.broadcast %lt3A_235 : i32 to vector<16xi32>
        %lt3A_237 = arith.cmpi slt, %max3A_224, %lt3A_236 : vector<16xi32>
        %add3A_238 = arith.constant 16 : i32
        %add3A_239 = vector.broadcast %add3A_238 : i32 to vector<16xi32>
        %add3A_240 = arith.addi %max3A_224, %add3A_239 : vector<16xi32>
        %select_n3A_241 = arith.select %lt3A_237, %add3A_240, %max3A_224 : vector<16xi1>, vector<16xi32>
        %broadcast_in_dim3A_242 = vector.shape_cast %select_n3A_241 : vector<16xi32> to vector<16x1xi32>
        %gather3A_243 = vector.shape_cast %broadcast_in_dim3A_242 : vector<16x1xi32> to vector<16xi32>
        %gather3A_244 = tpu.dynamic_gather %select_n3A_217[%gather3A_243] in [0] : vector<16xf32>, vector<16xi32> -> vector<16xf32>
        %lt3A_245 = arith.constant 0 : i32
        %lt3A_246 = vector.broadcast %lt3A_245 : i32 to vector<16xi32>
        %lt3A_247 = arith.cmpi slt, %max3A_224, %lt3A_246 : vector<16xi32>
        %add3A_248 = arith.constant 16 : i32
        %add3A_249 = vector.broadcast %add3A_248 : i32 to vector<16xi32>
        %add3A_250 = arith.addi %max3A_224, %add3A_249 : vector<16xi32>
        %select_n3A_251 = arith.select %lt3A_247, %add3A_250, %max3A_224 : vector<16xi1>, vector<16xi32>
        %broadcast_in_dim3A_252 = vector.shape_cast %select_n3A_251 : vector<16xi32> to vector<16x1xi32>
        %gather3A_253 = vector.shape_cast %broadcast_in_dim3A_252 : vector<16x1xi32> to vector<16xi32>
        %gather3A_254 = tpu.dynamic_gather %select_n3A_218[%gather3A_253] in [0] : vector<16xi32>, vector<16xi32> -> vector<16xi32>
        %eq3A_255 = arith.cmpi eq, %gather3A_234, %get3A_120 : vector<16xi32>
        %lt3A_256 = arith.cmpf olt, %gather3A_244, %select_n3A_217 : vector<16xf32>
        %eq3A_257 = arith.cmpf oeq, %gather3A_244, %select_n3A_217 : vector<16xf32>
        %lt3A_258 = arith.cmpi slt, %gather3A_254, %select_n3A_218 : vector<16xi32>
        %and3A_259 = arith.andi %eq3A_257, %lt3A_258 : vector<16xi1>
        %or3A_260 = arith.ori %lt3A_256, %and3A_259 : vector<16xi1>
        %and3A_261 = arith.andi %eq3A_255, %or3A_260 : vector<16xi1>
        %select_n3A_262 = arith.select %and3A_261, %gather3A_244, %select_n3A_217 : vector<16xi1>, vector<16xf32>
        %select_n3A_263 = arith.select %and3A_261, %gather3A_254, %select_n3A_218 : vector<16xi1>, vector<16xi32>
        %sub3A_264 = arith.constant 8 : i32
        %sub3A_265 = vector.broadcast %sub3A_264 : i32 to vector<16xi32>
        %sub3A_266 = arith.subi %iota3A, %sub3A_265 : vector<16xi32>
        %max3A_267 = arith.constant 0 : i32
        %max3A_268 = vector.broadcast %max3A_267 : i32 to vector<16xi32>
        %max3A_269 = arith.maxsi %sub3A_266, %max3A_268 : vector<16xi32>
        %lt3A_270 = arith.constant 0 : i32
        %lt3A_271 = vector.broadcast %lt3A_270 : i32 to vector<16xi32>
        %lt3A_272 = arith.cmpi slt, %max3A_269, %lt3A_271 : vector<16xi32>
        %add3A_273 = arith.constant 16 : i32
        %add3A_274 = vector.broadcast %add3A_273 : i32 to vector<16xi32>
        %add3A_275 = arith.addi %max3A_269, %add3A_274 : vector<16xi32>
        %select_n3A_276 = arith.select %lt3A_272, %add3A_275, %max3A_269 : vector<16xi1>, vector<16xi32>
        %broadcast_in_dim3A_277 = vector.shape_cast %select_n3A_276 : vector<16xi32> to vector<16x1xi32>
        %gather3A_278 = vector.shape_cast %broadcast_in_dim3A_277 : vector<16x1xi32> to vector<16xi32>
        %gather3A_279 = tpu.dynamic_gather %get3A_120[%gather3A_278] in [0] : vector<16xi32>, vector<16xi32> -> vector<16xi32>
        %lt3A_280 = arith.constant 0 : i32
        %lt3A_281 = vector.broadcast %lt3A_280 : i32 to vector<16xi32>
        %lt3A_282 = arith.cmpi slt, %max3A_269, %lt3A_281 : vector<16xi32>
        %add3A_283 = arith.constant 16 : i32
        %add3A_284 = vector.broadcast %add3A_283 : i32 to vector<16xi32>
        %add3A_285 = arith.addi %max3A_269, %add3A_284 : vector<16xi32>
        %select_n3A_286 = arith.select %lt3A_282, %add3A_285, %max3A_269 : vector<16xi1>, vector<16xi32>
        %broadcast_in_dim3A_287 = vector.shape_cast %select_n3A_286 : vector<16xi32> to vector<16x1xi32>
        %gather3A_288 = vector.shape_cast %broadcast_in_dim3A_287 : vector<16x1xi32> to vector<16xi32>
        %gather3A_289 = tpu.dynamic_gather %select_n3A_262[%gather3A_288] in [0] : vector<16xf32>, vector<16xi32> -> vector<16xf32>
        %lt3A_290 = arith.constant 0 : i32
        %lt3A_291 = vector.broadcast %lt3A_290 : i32 to vector<16xi32>
        %lt3A_292 = arith.cmpi slt, %max3A_269, %lt3A_291 : vector<16xi32>
        %add3A_293 = arith.constant 16 : i32
        %add3A_294 = vector.broadcast %add3A_293 : i32 to vector<16xi32>
        %add3A_295 = arith.addi %max3A_269, %add3A_294 : vector<16xi32>
        %select_n3A_296 = arith.select %lt3A_292, %add3A_295, %max3A_269 : vector<16xi1>, vector<16xi32>
        %broadcast_in_dim3A_297 = vector.shape_cast %select_n3A_296 : vector<16xi32> to vector<16x1xi32>
        %gather3A_298 = vector.shape_cast %broadcast_in_dim3A_297 : vector<16x1xi32> to vector<16xi32>
        %gather3A_299 = tpu.dynamic_gather %select_n3A_263[%gather3A_298] in [0] : vector<16xi32>, vector<16xi32> -> vector<16xi32>
        %eq3A_300 = arith.cmpi eq, %gather3A_279, %get3A_120 : vector<16xi32>
        %lt3A_301 = arith.cmpf olt, %gather3A_289, %select_n3A_262 : vector<16xf32>
        %eq3A_302 = arith.cmpf oeq, %gather3A_289, %select_n3A_262 : vector<16xf32>
        %lt3A_303 = arith.cmpi slt, %gather3A_299, %select_n3A_263 : vector<16xi32>
        %and3A_304 = arith.andi %eq3A_302, %lt3A_303 : vector<16xi1>
        %or3A_305 = arith.ori %lt3A_301, %and3A_304 : vector<16xi1>
        %and3A_306 = arith.andi %eq3A_300, %or3A_305 : vector<16xi1>
        %select_n3A_307 = arith.select %and3A_306, %gather3A_289, %select_n3A_262 : vector<16xi1>, vector<16xf32>
        %select_n3A_308 = arith.select %and3A_306, %gather3A_299, %select_n3A_263 : vector<16xi1>, vector<16xi32>
        %add3A_309 = arith.constant 1 : i32
        %add3A_310 = vector.broadcast %add3A_309 : i32 to vector<16xi32>
        %add3A_311 = arith.addi %iota3A, %add3A_310 : vector<16xi32>
        %min3A = arith.constant 15 : i32
        %min3A_312 = vector.broadcast %min3A : i32 to vector<16xi32>
        %min3A_313 = arith.minsi %add3A_311, %min3A_312 : vector<16xi32>
        %lt3A_314 = arith.constant 0 : i32
        %lt3A_315 = vector.broadcast %lt3A_314 : i32 to vector<16xi32>
        %lt3A_316 = arith.cmpi slt, %min3A_313, %lt3A_315 : vector<16xi32>
        %add3A_317 = arith.constant 16 : i32
        %add3A_318 = vector.broadcast %add3A_317 : i32 to vector<16xi32>
        %add3A_319 = arith.addi %min3A_313, %add3A_318 : vector<16xi32>
        %select_n3A_320 = arith.select %lt3A_316, %add3A_319, %min3A_313 : vector<16xi1>, vector<16xi32>
        %broadcast_in_dim3A_321 = vector.shape_cast %select_n3A_320 : vector<16xi32> to vector<16x1xi32>
        %gather3A_322 = vector.shape_cast %broadcast_in_dim3A_321 : vector<16x1xi32> to vector<16xi32>
        %gather3A_323 = tpu.dynamic_gather %get3A_120[%gather3A_322] in [0] : vector<16xi32>, vector<16xi32> -> vector<16xi32>
        %ne3A = arith.cmpi ne, %get3A_120, %gather3A_323 : vector<16xi32>
        %eq3A_324 = arith.constant 15 : i32
        %eq3A_325 = vector.broadcast %eq3A_324 : i32 to vector<16xi32>
        %eq3A_326 = arith.cmpi eq, %iota3A, %eq3A_325 : vector<16xi32>
        %or3A_327 = arith.ori %ne3A, %eq3A_326 : vector<16xi1>
        %gather3A_328 = tpu.vector_load_idx %arg26[%get3A_120] : memref<10000xf32, #tpu.memory_space<vmem>>[vector<16xi32>], vector<16xf32>,
        %gather3A_329 = tpu.vector_load_idx %arg27[%get3A_120] : memref<10000xi32, #tpu.memory_space<vmem>>[vector<16xi32>], vector<16xi32>,
        %lt3A_330 = arith.cmpf olt, %select_n3A_307, %gather3A_328 : vector<16xf32>
        %eq3A_331 = arith.cmpf oeq, %select_n3A_307, %gather3A_328 : vector<16xf32>
        %lt3A_332 = arith.cmpi slt, %select_n3A_308, %gather3A_329 : vector<16xi32>
        %and3A_333 = arith.andi %eq3A_331, %lt3A_332 : vector<16xi1>
        %or3A_334 = arith.ori %lt3A_330, %and3A_333 : vector<16xi1>
        %select_n3A_335 = arith.select %or3A_334, %select_n3A_307, %gather3A_328 : vector<16xi1>, vector<16xf32>
        tpu.vector_store_idx %arg26[%get3A_120], %select_n3A_335 masked %or3A_327 : memref<10000xf32, #tpu.memory_space<vmem>>[vector<16xi32>], vector<16xf32>, vector<16xi1>
        %select_n3A_336 = arith.select %or3A_334, %select_n3A_308, %gather3A_329 : vector<16xi1>, vector<16xi32>
        tpu.vector_store_idx %arg27[%get3A_120], %select_n3A_336 masked %or3A_327 : memref<10000xi32, #tpu.memory_space<vmem>>[vector<16xi32>], vector<16xi32>, vector<16xi1>
        %sub3A_337 = arith.constant 1 : i32
        %sub3A_338 = vector.broadcast %sub3A_337 : i32 to vector<16xi32>
        %sub3A_339 = arith.subi %iota3A, %sub3A_338 : vector<16xi32>
        %max3A_340 = arith.constant 0 : i32
        %max3A_341 = vector.broadcast %max3A_340 : i32 to vector<16xi32>
        %max3A_342 = arith.maxsi %sub3A_339, %max3A_341 : vector<16xi32>
        %lt3A_343 = arith.constant 0 : i32
        %lt3A_344 = vector.broadcast %lt3A_343 : i32 to vector<16xi32>
        %lt3A_345 = arith.cmpi slt, %max3A_342, %lt3A_344 : vector<16xi32>
        %add3A_346 = arith.constant 16 : i32
        %add3A_347 = vector.broadcast %add3A_346 : i32 to vector<16xi32>
        %add3A_348 = arith.addi %max3A_342, %add3A_347 : vector<16xi32>
        %select_n3A_349 = arith.select %lt3A_345, %add3A_348, %max3A_342 : vector<16xi1>, vector<16xi32>
        %broadcast_in_dim3A_350 = vector.shape_cast %select_n3A_349 : vector<16xi32> to vector<16x1xi32>
        %gather3A_351 = vector.shape_cast %broadcast_in_dim3A_350 : vector<16x1xi32> to vector<16xi32>
        %gather3A_352 = tpu.dynamic_gather %get3A_120[%gather3A_351] in [0] : vector<16xi32>, vector<16xi32> -> vector<16xi32>
        %ne3A_353 = arith.cmpi ne, %get3A_120, %gather3A_352 : vector<16xi32>
        %eq3A_354 = arith.constant 0 : i32
        %eq3A_355 = vector.broadcast %eq3A_354 : i32 to vector<16xi32>
        %eq3A_356 = arith.cmpi eq, %iota3A, %eq3A_355 : vector<16xi32>
        %or3A_357 = arith.ori %ne3A_353, %eq3A_356 : vector<16xi1>
        %jit3A = arith.constant 0 : i32
        %broadcast_in_dim3A_358 = vector.broadcast %jit3A : i32 to vector<16xi32>
        %select_n3A_359 = arith.select %or3A_357, %iota3A, %broadcast_in_dim3A_358 : vector<16xi1>, vector<16xi32>
        %broadcast_in_dim3A_360 = arith.constant true
        %broadcast_in_dim3A_361 = vector.broadcast %broadcast_in_dim3A_360 : i1 to vector<16xi1>
        %masked_cummax3A = arith.constant -2147483648 : i32
        %masked_cummax3A_362 = vector.broadcast %masked_cummax3A : i32 to vector<16xi32>
        %masked_cummax3A_363 = arith.xori %select_n3A_359, %masked_cummax3A_362 : vector<16xi32>
        %masked_cummax3A_364 = tpu.scan <max>, %masked_cummax3A_363 masked %broadcast_in_dim3A_361 : vector<16xi32>, vector<16xi1> -> vector<16xi32>
        %masked_cummax3A_365 = arith.xori %masked_cummax3A_364, %masked_cummax3A_362 : vector<16xi32>
        %mul3A_366 = arith.mulf %get3A_126, %get3A_124 : vector<16xf32>
        %broadcast_in_dim3A_367 = arith.constant true
        %broadcast_in_dim3A_368 = vector.broadcast %broadcast_in_dim3A_367 : i1 to vector<16xi1>
        %masked_cumsum3A = tpu.scan <sum>, %mul3A_366 masked %broadcast_in_dim3A_368 : vector<16xf32>, vector<16xi1> -> vector<16xf32>
        %sub3A_369 = arith.subf %masked_cumsum3A, %mul3A_366 : vector<16xf32>
        %lt3A_370 = arith.constant 0 : i32
        %lt3A_371 = vector.broadcast %lt3A_370 : i32 to vector<16xi32>
        %lt3A_372 = arith.cmpi slt, %masked_cummax3A_365, %lt3A_371 : vector<16xi32>
        %add3A_373 = arith.constant 16 : i32
        %add3A_374 = vector.broadcast %add3A_373 : i32 to vector<16xi32>
        %add3A_375 = arith.addi %masked_cummax3A_365, %add3A_374 : vector<16xi32>
        %select_n3A_376 = arith.select %lt3A_372, %add3A_375, %masked_cummax3A_365 : vector<16xi1>, vector<16xi32>
        %broadcast_in_dim3A_377 = vector.shape_cast %select_n3A_376 : vector<16xi32> to vector<16x1xi32>
        %gather3A_378 = vector.shape_cast %broadcast_in_dim3A_377 : vector<16x1xi32> to vector<16xi32>
        %gather3A_379 = tpu.dynamic_gather %sub3A_369[%gather3A_378] in [0] : vector<16xf32>, vector<16xi32> -> vector<16xf32>
        %sub3A_380 = arith.subf %masked_cumsum3A, %gather3A_379 : vector<16xf32>
        tpu.vector_store_idx %arg28[%get3A_120], %sub3A_380 masked %or3A_327 {add = true} : memref<10000xf32, #tpu.memory_space<vmem>>[vector<16xi32>], vector<16xf32>, vector<16xi1>
        %mul3A_381 = arith.mulf %get3A_128, %get3A_124 : vector<16xf32>
        %broadcast_in_dim3A_382 = arith.constant true
        %broadcast_in_dim3A_383 = vector.broadcast %broadcast_in_dim3A_382 : i1 to vector<16xi1>
        %masked_cumsum3A_384 = tpu.scan <sum>, %mul3A_381 masked %broadcast_in_dim3A_383 : vector<16xf32>, vector<16xi1> -> vector<16xf32>
        %sub3A_385 = arith.subf %masked_cumsum3A_384, %mul3A_381 : vector<16xf32>
        %lt3A_386 = arith.constant 0 : i32
        %lt3A_387 = vector.broadcast %lt3A_386 : i32 to vector<16xi32>
        %lt3A_388 = arith.cmpi slt, %masked_cummax3A_365, %lt3A_387 : vector<16xi32>
        %add3A_389 = arith.constant 16 : i32
        %add3A_390 = vector.broadcast %add3A_389 : i32 to vector<16xi32>
        %add3A_391 = arith.addi %masked_cummax3A_365, %add3A_390 : vector<16xi32>
        %select_n3A_392 = arith.select %lt3A_388, %add3A_391, %masked_cummax3A_365 : vector<16xi1>, vector<16xi32>
        %broadcast_in_dim3A_393 = vector.shape_cast %select_n3A_392 : vector<16xi32> to vector<16x1xi32>
        %gather3A_394 = vector.shape_cast %broadcast_in_dim3A_393 : vector<16x1xi32> to vector<16xi32>
        %gather3A_395 = tpu.dynamic_gather %sub3A_385[%gather3A_394] in [0] : vector<16xf32>, vector<16xi32> -> vector<16xf32>
        %sub3A_396 = arith.subf %masked_cumsum3A_384, %gather3A_395 : vector<16xf32>
        tpu.vector_store_idx %arg29[%get3A_120], %sub3A_396 masked %or3A_327 {add = true} : memref<10000xf32, #tpu.memory_space<vmem>>[vector<16xi32>], vector<16xf32>, vector<16xi1>
        %mul3A_397 = arith.mulf %get3A_130, %get3A_124 : vector<16xf32>
        %broadcast_in_dim3A_398 = arith.constant true
        %broadcast_in_dim3A_399 = vector.broadcast %broadcast_in_dim3A_398 : i1 to vector<16xi1>
        %masked_cumsum3A_400 = tpu.scan <sum>, %mul3A_397 masked %broadcast_in_dim3A_399 : vector<16xf32>, vector<16xi1> -> vector<16xf32>
        %sub3A_401 = arith.subf %masked_cumsum3A_400, %mul3A_397 : vector<16xf32>
        %lt3A_402 = arith.constant 0 : i32
        %lt3A_403 = vector.broadcast %lt3A_402 : i32 to vector<16xi32>
        %lt3A_404 = arith.cmpi slt, %masked_cummax3A_365, %lt3A_403 : vector<16xi32>
        %add3A_405 = arith.constant 16 : i32
        %add3A_406 = vector.broadcast %add3A_405 : i32 to vector<16xi32>
        %add3A_407 = arith.addi %masked_cummax3A_365, %add3A_406 : vector<16xi32>
        %select_n3A_408 = arith.select %lt3A_404, %add3A_407, %masked_cummax3A_365 : vector<16xi1>, vector<16xi32>
        %broadcast_in_dim3A_409 = vector.shape_cast %select_n3A_408 : vector<16xi32> to vector<16x1xi32>
        %gather3A_410 = vector.shape_cast %broadcast_in_dim3A_409 : vector<16x1xi32> to vector<16xi32>
        %gather3A_411 = tpu.dynamic_gather %sub3A_401[%gather3A_410] in [0] : vector<16xf32>, vector<16xi32> -> vector<16xf32>
        %sub3A_412 = arith.subf %masked_cumsum3A_400, %gather3A_411 : vector<16xf32>
        tpu.vector_store_idx %arg30[%get3A_120], %sub3A_412 masked %or3A_327 {add = true} : memref<10000xf32, #tpu.memory_space<vmem>>[vector<16xi32>], vector<16xf32>, vector<16xi1>
        %broadcast_in_dim3A_413 = arith.constant true
        %broadcast_in_dim3A_414 = vector.broadcast %broadcast_in_dim3A_413 : i1 to vector<16xi1>
        %masked_cumsum3A_415 = tpu.scan <sum>, %get3A_124 masked %broadcast_in_dim3A_414 : vector<16xf32>, vector<16xi1> -> vector<16xf32>
        %sub3A_416 = arith.subf %masked_cumsum3A_415, %get3A_124 : vector<16xf32>
        %lt3A_417 = arith.constant 0 : i32
        %lt3A_418 = vector.broadcast %lt3A_417 : i32 to vector<16xi32>
        %lt3A_419 = arith.cmpi slt, %masked_cummax3A_365, %lt3A_418 : vector<16xi32>
        %add3A_420 = arith.constant 16 : i32
        %add3A_421 = vector.broadcast %add3A_420 : i32 to vector<16xi32>
        %add3A_422 = arith.addi %masked_cummax3A_365, %add3A_421 : vector<16xi32>
        %select_n3A_423 = arith.select %lt3A_419, %add3A_422, %masked_cummax3A_365 : vector<16xi1>, vector<16xi32>
        %broadcast_in_dim3A_424 = vector.shape_cast %select_n3A_423 : vector<16xi32> to vector<16x1xi32>
        %gather3A_425 = vector.shape_cast %broadcast_in_dim3A_424 : vector<16x1xi32> to vector<16xi32>
        %gather3A_426 = tpu.dynamic_gather %sub3A_416[%gather3A_425] in [0] : vector<16xf32>, vector<16xi32> -> vector<16xf32>
        %sub3A_427 = arith.subf %masked_cumsum3A_415, %gather3A_426 : vector<16xf32>
        tpu.vector_store_idx %arg31[%get3A_120], %sub3A_427 masked %or3A_327 {add = true} : memref<10000xf32, #tpu.memory_space<vmem>>[vector<16xi32>], vector<16xf32>, vector<16xi1>
      }
      %scan3A_72 = arith.constant 125 : i32
      %mul3A_73 = arith.constant 2 : i32
      %mul3A_74 = arith.muli %scan3A_32, %mul3A_73 : i32
      %add3A_75 = arith.constant 1 : i32
      %add3A_76 = arith.addi %mul3A_74, %add3A_75 : i32
      %dma_wait3A_77 = arith.constant 0 : i32
      %dma_wait3A_78 = tpu.memref_slice %arg2[%dma_wait3A_77] : memref<3200000xf32, #tpu.memory_space<hbm>> -> memref<2000xf32, #tpu.memory_space<hbm>>
      %dma_wait3A_79 = arith.constant 0 : i32
      %dma_wait3A_80 = tpu.memref_slice %arg2[%dma_wait3A_79] : memref<3200000xf32, #tpu.memory_space<hbm>> -> memref<2000xf32, #tpu.memory_space<hbm>>
      tpu.wait_dma2 semaphore(%arg33 : memref<!tpu.dma_semaphore, #tpu.memory_space<semaphore_mem>>) src(%dma_wait3A_80 : memref<2000xf32, #tpu.memory_space<hbm>>) dst(%arg20 : memref<2000xf32, #tpu.memory_space<vmem>>)
      %dma_wait3A_81 = arith.constant 0 : i32
      %dma_wait3A_82 = tpu.memref_slice %arg3[%dma_wait3A_81] : memref<3200000xf32, #tpu.memory_space<hbm>> -> memref<2000xf32, #tpu.memory_space<hbm>>
      %dma_wait3A_83 = arith.constant 0 : i32
      %dma_wait3A_84 = tpu.memref_slice %arg3[%dma_wait3A_83] : memref<3200000xf32, #tpu.memory_space<hbm>> -> memref<2000xf32, #tpu.memory_space<hbm>>
      tpu.wait_dma2 semaphore(%arg33 : memref<!tpu.dma_semaphore, #tpu.memory_space<semaphore_mem>>) src(%dma_wait3A_84 : memref<2000xf32, #tpu.memory_space<hbm>>) dst(%arg21 : memref<2000xf32, #tpu.memory_space<vmem>>)
      %dma_wait3A_85 = arith.constant 0 : i32
      %dma_wait3A_86 = tpu.memref_slice %arg4[%dma_wait3A_85] : memref<3200000xf32, #tpu.memory_space<hbm>> -> memref<2000xf32, #tpu.memory_space<hbm>>
      %dma_wait3A_87 = arith.constant 0 : i32
      %dma_wait3A_88 = tpu.memref_slice %arg4[%dma_wait3A_87] : memref<3200000xf32, #tpu.memory_space<hbm>> -> memref<2000xf32, #tpu.memory_space<hbm>>
      tpu.wait_dma2 semaphore(%arg33 : memref<!tpu.dma_semaphore, #tpu.memory_space<semaphore_mem>>) src(%dma_wait3A_88 : memref<2000xf32, #tpu.memory_space<hbm>>) dst(%arg22 : memref<2000xf32, #tpu.memory_space<vmem>>)
      %dma_wait3A_89 = arith.constant 0 : i32
      %dma_wait3A_90 = tpu.memref_slice %arg5[%dma_wait3A_89] : memref<3200000xf32, #tpu.memory_space<hbm>> -> memref<2000xf32, #tpu.memory_space<hbm>>
      %dma_wait3A_91 = arith.constant 0 : i32
      %dma_wait3A_92 = tpu.memref_slice %arg5[%dma_wait3A_91] : memref<3200000xf32, #tpu.memory_space<hbm>> -> memref<2000xf32, #tpu.memory_space<hbm>>
      tpu.wait_dma2 semaphore(%arg33 : memref<!tpu.dma_semaphore, #tpu.memory_space<semaphore_mem>>) src(%dma_wait3A_92 : memref<2000xf32, #tpu.memory_space<hbm>>) dst(%arg23 : memref<2000xf32, #tpu.memory_space<vmem>>)
      %dma_wait3A_93 = arith.constant 0 : i32
      %dma_wait3A_94 = tpu.memref_slice %arg6[%dma_wait3A_93] : memref<3200000xf32, #tpu.memory_space<hbm>> -> memref<2000xf32, #tpu.memory_space<hbm>>
      %dma_wait3A_95 = arith.constant 0 : i32
      %dma_wait3A_96 = tpu.memref_slice %arg6[%dma_wait3A_95] : memref<3200000xf32, #tpu.memory_space<hbm>> -> memref<2000xf32, #tpu.memory_space<hbm>>
      tpu.wait_dma2 semaphore(%arg33 : memref<!tpu.dma_semaphore, #tpu.memory_space<semaphore_mem>>) src(%dma_wait3A_96 : memref<2000xf32, #tpu.memory_space<hbm>>) dst(%arg24 : memref<2000xf32, #tpu.memory_space<vmem>>)
      %dma_wait3A_97 = arith.constant 0 : i32
      %dma_wait3A_98 = tpu.memref_slice %arg7[%dma_wait3A_97] : memref<3200000xi32, #tpu.memory_space<hbm>> -> memref<2000xi32, #tpu.memory_space<hbm>>
      %dma_wait3A_99 = arith.constant 0 : i32
      %dma_wait3A_100 = tpu.memref_slice %arg7[%dma_wait3A_99] : memref<3200000xi32, #tpu.memory_space<hbm>> -> memref<2000xi32, #tpu.memory_space<hbm>>
      tpu.wait_dma2 semaphore(%arg33 : memref<!tpu.dma_semaphore, #tpu.memory_space<semaphore_mem>>) src(%dma_wait3A_100 : memref<2000xi32, #tpu.memory_space<hbm>>) dst(%arg25 : memref<2000xi32, #tpu.memory_space<vmem>>)
      %add3A_101 = arith.constant 1 : i32
      %add3A_102 = arith.addi %add3A_76, %add3A_101 : i32
      %lt3A_103 = arith.constant 50 : i32
      %lt3A_104 = arith.cmpi slt, %add3A_102, %lt3A_103 : i32
      %convert_element_type3A_105 = arith.extui %lt3A_104 : i1 to i32
      %cond3A_106 = arith.constant 0 : i32
      %cond3A_107 = arith.cmpi ne, %convert_element_type3A_105, %cond3A_106 : i32
      scf.if %cond3A_107 {
        %add3A_117 = arith.constant 1 : i32
        %add3A_118 = arith.addi %add3A_76, %add3A_117 : i32
        %mul3A_119 = arith.constant 2000 : i32
        %mul3A_120 = arith.muli %add3A_118, %mul3A_119 : i32
        %add3A_121 = arith.addi %mul3A_2, %mul3A_120 : i32
        %dma_start3A_122 = tpu.memref_slice %arg2[%add3A_121] : memref<3200000xf32, #tpu.memory_space<hbm>> -> memref<2000xf32, #tpu.memory_space<hbm>>
        %dma_start3A_123 = tpu.memref_slice %arg2[%add3A_121] : memref<3200000xf32, #tpu.memory_space<hbm>> -> memref<2000xf32, #tpu.memory_space<hbm>>
        tpu.enqueue_dma source(%dma_start3A_123 : memref<2000xf32, #tpu.memory_space<hbm>>) target(%arg14 : memref<2000xf32, #tpu.memory_space<vmem>>) target_semaphore(%arg32 : memref<!tpu.dma_semaphore, #tpu.memory_space<semaphore_mem>>)
        %dma_start3A_124 = tpu.memref_slice %arg3[%add3A_121] : memref<3200000xf32, #tpu.memory_space<hbm>> -> memref<2000xf32, #tpu.memory_space<hbm>>
        %dma_start3A_125 = tpu.memref_slice %arg3[%add3A_121] : memref<3200000xf32, #tpu.memory_space<hbm>> -> memref<2000xf32, #tpu.memory_space<hbm>>
        tpu.enqueue_dma source(%dma_start3A_125 : memref<2000xf32, #tpu.memory_space<hbm>>) target(%arg15 : memref<2000xf32, #tpu.memory_space<vmem>>) target_semaphore(%arg32 : memref<!tpu.dma_semaphore, #tpu.memory_space<semaphore_mem>>)
        %dma_start3A_126 = tpu.memref_slice %arg4[%add3A_121] : memref<3200000xf32, #tpu.memory_space<hbm>> -> memref<2000xf32, #tpu.memory_space<hbm>>
        %dma_start3A_127 = tpu.memref_slice %arg4[%add3A_121] : memref<3200000xf32, #tpu.memory_space<hbm>> -> memref<2000xf32, #tpu.memory_space<hbm>>
        tpu.enqueue_dma source(%dma_start3A_127 : memref<2000xf32, #tpu.memory_space<hbm>>) target(%arg16 : memref<2000xf32, #tpu.memory_space<vmem>>) target_semaphore(%arg32 : memref<!tpu.dma_semaphore, #tpu.memory_space<semaphore_mem>>)
        %dma_start3A_128 = tpu.memref_slice %arg5[%add3A_121] : memref<3200000xf32, #tpu.memory_space<hbm>> -> memref<2000xf32, #tpu.memory_space<hbm>>
        %dma_start3A_129 = tpu.memref_slice %arg5[%add3A_121] : memref<3200000xf32, #tpu.memory_space<hbm>> -> memref<2000xf32, #tpu.memory_space<hbm>>
        tpu.enqueue_dma source(%dma_start3A_129 : memref<2000xf32, #tpu.memory_space<hbm>>) target(%arg17 : memref<2000xf32, #tpu.memory_space<vmem>>) target_semaphore(%arg32 : memref<!tpu.dma_semaphore, #tpu.memory_space<semaphore_mem>>)
        %dma_start3A_130 = tpu.memref_slice %arg6[%add3A_121] : memref<3200000xf32, #tpu.memory_space<hbm>> -> memref<2000xf32, #tpu.memory_space<hbm>>
        %dma_start3A_131 = tpu.memref_slice %arg6[%add3A_121] : memref<3200000xf32, #tpu.memory_space<hbm>> -> memref<2000xf32, #tpu.memory_space<hbm>>
        tpu.enqueue_dma source(%dma_start3A_131 : memref<2000xf32, #tpu.memory_space<hbm>>) target(%arg18 : memref<2000xf32, #tpu.memory_space<vmem>>) target_semaphore(%arg32 : memref<!tpu.dma_semaphore, #tpu.memory_space<semaphore_mem>>)
        %dma_start3A_132 = tpu.memref_slice %arg7[%add3A_121] : memref<3200000xi32, #tpu.memory_space<hbm>> -> memref<2000xi32, #tpu.memory_space<hbm>>
        %dma_start3A_133 = tpu.memref_slice %arg7[%add3A_121] : memref<3200000xi32, #tpu.memory_space<hbm>> -> memref<2000xi32, #tpu.memory_space<hbm>>
        tpu.enqueue_dma source(%dma_start3A_133 : memref<2000xi32, #tpu.memory_space<hbm>>) target(%arg19 : memref<2000xi32, #tpu.memory_space<vmem>>) target_semaphore(%arg32 : memref<!tpu.dma_semaphore, #tpu.memory_space<semaphore_mem>>)
      } else {
      }
      %mul3A_108 = arith.constant 2000 : i32
      %mul3A_109 = arith.muli %add3A_76, %mul3A_108 : i32
      %add3A_110 = arith.addi %mul3A_2, %mul3A_109 : i32
      %scan3A_111 = arith.constant 0 : i32
      %scan3A_112 = arith.constant 0 : i32
      %scan3A_113 = arith.constant 125 : i32
      %scan3A_114 = arith.addi %scan3A_112, %scan3A_113 : i32
      %scan3A_115 = arith.constant 1 : i32
      scf.for %scan3A_117 = %scan3A_112 to %scan3A_114 step %scan3A_115  : i32 {
        %mul3A_118 = arith.constant 16 : i32
        %mul3A_119 = arith.muli %scan3A_117, %mul3A_118 : i32
        %get3A = arith.index_cast %mul3A_119 : i32 to index
        %get3A_120 = tpu.vector_load %arg25[%get3A] {strides = array<i32>} : memref<2000xi32, #tpu.memory_space<vmem>>, vector<16xi32>,
        %get3A_121 = arith.index_cast %mul3A_119 : i32 to index
        %get3A_122 = tpu.vector_load %arg20[%get3A_121] {strides = array<i32>} : memref<2000xf32, #tpu.memory_space<vmem>>, vector<16xf32>,
        %get3A_123 = arith.index_cast %mul3A_119 : i32 to index
        %get3A_124 = tpu.vector_load %arg21[%get3A_123] {strides = array<i32>} : memref<2000xf32, #tpu.memory_space<vmem>>, vector<16xf32>,
        %get3A_125 = arith.index_cast %mul3A_119 : i32 to index
        %get3A_126 = tpu.vector_load %arg22[%get3A_125] {strides = array<i32>} : memref<2000xf32, #tpu.memory_space<vmem>>, vector<16xf32>,
        %get3A_127 = arith.index_cast %mul3A_119 : i32 to index
        %get3A_128 = tpu.vector_load %arg23[%get3A_127] {strides = array<i32>} : memref<2000xf32, #tpu.memory_space<vmem>>, vector<16xf32>,
        %get3A_129 = arith.index_cast %mul3A_119 : i32 to index
        %get3A_130 = tpu.vector_load %arg24[%get3A_129] {strides = array<i32>} : memref<2000xf32, #tpu.memory_space<vmem>>, vector<16xf32>,
        %lt3A_131 = arith.cmpf olt, %get3A_122, %broadcast_in_dim3A_3 : vector<16xf32>
        %add3A_132 = arith.addi %add3A_110, %mul3A_119 : i32
        %add3A_133 = vector.broadcast %add3A_132 : i32 to vector<16xi32>
        %add3A_134 = arith.addi %add3A_133, %iota3A : vector<16xi32>
        %select_n3A = arith.select %lt3A_131, %add3A_134, %broadcast_in_dim3A_5 : vector<16xi1>, vector<16xi32>
        %sub3A = arith.constant 1 : i32
        %sub3A_135 = vector.broadcast %sub3A : i32 to vector<16xi32>
        %sub3A_136 = arith.subi %iota3A, %sub3A_135 : vector<16xi32>
        %max3A = arith.constant 0 : i32
        %max3A_137 = vector.broadcast %max3A : i32 to vector<16xi32>
        %max3A_138 = arith.maxsi %sub3A_136, %max3A_137 : vector<16xi32>
        %lt3A_139 = arith.constant 0 : i32
        %lt3A_140 = vector.broadcast %lt3A_139 : i32 to vector<16xi32>
        %lt3A_141 = arith.cmpi slt, %max3A_138, %lt3A_140 : vector<16xi32>
        %add3A_142 = arith.constant 16 : i32
        %add3A_143 = vector.broadcast %add3A_142 : i32 to vector<16xi32>
        %add3A_144 = arith.addi %max3A_138, %add3A_143 : vector<16xi32>
        %select_n3A_145 = arith.select %lt3A_141, %add3A_144, %max3A_138 : vector<16xi1>, vector<16xi32>
        %broadcast_in_dim3A_146 = vector.shape_cast %select_n3A_145 : vector<16xi32> to vector<16x1xi32>
        %gather3A = vector.shape_cast %broadcast_in_dim3A_146 : vector<16x1xi32> to vector<16xi32>
        %gather3A_147 = tpu.dynamic_gather %get3A_120[%gather3A] in [0] : vector<16xi32>, vector<16xi32> -> vector<16xi32>
        %lt3A_148 = arith.constant 0 : i32
        %lt3A_149 = vector.broadcast %lt3A_148 : i32 to vector<16xi32>
        %lt3A_150 = arith.cmpi slt, %max3A_138, %lt3A_149 : vector<16xi32>
        %add3A_151 = arith.constant 16 : i32
        %add3A_152 = vector.broadcast %add3A_151 : i32 to vector<16xi32>
        %add3A_153 = arith.addi %max3A_138, %add3A_152 : vector<16xi32>
        %select_n3A_154 = arith.select %lt3A_150, %add3A_153, %max3A_138 : vector<16xi1>, vector<16xi32>
        %broadcast_in_dim3A_155 = vector.shape_cast %select_n3A_154 : vector<16xi32> to vector<16x1xi32>
        %gather3A_156 = vector.shape_cast %broadcast_in_dim3A_155 : vector<16x1xi32> to vector<16xi32>
        %gather3A_157 = tpu.dynamic_gather %get3A_122[%gather3A_156] in [0] : vector<16xf32>, vector<16xi32> -> vector<16xf32>
        %lt3A_158 = arith.constant 0 : i32
        %lt3A_159 = vector.broadcast %lt3A_158 : i32 to vector<16xi32>
        %lt3A_160 = arith.cmpi slt, %max3A_138, %lt3A_159 : vector<16xi32>
        %add3A_161 = arith.constant 16 : i32
        %add3A_162 = vector.broadcast %add3A_161 : i32 to vector<16xi32>
        %add3A_163 = arith.addi %max3A_138, %add3A_162 : vector<16xi32>
        %select_n3A_164 = arith.select %lt3A_160, %add3A_163, %max3A_138 : vector<16xi1>, vector<16xi32>
        %broadcast_in_dim3A_165 = vector.shape_cast %select_n3A_164 : vector<16xi32> to vector<16x1xi32>
        %gather3A_166 = vector.shape_cast %broadcast_in_dim3A_165 : vector<16x1xi32> to vector<16xi32>
        %gather3A_167 = tpu.dynamic_gather %select_n3A[%gather3A_166] in [0] : vector<16xi32>, vector<16xi32> -> vector<16xi32>
        %eq3A = arith.cmpi eq, %gather3A_147, %get3A_120 : vector<16xi32>
        %lt3A_168 = arith.cmpf olt, %gather3A_157, %get3A_122 : vector<16xf32>
        %eq3A_169 = arith.cmpf oeq, %gather3A_157, %get3A_122 : vector<16xf32>
        %lt3A_170 = arith.cmpi slt, %gather3A_167, %select_n3A : vector<16xi32>
        %and3A = arith.andi %eq3A_169, %lt3A_170 : vector<16xi1>
        %or3A = arith.ori %lt3A_168, %and3A : vector<16xi1>
        %and3A_171 = arith.andi %eq3A, %or3A : vector<16xi1>
        %select_n3A_172 = arith.select %and3A_171, %gather3A_157, %get3A_122 : vector<16xi1>, vector<16xf32>
        %select_n3A_173 = arith.select %and3A_171, %gather3A_167, %select_n3A : vector<16xi1>, vector<16xi32>
        %sub3A_174 = arith.constant 2 : i32
        %sub3A_175 = vector.broadcast %sub3A_174 : i32 to vector<16xi32>
        %sub3A_176 = arith.subi %iota3A, %sub3A_175 : vector<16xi32>
        %max3A_177 = arith.constant 0 : i32
        %max3A_178 = vector.broadcast %max3A_177 : i32 to vector<16xi32>
        %max3A_179 = arith.maxsi %sub3A_176, %max3A_178 : vector<16xi32>
        %lt3A_180 = arith.constant 0 : i32
        %lt3A_181 = vector.broadcast %lt3A_180 : i32 to vector<16xi32>
        %lt3A_182 = arith.cmpi slt, %max3A_179, %lt3A_181 : vector<16xi32>
        %add3A_183 = arith.constant 16 : i32
        %add3A_184 = vector.broadcast %add3A_183 : i32 to vector<16xi32>
        %add3A_185 = arith.addi %max3A_179, %add3A_184 : vector<16xi32>
        %select_n3A_186 = arith.select %lt3A_182, %add3A_185, %max3A_179 : vector<16xi1>, vector<16xi32>
        %broadcast_in_dim3A_187 = vector.shape_cast %select_n3A_186 : vector<16xi32> to vector<16x1xi32>
        %gather3A_188 = vector.shape_cast %broadcast_in_dim3A_187 : vector<16x1xi32> to vector<16xi32>
        %gather3A_189 = tpu.dynamic_gather %get3A_120[%gather3A_188] in [0] : vector<16xi32>, vector<16xi32> -> vector<16xi32>
        %lt3A_190 = arith.constant 0 : i32
        %lt3A_191 = vector.broadcast %lt3A_190 : i32 to vector<16xi32>
        %lt3A_192 = arith.cmpi slt, %max3A_179, %lt3A_191 : vector<16xi32>
        %add3A_193 = arith.constant 16 : i32
        %add3A_194 = vector.broadcast %add3A_193 : i32 to vector<16xi32>
        %add3A_195 = arith.addi %max3A_179, %add3A_194 : vector<16xi32>
        %select_n3A_196 = arith.select %lt3A_192, %add3A_195, %max3A_179 : vector<16xi1>, vector<16xi32>
        %broadcast_in_dim3A_197 = vector.shape_cast %select_n3A_196 : vector<16xi32> to vector<16x1xi32>
        %gather3A_198 = vector.shape_cast %broadcast_in_dim3A_197 : vector<16x1xi32> to vector<16xi32>
        %gather3A_199 = tpu.dynamic_gather %select_n3A_172[%gather3A_198] in [0] : vector<16xf32>, vector<16xi32> -> vector<16xf32>
        %lt3A_200 = arith.constant 0 : i32
        %lt3A_201 = vector.broadcast %lt3A_200 : i32 to vector<16xi32>
        %lt3A_202 = arith.cmpi slt, %max3A_179, %lt3A_201 : vector<16xi32>
        %add3A_203 = arith.constant 16 : i32
        %add3A_204 = vector.broadcast %add3A_203 : i32 to vector<16xi32>
        %add3A_205 = arith.addi %max3A_179, %add3A_204 : vector<16xi32>
        %select_n3A_206 = arith.select %lt3A_202, %add3A_205, %max3A_179 : vector<16xi1>, vector<16xi32>
        %broadcast_in_dim3A_207 = vector.shape_cast %select_n3A_206 : vector<16xi32> to vector<16x1xi32>
        %gather3A_208 = vector.shape_cast %broadcast_in_dim3A_207 : vector<16x1xi32> to vector<16xi32>
        %gather3A_209 = tpu.dynamic_gather %select_n3A_173[%gather3A_208] in [0] : vector<16xi32>, vector<16xi32> -> vector<16xi32>
        %eq3A_210 = arith.cmpi eq, %gather3A_189, %get3A_120 : vector<16xi32>
        %lt3A_211 = arith.cmpf olt, %gather3A_199, %select_n3A_172 : vector<16xf32>
        %eq3A_212 = arith.cmpf oeq, %gather3A_199, %select_n3A_172 : vector<16xf32>
        %lt3A_213 = arith.cmpi slt, %gather3A_209, %select_n3A_173 : vector<16xi32>
        %and3A_214 = arith.andi %eq3A_212, %lt3A_213 : vector<16xi1>
        %or3A_215 = arith.ori %lt3A_211, %and3A_214 : vector<16xi1>
        %and3A_216 = arith.andi %eq3A_210, %or3A_215 : vector<16xi1>
        %select_n3A_217 = arith.select %and3A_216, %gather3A_199, %select_n3A_172 : vector<16xi1>, vector<16xf32>
        %select_n3A_218 = arith.select %and3A_216, %gather3A_209, %select_n3A_173 : vector<16xi1>, vector<16xi32>
        %sub3A_219 = arith.constant 4 : i32
        %sub3A_220 = vector.broadcast %sub3A_219 : i32 to vector<16xi32>
        %sub3A_221 = arith.subi %iota3A, %sub3A_220 : vector<16xi32>
        %max3A_222 = arith.constant 0 : i32
        %max3A_223 = vector.broadcast %max3A_222 : i32 to vector<16xi32>
        %max3A_224 = arith.maxsi %sub3A_221, %max3A_223 : vector<16xi32>
        %lt3A_225 = arith.constant 0 : i32
        %lt3A_226 = vector.broadcast %lt3A_225 : i32 to vector<16xi32>
        %lt3A_227 = arith.cmpi slt, %max3A_224, %lt3A_226 : vector<16xi32>
        %add3A_228 = arith.constant 16 : i32
        %add3A_229 = vector.broadcast %add3A_228 : i32 to vector<16xi32>
        %add3A_230 = arith.addi %max3A_224, %add3A_229 : vector<16xi32>
        %select_n3A_231 = arith.select %lt3A_227, %add3A_230, %max3A_224 : vector<16xi1>, vector<16xi32>
        %broadcast_in_dim3A_232 = vector.shape_cast %select_n3A_231 : vector<16xi32> to vector<16x1xi32>
        %gather3A_233 = vector.shape_cast %broadcast_in_dim3A_232 : vector<16x1xi32> to vector<16xi32>
        %gather3A_234 = tpu.dynamic_gather %get3A_120[%gather3A_233] in [0] : vector<16xi32>, vector<16xi32> -> vector<16xi32>
        %lt3A_235 = arith.constant 0 : i32
        %lt3A_236 = vector.broadcast %lt3A_235 : i32 to vector<16xi32>
        %lt3A_237 = arith.cmpi slt, %max3A_224, %lt3A_236 : vector<16xi32>
        %add3A_238 = arith.constant 16 : i32
        %add3A_239 = vector.broadcast %add3A_238 : i32 to vector<16xi32>
        %add3A_240 = arith.addi %max3A_224, %add3A_239 : vector<16xi32>
        %select_n3A_241 = arith.select %lt3A_237, %add3A_240, %max3A_224 : vector<16xi1>, vector<16xi32>
        %broadcast_in_dim3A_242 = vector.shape_cast %select_n3A_241 : vector<16xi32> to vector<16x1xi32>
        %gather3A_243 = vector.shape_cast %broadcast_in_dim3A_242 : vector<16x1xi32> to vector<16xi32>
        %gather3A_244 = tpu.dynamic_gather %select_n3A_217[%gather3A_243] in [0] : vector<16xf32>, vector<16xi32> -> vector<16xf32>
        %lt3A_245 = arith.constant 0 : i32
        %lt3A_246 = vector.broadcast %lt3A_245 : i32 to vector<16xi32>
        %lt3A_247 = arith.cmpi slt, %max3A_224, %lt3A_246 : vector<16xi32>
        %add3A_248 = arith.constant 16 : i32
        %add3A_249 = vector.broadcast %add3A_248 : i32 to vector<16xi32>
        %add3A_250 = arith.addi %max3A_224, %add3A_249 : vector<16xi32>
        %select_n3A_251 = arith.select %lt3A_247, %add3A_250, %max3A_224 : vector<16xi1>, vector<16xi32>
        %broadcast_in_dim3A_252 = vector.shape_cast %select_n3A_251 : vector<16xi32> to vector<16x1xi32>
        %gather3A_253 = vector.shape_cast %broadcast_in_dim3A_252 : vector<16x1xi32> to vector<16xi32>
        %gather3A_254 = tpu.dynamic_gather %select_n3A_218[%gather3A_253] in [0] : vector<16xi32>, vector<16xi32> -> vector<16xi32>
        %eq3A_255 = arith.cmpi eq, %gather3A_234, %get3A_120 : vector<16xi32>
        %lt3A_256 = arith.cmpf olt, %gather3A_244, %select_n3A_217 : vector<16xf32>
        %eq3A_257 = arith.cmpf oeq, %gather3A_244, %select_n3A_217 : vector<16xf32>
        %lt3A_258 = arith.cmpi slt, %gather3A_254, %select_n3A_218 : vector<16xi32>
        %and3A_259 = arith.andi %eq3A_257, %lt3A_258 : vector<16xi1>
        %or3A_260 = arith.ori %lt3A_256, %and3A_259 : vector<16xi1>
        %and3A_261 = arith.andi %eq3A_255, %or3A_260 : vector<16xi1>
        %select_n3A_262 = arith.select %and3A_261, %gather3A_244, %select_n3A_217 : vector<16xi1>, vector<16xf32>
        %select_n3A_263 = arith.select %and3A_261, %gather3A_254, %select_n3A_218 : vector<16xi1>, vector<16xi32>
        %sub3A_264 = arith.constant 8 : i32
        %sub3A_265 = vector.broadcast %sub3A_264 : i32 to vector<16xi32>
        %sub3A_266 = arith.subi %iota3A, %sub3A_265 : vector<16xi32>
        %max3A_267 = arith.constant 0 : i32
        %max3A_268 = vector.broadcast %max3A_267 : i32 to vector<16xi32>
        %max3A_269 = arith.maxsi %sub3A_266, %max3A_268 : vector<16xi32>
        %lt3A_270 = arith.constant 0 : i32
        %lt3A_271 = vector.broadcast %lt3A_270 : i32 to vector<16xi32>
        %lt3A_272 = arith.cmpi slt, %max3A_269, %lt3A_271 : vector<16xi32>
        %add3A_273 = arith.constant 16 : i32
        %add3A_274 = vector.broadcast %add3A_273 : i32 to vector<16xi32>
        %add3A_275 = arith.addi %max3A_269, %add3A_274 : vector<16xi32>
        %select_n3A_276 = arith.select %lt3A_272, %add3A_275, %max3A_269 : vector<16xi1>, vector<16xi32>
        %broadcast_in_dim3A_277 = vector.shape_cast %select_n3A_276 : vector<16xi32> to vector<16x1xi32>
        %gather3A_278 = vector.shape_cast %broadcast_in_dim3A_277 : vector<16x1xi32> to vector<16xi32>
        %gather3A_279 = tpu.dynamic_gather %get3A_120[%gather3A_278] in [0] : vector<16xi32>, vector<16xi32> -> vector<16xi32>
        %lt3A_280 = arith.constant 0 : i32
        %lt3A_281 = vector.broadcast %lt3A_280 : i32 to vector<16xi32>
        %lt3A_282 = arith.cmpi slt, %max3A_269, %lt3A_281 : vector<16xi32>
        %add3A_283 = arith.constant 16 : i32
        %add3A_284 = vector.broadcast %add3A_283 : i32 to vector<16xi32>
        %add3A_285 = arith.addi %max3A_269, %add3A_284 : vector<16xi32>
        %select_n3A_286 = arith.select %lt3A_282, %add3A_285, %max3A_269 : vector<16xi1>, vector<16xi32>
        %broadcast_in_dim3A_287 = vector.shape_cast %select_n3A_286 : vector<16xi32> to vector<16x1xi32>
        %gather3A_288 = vector.shape_cast %broadcast_in_dim3A_287 : vector<16x1xi32> to vector<16xi32>
        %gather3A_289 = tpu.dynamic_gather %select_n3A_262[%gather3A_288] in [0] : vector<16xf32>, vector<16xi32> -> vector<16xf32>
        %lt3A_290 = arith.constant 0 : i32
        %lt3A_291 = vector.broadcast %lt3A_290 : i32 to vector<16xi32>
        %lt3A_292 = arith.cmpi slt, %max3A_269, %lt3A_291 : vector<16xi32>
        %add3A_293 = arith.constant 16 : i32
        %add3A_294 = vector.broadcast %add3A_293 : i32 to vector<16xi32>
        %add3A_295 = arith.addi %max3A_269, %add3A_294 : vector<16xi32>
        %select_n3A_296 = arith.select %lt3A_292, %add3A_295, %max3A_269 : vector<16xi1>, vector<16xi32>
        %broadcast_in_dim3A_297 = vector.shape_cast %select_n3A_296 : vector<16xi32> to vector<16x1xi32>
        %gather3A_298 = vector.shape_cast %broadcast_in_dim3A_297 : vector<16x1xi32> to vector<16xi32>
        %gather3A_299 = tpu.dynamic_gather %select_n3A_263[%gather3A_298] in [0] : vector<16xi32>, vector<16xi32> -> vector<16xi32>
        %eq3A_300 = arith.cmpi eq, %gather3A_279, %get3A_120 : vector<16xi32>
        %lt3A_301 = arith.cmpf olt, %gather3A_289, %select_n3A_262 : vector<16xf32>
        %eq3A_302 = arith.cmpf oeq, %gather3A_289, %select_n3A_262 : vector<16xf32>
        %lt3A_303 = arith.cmpi slt, %gather3A_299, %select_n3A_263 : vector<16xi32>
        %and3A_304 = arith.andi %eq3A_302, %lt3A_303 : vector<16xi1>
        %or3A_305 = arith.ori %lt3A_301, %and3A_304 : vector<16xi1>
        %and3A_306 = arith.andi %eq3A_300, %or3A_305 : vector<16xi1>
        %select_n3A_307 = arith.select %and3A_306, %gather3A_289, %select_n3A_262 : vector<16xi1>, vector<16xf32>
        %select_n3A_308 = arith.select %and3A_306, %gather3A_299, %select_n3A_263 : vector<16xi1>, vector<16xi32>
        %add3A_309 = arith.constant 1 : i32
        %add3A_310 = vector.broadcast %add3A_309 : i32 to vector<16xi32>
        %add3A_311 = arith.addi %iota3A, %add3A_310 : vector<16xi32>
        %min3A = arith.constant 15 : i32
        %min3A_312 = vector.broadcast %min3A : i32 to vector<16xi32>
        %min3A_313 = arith.minsi %add3A_311, %min3A_312 : vector<16xi32>
        %lt3A_314 = arith.constant 0 : i32
        %lt3A_315 = vector.broadcast %lt3A_314 : i32 to vector<16xi32>
        %lt3A_316 = arith.cmpi slt, %min3A_313, %lt3A_315 : vector<16xi32>
        %add3A_317 = arith.constant 16 : i32
        %add3A_318 = vector.broadcast %add3A_317 : i32 to vector<16xi32>
        %add3A_319 = arith.addi %min3A_313, %add3A_318 : vector<16xi32>
        %select_n3A_320 = arith.select %lt3A_316, %add3A_319, %min3A_313 : vector<16xi1>, vector<16xi32>
        %broadcast_in_dim3A_321 = vector.shape_cast %select_n3A_320 : vector<16xi32> to vector<16x1xi32>
        %gather3A_322 = vector.shape_cast %broadcast_in_dim3A_321 : vector<16x1xi32> to vector<16xi32>
        %gather3A_323 = tpu.dynamic_gather %get3A_120[%gather3A_322] in [0] : vector<16xi32>, vector<16xi32> -> vector<16xi32>
        %ne3A = arith.cmpi ne, %get3A_120, %gather3A_323 : vector<16xi32>
        %eq3A_324 = arith.constant 15 : i32
        %eq3A_325 = vector.broadcast %eq3A_324 : i32 to vector<16xi32>
        %eq3A_326 = arith.cmpi eq, %iota3A, %eq3A_325 : vector<16xi32>
        %or3A_327 = arith.ori %ne3A, %eq3A_326 : vector<16xi1>
        %gather3A_328 = tpu.vector_load_idx %arg26[%get3A_120] : memref<10000xf32, #tpu.memory_space<vmem>>[vector<16xi32>], vector<16xf32>,
        %gather3A_329 = tpu.vector_load_idx %arg27[%get3A_120] : memref<10000xi32, #tpu.memory_space<vmem>>[vector<16xi32>], vector<16xi32>,
        %lt3A_330 = arith.cmpf olt, %select_n3A_307, %gather3A_328 : vector<16xf32>
        %eq3A_331 = arith.cmpf oeq, %select_n3A_307, %gather3A_328 : vector<16xf32>
        %lt3A_332 = arith.cmpi slt, %select_n3A_308, %gather3A_329 : vector<16xi32>
        %and3A_333 = arith.andi %eq3A_331, %lt3A_332 : vector<16xi1>
        %or3A_334 = arith.ori %lt3A_330, %and3A_333 : vector<16xi1>
        %select_n3A_335 = arith.select %or3A_334, %select_n3A_307, %gather3A_328 : vector<16xi1>, vector<16xf32>
        tpu.vector_store_idx %arg26[%get3A_120], %select_n3A_335 masked %or3A_327 : memref<10000xf32, #tpu.memory_space<vmem>>[vector<16xi32>], vector<16xf32>, vector<16xi1>
        %select_n3A_336 = arith.select %or3A_334, %select_n3A_308, %gather3A_329 : vector<16xi1>, vector<16xi32>
        tpu.vector_store_idx %arg27[%get3A_120], %select_n3A_336 masked %or3A_327 : memref<10000xi32, #tpu.memory_space<vmem>>[vector<16xi32>], vector<16xi32>, vector<16xi1>
        %sub3A_337 = arith.constant 1 : i32
        %sub3A_338 = vector.broadcast %sub3A_337 : i32 to vector<16xi32>
        %sub3A_339 = arith.subi %iota3A, %sub3A_338 : vector<16xi32>
        %max3A_340 = arith.constant 0 : i32
        %max3A_341 = vector.broadcast %max3A_340 : i32 to vector<16xi32>
        %max3A_342 = arith.maxsi %sub3A_339, %max3A_341 : vector<16xi32>
        %lt3A_343 = arith.constant 0 : i32
        %lt3A_344 = vector.broadcast %lt3A_343 : i32 to vector<16xi32>
        %lt3A_345 = arith.cmpi slt, %max3A_342, %lt3A_344 : vector<16xi32>
        %add3A_346 = arith.constant 16 : i32
        %add3A_347 = vector.broadcast %add3A_346 : i32 to vector<16xi32>
        %add3A_348 = arith.addi %max3A_342, %add3A_347 : vector<16xi32>
        %select_n3A_349 = arith.select %lt3A_345, %add3A_348, %max3A_342 : vector<16xi1>, vector<16xi32>
        %broadcast_in_dim3A_350 = vector.shape_cast %select_n3A_349 : vector<16xi32> to vector<16x1xi32>
        %gather3A_351 = vector.shape_cast %broadcast_in_dim3A_350 : vector<16x1xi32> to vector<16xi32>
        %gather3A_352 = tpu.dynamic_gather %get3A_120[%gather3A_351] in [0] : vector<16xi32>, vector<16xi32> -> vector<16xi32>
        %ne3A_353 = arith.cmpi ne, %get3A_120, %gather3A_352 : vector<16xi32>
        %eq3A_354 = arith.constant 0 : i32
        %eq3A_355 = vector.broadcast %eq3A_354 : i32 to vector<16xi32>
        %eq3A_356 = arith.cmpi eq, %iota3A, %eq3A_355 : vector<16xi32>
        %or3A_357 = arith.ori %ne3A_353, %eq3A_356 : vector<16xi1>
        %jit3A = arith.constant 0 : i32
        %broadcast_in_dim3A_358 = vector.broadcast %jit3A : i32 to vector<16xi32>
        %select_n3A_359 = arith.select %or3A_357, %iota3A, %broadcast_in_dim3A_358 : vector<16xi1>, vector<16xi32>
        %broadcast_in_dim3A_360 = arith.constant true
        %broadcast_in_dim3A_361 = vector.broadcast %broadcast_in_dim3A_360 : i1 to vector<16xi1>
        %masked_cummax3A = arith.constant -2147483648 : i32
        %masked_cummax3A_362 = vector.broadcast %masked_cummax3A : i32 to vector<16xi32>
        %masked_cummax3A_363 = arith.xori %select_n3A_359, %masked_cummax3A_362 : vector<16xi32>
        %masked_cummax3A_364 = tpu.scan <max>, %masked_cummax3A_363 masked %broadcast_in_dim3A_361 : vector<16xi32>, vector<16xi1> -> vector<16xi32>
        %masked_cummax3A_365 = arith.xori %masked_cummax3A_364, %masked_cummax3A_362 : vector<16xi32>
        %mul3A_366 = arith.mulf %get3A_126, %get3A_124 : vector<16xf32>
        %broadcast_in_dim3A_367 = arith.constant true
        %broadcast_in_dim3A_368 = vector.broadcast %broadcast_in_dim3A_367 : i1 to vector<16xi1>
        %masked_cumsum3A = tpu.scan <sum>, %mul3A_366 masked %broadcast_in_dim3A_368 : vector<16xf32>, vector<16xi1> -> vector<16xf32>
        %sub3A_369 = arith.subf %masked_cumsum3A, %mul3A_366 : vector<16xf32>
        %lt3A_370 = arith.constant 0 : i32
        %lt3A_371 = vector.broadcast %lt3A_370 : i32 to vector<16xi32>
        %lt3A_372 = arith.cmpi slt, %masked_cummax3A_365, %lt3A_371 : vector<16xi32>
        %add3A_373 = arith.constant 16 : i32
        %add3A_374 = vector.broadcast %add3A_373 : i32 to vector<16xi32>
        %add3A_375 = arith.addi %masked_cummax3A_365, %add3A_374 : vector<16xi32>
        %select_n3A_376 = arith.select %lt3A_372, %add3A_375, %masked_cummax3A_365 : vector<16xi1>, vector<16xi32>
        %broadcast_in_dim3A_377 = vector.shape_cast %select_n3A_376 : vector<16xi32> to vector<16x1xi32>
        %gather3A_378 = vector.shape_cast %broadcast_in_dim3A_377 : vector<16x1xi32> to vector<16xi32>
        %gather3A_379 = tpu.dynamic_gather %sub3A_369[%gather3A_378] in [0] : vector<16xf32>, vector<16xi32> -> vector<16xf32>
        %sub3A_380 = arith.subf %masked_cumsum3A, %gather3A_379 : vector<16xf32>
        tpu.vector_store_idx %arg28[%get3A_120], %sub3A_380 masked %or3A_327 {add = true} : memref<10000xf32, #tpu.memory_space<vmem>>[vector<16xi32>], vector<16xf32>, vector<16xi1>
        %mul3A_381 = arith.mulf %get3A_128, %get3A_124 : vector<16xf32>
        %broadcast_in_dim3A_382 = arith.constant true
        %broadcast_in_dim3A_383 = vector.broadcast %broadcast_in_dim3A_382 : i1 to vector<16xi1>
        %masked_cumsum3A_384 = tpu.scan <sum>, %mul3A_381 masked %broadcast_in_dim3A_383 : vector<16xf32>, vector<16xi1> -> vector<16xf32>
        %sub3A_385 = arith.subf %masked_cumsum3A_384, %mul3A_381 : vector<16xf32>
        %lt3A_386 = arith.constant 0 : i32
        %lt3A_387 = vector.broadcast %lt3A_386 : i32 to vector<16xi32>
        %lt3A_388 = arith.cmpi slt, %masked_cummax3A_365, %lt3A_387 : vector<16xi32>
        %add3A_389 = arith.constant 16 : i32
        %add3A_390 = vector.broadcast %add3A_389 : i32 to vector<16xi32>
        %add3A_391 = arith.addi %masked_cummax3A_365, %add3A_390 : vector<16xi32>
        %select_n3A_392 = arith.select %lt3A_388, %add3A_391, %masked_cummax3A_365 : vector<16xi1>, vector<16xi32>
        %broadcast_in_dim3A_393 = vector.shape_cast %select_n3A_392 : vector<16xi32> to vector<16x1xi32>
        %gather3A_394 = vector.shape_cast %broadcast_in_dim3A_393 : vector<16x1xi32> to vector<16xi32>
        %gather3A_395 = tpu.dynamic_gather %sub3A_385[%gather3A_394] in [0] : vector<16xf32>, vector<16xi32> -> vector<16xf32>
        %sub3A_396 = arith.subf %masked_cumsum3A_384, %gather3A_395 : vector<16xf32>
        tpu.vector_store_idx %arg29[%get3A_120], %sub3A_396 masked %or3A_327 {add = true} : memref<10000xf32, #tpu.memory_space<vmem>>[vector<16xi32>], vector<16xf32>, vector<16xi1>
        %mul3A_397 = arith.mulf %get3A_130, %get3A_124 : vector<16xf32>
        %broadcast_in_dim3A_398 = arith.constant true
        %broadcast_in_dim3A_399 = vector.broadcast %broadcast_in_dim3A_398 : i1 to vector<16xi1>
        %masked_cumsum3A_400 = tpu.scan <sum>, %mul3A_397 masked %broadcast_in_dim3A_399 : vector<16xf32>, vector<16xi1> -> vector<16xf32>
        %sub3A_401 = arith.subf %masked_cumsum3A_400, %mul3A_397 : vector<16xf32>
        %lt3A_402 = arith.constant 0 : i32
        %lt3A_403 = vector.broadcast %lt3A_402 : i32 to vector<16xi32>
        %lt3A_404 = arith.cmpi slt, %masked_cummax3A_365, %lt3A_403 : vector<16xi32>
        %add3A_405 = arith.constant 16 : i32
        %add3A_406 = vector.broadcast %add3A_405 : i32 to vector<16xi32>
        %add3A_407 = arith.addi %masked_cummax3A_365, %add3A_406 : vector<16xi32>
        %select_n3A_408 = arith.select %lt3A_404, %add3A_407, %masked_cummax3A_365 : vector<16xi1>, vector<16xi32>
        %broadcast_in_dim3A_409 = vector.shape_cast %select_n3A_408 : vector<16xi32> to vector<16x1xi32>
        %gather3A_410 = vector.shape_cast %broadcast_in_dim3A_409 : vector<16x1xi32> to vector<16xi32>
        %gather3A_411 = tpu.dynamic_gather %sub3A_401[%gather3A_410] in [0] : vector<16xf32>, vector<16xi32> -> vector<16xf32>
        %sub3A_412 = arith.subf %masked_cumsum3A_400, %gather3A_411 : vector<16xf32>
        tpu.vector_store_idx %arg30[%get3A_120], %sub3A_412 masked %or3A_327 {add = true} : memref<10000xf32, #tpu.memory_space<vmem>>[vector<16xi32>], vector<16xf32>, vector<16xi1>
        %broadcast_in_dim3A_413 = arith.constant true
        %broadcast_in_dim3A_414 = vector.broadcast %broadcast_in_dim3A_413 : i1 to vector<16xi1>
        %masked_cumsum3A_415 = tpu.scan <sum>, %get3A_124 masked %broadcast_in_dim3A_414 : vector<16xf32>, vector<16xi1> -> vector<16xf32>
        %sub3A_416 = arith.subf %masked_cumsum3A_415, %get3A_124 : vector<16xf32>
        %lt3A_417 = arith.constant 0 : i32
        %lt3A_418 = vector.broadcast %lt3A_417 : i32 to vector<16xi32>
        %lt3A_419 = arith.cmpi slt, %masked_cummax3A_365, %lt3A_418 : vector<16xi32>
        %add3A_420 = arith.constant 16 : i32
        %add3A_421 = vector.broadcast %add3A_420 : i32 to vector<16xi32>
        %add3A_422 = arith.addi %masked_cummax3A_365, %add3A_421 : vector<16xi32>
        %select_n3A_423 = arith.select %lt3A_419, %add3A_422, %masked_cummax3A_365 : vector<16xi1>, vector<16xi32>
        %broadcast_in_dim3A_424 = vector.shape_cast %select_n3A_423 : vector<16xi32> to vector<16x1xi32>
        %gather3A_425 = vector.shape_cast %broadcast_in_dim3A_424 : vector<16x1xi32> to vector<16xi32>
        %gather3A_426 = tpu.dynamic_gather %sub3A_416[%gather3A_425] in [0] : vector<16xf32>, vector<16xi32> -> vector<16xf32>
        %sub3A_427 = arith.subf %masked_cumsum3A_415, %gather3A_426 : vector<16xf32>
        tpu.vector_store_idx %arg31[%get3A_120], %sub3A_427 masked %or3A_327 {add = true} : memref<10000xf32, #tpu.memory_space<vmem>>[vector<16xi32>], vector<16xf32>, vector<16xi1>
      }
      %scan3A_116 = arith.constant 125 : i32
    }
    %scan3A_31 = arith.constant 25 : i32
    "tpu.region"() ({
      %run_scoped3A = tpu.sem_alloc : memref<!tpu.dma_semaphore, #tpu.memory_space<semaphore_mem>>
      %dma_start3A_32 = arith.constant 0 : i32
      %dma_start3A_33 = tpu.memref_slice %arg8[%add3A, %dma_start3A_32] : memref<32x10000xf32, #tpu.memory_space<hbm>> -> memref<1x10000xf32, #tpu.memory_space<hbm>>
      %dma_start3A_34 = tpu.memref_squeeze %dma_start3A_33 : memref<1x10000xf32, #tpu.memory_space<hbm>> -> memref<10000xf32, #tpu.memory_space<hbm>>
      %dma_start3A_35 = arith.constant 0 : i32
      %dma_start3A_36 = tpu.memref_slice %arg8[%add3A, %dma_start3A_35] : memref<32x10000xf32, #tpu.memory_space<hbm>> -> memref<1x10000xf32, #tpu.memory_space<hbm>>
      %dma_start3A_37 = tpu.memref_squeeze %dma_start3A_36 : memref<1x10000xf32, #tpu.memory_space<hbm>> -> memref<10000xf32, #tpu.memory_space<hbm>>
      tpu.enqueue_dma source(%arg26 : memref<10000xf32, #tpu.memory_space<vmem>>) target(%dma_start3A_37 : memref<10000xf32, #tpu.memory_space<hbm>>) target_semaphore(%run_scoped3A : memref<!tpu.dma_semaphore, #tpu.memory_space<semaphore_mem>>)
      %dma_wait3A = arith.constant 0 : i32
      %dma_wait3A_38 = tpu.memref_slice %arg8[%add3A, %dma_wait3A] : memref<32x10000xf32, #tpu.memory_space<hbm>> -> memref<1x10000xf32, #tpu.memory_space<hbm>>
      %dma_wait3A_39 = tpu.memref_squeeze %dma_wait3A_38 : memref<1x10000xf32, #tpu.memory_space<hbm>> -> memref<10000xf32, #tpu.memory_space<hbm>>
      %dma_wait3A_40 = arith.constant 0 : i32
      %dma_wait3A_41 = tpu.memref_slice %arg8[%add3A, %dma_wait3A_40] : memref<32x10000xf32, #tpu.memory_space<hbm>> -> memref<1x10000xf32, #tpu.memory_space<hbm>>
      %dma_wait3A_42 = tpu.memref_squeeze %dma_wait3A_41 : memref<1x10000xf32, #tpu.memory_space<hbm>> -> memref<10000xf32, #tpu.memory_space<hbm>>
      tpu.wait_dma2 semaphore(%run_scoped3A : memref<!tpu.dma_semaphore, #tpu.memory_space<semaphore_mem>>) src(%arg26 : memref<10000xf32, #tpu.memory_space<vmem>>) dst(%dma_wait3A_42 : memref<10000xf32, #tpu.memory_space<hbm>>)
      tpu.yield
    }) : () -> ()
    "tpu.region"() ({
      %run_scoped3A = tpu.sem_alloc : memref<!tpu.dma_semaphore, #tpu.memory_space<semaphore_mem>>
      %dma_start3A_32 = arith.constant 0 : i32
      %dma_start3A_33 = tpu.memref_slice %arg9[%add3A, %dma_start3A_32] : memref<32x10000xi32, #tpu.memory_space<hbm>> -> memref<1x10000xi32, #tpu.memory_space<hbm>>
      %dma_start3A_34 = tpu.memref_squeeze %dma_start3A_33 : memref<1x10000xi32, #tpu.memory_space<hbm>> -> memref<10000xi32, #tpu.memory_space<hbm>>
      %dma_start3A_35 = arith.constant 0 : i32
      %dma_start3A_36 = tpu.memref_slice %arg9[%add3A, %dma_start3A_35] : memref<32x10000xi32, #tpu.memory_space<hbm>> -> memref<1x10000xi32, #tpu.memory_space<hbm>>
      %dma_start3A_37 = tpu.memref_squeeze %dma_start3A_36 : memref<1x10000xi32, #tpu.memory_space<hbm>> -> memref<10000xi32, #tpu.memory_space<hbm>>
      tpu.enqueue_dma source(%arg27 : memref<10000xi32, #tpu.memory_space<vmem>>) target(%dma_start3A_37 : memref<10000xi32, #tpu.memory_space<hbm>>) target_semaphore(%run_scoped3A : memref<!tpu.dma_semaphore, #tpu.memory_space<semaphore_mem>>)
      %dma_wait3A = arith.constant 0 : i32
      %dma_wait3A_38 = tpu.memref_slice %arg9[%add3A, %dma_wait3A] : memref<32x10000xi32, #tpu.memory_space<hbm>> -> memref<1x10000xi32, #tpu.memory_space<hbm>>
      %dma_wait3A_39 = tpu.memref_squeeze %dma_wait3A_38 : memref<1x10000xi32, #tpu.memory_space<hbm>> -> memref<10000xi32, #tpu.memory_space<hbm>>
      %dma_wait3A_40 = arith.constant 0 : i32
      %dma_wait3A_41 = tpu.memref_slice %arg9[%add3A, %dma_wait3A_40] : memref<32x10000xi32, #tpu.memory_space<hbm>> -> memref<1x10000xi32, #tpu.memory_space<hbm>>
      %dma_wait3A_42 = tpu.memref_squeeze %dma_wait3A_41 : memref<1x10000xi32, #tpu.memory_space<hbm>> -> memref<10000xi32, #tpu.memory_space<hbm>>
      tpu.wait_dma2 semaphore(%run_scoped3A : memref<!tpu.dma_semaphore, #tpu.memory_space<semaphore_mem>>) src(%arg27 : memref<10000xi32, #tpu.memory_space<vmem>>) dst(%dma_wait3A_42 : memref<10000xi32, #tpu.memory_space<hbm>>)
      tpu.yield
    }) : () -> ()
    "tpu.region"() ({
      %run_scoped3A = tpu.sem_alloc : memref<!tpu.dma_semaphore, #tpu.memory_space<semaphore_mem>>
      %dma_start3A_32 = arith.constant 0 : i32
      %dma_start3A_33 = tpu.memref_slice %arg10[%add3A, %dma_start3A_32] : memref<32x10000xf32, #tpu.memory_space<hbm>> -> memref<1x10000xf32, #tpu.memory_space<hbm>>
      %dma_start3A_34 = tpu.memref_squeeze %dma_start3A_33 : memref<1x10000xf32, #tpu.memory_space<hbm>> -> memref<10000xf32, #tpu.memory_space<hbm>>
      %dma_start3A_35 = arith.constant 0 : i32
      %dma_start3A_36 = tpu.memref_slice %arg10[%add3A, %dma_start3A_35] : memref<32x10000xf32, #tpu.memory_space<hbm>> -> memref<1x10000xf32, #tpu.memory_space<hbm>>
      %dma_start3A_37 = tpu.memref_squeeze %dma_start3A_36 : memref<1x10000xf32, #tpu.memory_space<hbm>> -> memref<10000xf32, #tpu.memory_space<hbm>>
      tpu.enqueue_dma source(%arg28 : memref<10000xf32, #tpu.memory_space<vmem>>) target(%dma_start3A_37 : memref<10000xf32, #tpu.memory_space<hbm>>) target_semaphore(%run_scoped3A : memref<!tpu.dma_semaphore, #tpu.memory_space<semaphore_mem>>)
      %dma_wait3A = arith.constant 0 : i32
      %dma_wait3A_38 = tpu.memref_slice %arg10[%add3A, %dma_wait3A] : memref<32x10000xf32, #tpu.memory_space<hbm>> -> memref<1x10000xf32, #tpu.memory_space<hbm>>
      %dma_wait3A_39 = tpu.memref_squeeze %dma_wait3A_38 : memref<1x10000xf32, #tpu.memory_space<hbm>> -> memref<10000xf32, #tpu.memory_space<hbm>>
      %dma_wait3A_40 = arith.constant 0 : i32
      %dma_wait3A_41 = tpu.memref_slice %arg10[%add3A, %dma_wait3A_40] : memref<32x10000xf32, #tpu.memory_space<hbm>> -> memref<1x10000xf32, #tpu.memory_space<hbm>>
      %dma_wait3A_42 = tpu.memref_squeeze %dma_wait3A_41 : memref<1x10000xf32, #tpu.memory_space<hbm>> -> memref<10000xf32, #tpu.memory_space<hbm>>
      tpu.wait_dma2 semaphore(%run_scoped3A : memref<!tpu.dma_semaphore, #tpu.memory_space<semaphore_mem>>) src(%arg28 : memref<10000xf32, #tpu.memory_space<vmem>>) dst(%dma_wait3A_42 : memref<10000xf32, #tpu.memory_space<hbm>>)
      tpu.yield
    }) : () -> ()
    "tpu.region"() ({
      %run_scoped3A = tpu.sem_alloc : memref<!tpu.dma_semaphore, #tpu.memory_space<semaphore_mem>>
      %dma_start3A_32 = arith.constant 0 : i32
      %dma_start3A_33 = tpu.memref_slice %arg11[%add3A, %dma_start3A_32] : memref<32x10000xf32, #tpu.memory_space<hbm>> -> memref<1x10000xf32, #tpu.memory_space<hbm>>
      %dma_start3A_34 = tpu.memref_squeeze %dma_start3A_33 : memref<1x10000xf32, #tpu.memory_space<hbm>> -> memref<10000xf32, #tpu.memory_space<hbm>>
      %dma_start3A_35 = arith.constant 0 : i32
      %dma_start3A_36 = tpu.memref_slice %arg11[%add3A, %dma_start3A_35] : memref<32x10000xf32, #tpu.memory_space<hbm>> -> memref<1x10000xf32, #tpu.memory_space<hbm>>
      %dma_start3A_37 = tpu.memref_squeeze %dma_start3A_36 : memref<1x10000xf32, #tpu.memory_space<hbm>> -> memref<10000xf32, #tpu.memory_space<hbm>>
      tpu.enqueue_dma source(%arg29 : memref<10000xf32, #tpu.memory_space<vmem>>) target(%dma_start3A_37 : memref<10000xf32, #tpu.memory_space<hbm>>) target_semaphore(%run_scoped3A : memref<!tpu.dma_semaphore, #tpu.memory_space<semaphore_mem>>)
      %dma_wait3A = arith.constant 0 : i32
      %dma_wait3A_38 = tpu.memref_slice %arg11[%add3A, %dma_wait3A] : memref<32x10000xf32, #tpu.memory_space<hbm>> -> memref<1x10000xf32, #tpu.memory_space<hbm>>
      %dma_wait3A_39 = tpu.memref_squeeze %dma_wait3A_38 : memref<1x10000xf32, #tpu.memory_space<hbm>> -> memref<10000xf32, #tpu.memory_space<hbm>>
      %dma_wait3A_40 = arith.constant 0 : i32
      %dma_wait3A_41 = tpu.memref_slice %arg11[%add3A, %dma_wait3A_40] : memref<32x10000xf32, #tpu.memory_space<hbm>> -> memref<1x10000xf32, #tpu.memory_space<hbm>>
      %dma_wait3A_42 = tpu.memref_squeeze %dma_wait3A_41 : memref<1x10000xf32, #tpu.memory_space<hbm>> -> memref<10000xf32, #tpu.memory_space<hbm>>
      tpu.wait_dma2 semaphore(%run_scoped3A : memref<!tpu.dma_semaphore, #tpu.memory_space<semaphore_mem>>) src(%arg29 : memref<10000xf32, #tpu.memory_space<vmem>>) dst(%dma_wait3A_42 : memref<10000xf32, #tpu.memory_space<hbm>>)
      tpu.yield
    }) : () -> ()
    "tpu.region"() ({
      %run_scoped3A = tpu.sem_alloc : memref<!tpu.dma_semaphore, #tpu.memory_space<semaphore_mem>>
      %dma_start3A_32 = arith.constant 0 : i32
      %dma_start3A_33 = tpu.memref_slice %arg12[%add3A, %dma_start3A_32] : memref<32x10000xf32, #tpu.memory_space<hbm>> -> memref<1x10000xf32, #tpu.memory_space<hbm>>
      %dma_start3A_34 = tpu.memref_squeeze %dma_start3A_33 : memref<1x10000xf32, #tpu.memory_space<hbm>> -> memref<10000xf32, #tpu.memory_space<hbm>>
      %dma_start3A_35 = arith.constant 0 : i32
      %dma_start3A_36 = tpu.memref_slice %arg12[%add3A, %dma_start3A_35] : memref<32x10000xf32, #tpu.memory_space<hbm>> -> memref<1x10000xf32, #tpu.memory_space<hbm>>
      %dma_start3A_37 = tpu.memref_squeeze %dma_start3A_36 : memref<1x10000xf32, #tpu.memory_space<hbm>> -> memref<10000xf32, #tpu.memory_space<hbm>>
      tpu.enqueue_dma source(%arg30 : memref<10000xf32, #tpu.memory_space<vmem>>) target(%dma_start3A_37 : memref<10000xf32, #tpu.memory_space<hbm>>) target_semaphore(%run_scoped3A : memref<!tpu.dma_semaphore, #tpu.memory_space<semaphore_mem>>)
      %dma_wait3A = arith.constant 0 : i32
      %dma_wait3A_38 = tpu.memref_slice %arg12[%add3A, %dma_wait3A] : memref<32x10000xf32, #tpu.memory_space<hbm>> -> memref<1x10000xf32, #tpu.memory_space<hbm>>
      %dma_wait3A_39 = tpu.memref_squeeze %dma_wait3A_38 : memref<1x10000xf32, #tpu.memory_space<hbm>> -> memref<10000xf32, #tpu.memory_space<hbm>>
      %dma_wait3A_40 = arith.constant 0 : i32
      %dma_wait3A_41 = tpu.memref_slice %arg12[%add3A, %dma_wait3A_40] : memref<32x10000xf32, #tpu.memory_space<hbm>> -> memref<1x10000xf32, #tpu.memory_space<hbm>>
      %dma_wait3A_42 = tpu.memref_squeeze %dma_wait3A_41 : memref<1x10000xf32, #tpu.memory_space<hbm>> -> memref<10000xf32, #tpu.memory_space<hbm>>
      tpu.wait_dma2 semaphore(%run_scoped3A : memref<!tpu.dma_semaphore, #tpu.memory_space<semaphore_mem>>) src(%arg30 : memref<10000xf32, #tpu.memory_space<vmem>>) dst(%dma_wait3A_42 : memref<10000xf32, #tpu.memory_space<hbm>>)
      tpu.yield
    }) : () -> ()
    "tpu.region"() ({
      %run_scoped3A = tpu.sem_alloc : memref<!tpu.dma_semaphore, #tpu.memory_space<semaphore_mem>>
      %dma_start3A_32 = arith.constant 0 : i32
      %dma_start3A_33 = tpu.memref_slice %arg13[%add3A, %dma_start3A_32] : memref<32x10000xf32, #tpu.memory_space<hbm>> -> memref<1x10000xf32, #tpu.memory_space<hbm>>
      %dma_start3A_34 = tpu.memref_squeeze %dma_start3A_33 : memref<1x10000xf32, #tpu.memory_space<hbm>> -> memref<10000xf32, #tpu.memory_space<hbm>>
      %dma_start3A_35 = arith.constant 0 : i32
      %dma_start3A_36 = tpu.memref_slice %arg13[%add3A, %dma_start3A_35] : memref<32x10000xf32, #tpu.memory_space<hbm>> -> memref<1x10000xf32, #tpu.memory_space<hbm>>
      %dma_start3A_37 = tpu.memref_squeeze %dma_start3A_36 : memref<1x10000xf32, #tpu.memory_space<hbm>> -> memref<10000xf32, #tpu.memory_space<hbm>>
      tpu.enqueue_dma source(%arg31 : memref<10000xf32, #tpu.memory_space<vmem>>) target(%dma_start3A_37 : memref<10000xf32, #tpu.memory_space<hbm>>) target_semaphore(%run_scoped3A : memref<!tpu.dma_semaphore, #tpu.memory_space<semaphore_mem>>)
      %dma_wait3A = arith.constant 0 : i32
      %dma_wait3A_38 = tpu.memref_slice %arg13[%add3A, %dma_wait3A] : memref<32x10000xf32, #tpu.memory_space<hbm>> -> memref<1x10000xf32, #tpu.memory_space<hbm>>
      %dma_wait3A_39 = tpu.memref_squeeze %dma_wait3A_38 : memref<1x10000xf32, #tpu.memory_space<hbm>> -> memref<10000xf32, #tpu.memory_space<hbm>>
      %dma_wait3A_40 = arith.constant 0 : i32
      %dma_wait3A_41 = tpu.memref_slice %arg13[%add3A, %dma_wait3A_40] : memref<32x10000xf32, #tpu.memory_space<hbm>> -> memref<1x10000xf32, #tpu.memory_space<hbm>>
      %dma_wait3A_42 = tpu.memref_squeeze %dma_wait3A_41 : memref<1x10000xf32, #tpu.memory_space<hbm>> -> memref<10000xf32, #tpu.memory_space<hbm>>
      tpu.wait_dma2 semaphore(%run_scoped3A : memref<!tpu.dma_semaphore, #tpu.memory_space<semaphore_mem>>) src(%arg31 : memref<10000xf32, #tpu.memory_space<vmem>>) dst(%dma_wait3A_42 : memref<10000xf32, #tpu.memory_space<hbm>>)
      tpu.yield
    }) : () -> ()
    return
  }
}

module attributes {stable_mosaic.version = 14 : i64} {
  func.func @_mask_kernel(%arg0: i32, %arg1: memref<128000xf32, #tpu.memory_space<vmem>>, %arg2: memref<128000xf32, #tpu.memory_space<vmem>>, %arg3: memref<128000xf32, #tpu.memory_space<vmem>>, %arg4: memref<128000xf32, #tpu.memory_space<vmem>>, %arg5: memref<128000xf32, #tpu.memory_space<vmem>>, %arg6: memref<128000xf32, #tpu.memory_space<vmem>>) attributes {dimension_semantics = [#tpu.dimension_semantics<arbitrary>], iteration_bounds = array<i64: 25>, scalar_prefetch = 0 : i64, scratch_operands = 0 : i64, tpu.core_type = #tpu.core_type<tc>, window_params = [{transform_indices = @transform_0, window_bounds = array<i64: 128000>}, {transform_indices = @transform_1, window_bounds = array<i64: 128000>}, {transform_indices = @transform_2, window_bounds = array<i64: 128000>}, {transform_indices = @transform_3, window_bounds = array<i64: 128000>}, {transform_indices = @transform_4, window_bounds = array<i64: 128000>}, {transform_indices = @transform_5, window_bounds = array<i64: 128000>}]} {
    %get3A = arith.constant 0 : index
    %get3A_0 = vector.load %arg1[%get3A] : memref<128000xf32, #tpu.memory_space<vmem>>, vector<128000xf32>
    %get3A_1 = arith.constant 0 : index
    %get3A_2 = vector.load %arg2[%get3A_1] : memref<128000xf32, #tpu.memory_space<vmem>>, vector<128000xf32>
    %get3A_3 = arith.constant 0 : index
    %get3A_4 = vector.load %arg3[%get3A_3] : memref<128000xf32, #tpu.memory_space<vmem>>, vector<128000xf32>
    %get3A_5 = arith.constant 0 : index
    %get3A_6 = vector.load %arg4[%get3A_5] : memref<128000xf32, #tpu.memory_space<vmem>>, vector<128000xf32>
    %gt3A = arith.cmpf ogt, %get3A_2, %get3A_0 : vector<128000xf32>
    %ge3A = arith.cmpf oge, %get3A_2, %get3A_4 : vector<128000xf32>
    %and3A = arith.andi %gt3A, %ge3A : vector<128000xi1>
    %ge3A_7 = arith.cmpf oge, %get3A_2, %get3A_6 : vector<128000xf32>
    %and3A_8 = arith.andi %and3A, %ge3A_7 : vector<128000xi1>
    %get3A_9 = arith.constant 0 : index
    %get3A_10 = vector.load %arg5[%get3A_9] : memref<128000xf32, #tpu.memory_space<vmem>>, vector<128000xf32>
    %jit3A = arith.constant 0x7F800000 : f32
    %broadcast_in_dim3A = vector.broadcast %jit3A : f32 to vector<128000xf32>
    %select_n3A = arith.select %and3A_8, %get3A_10, %broadcast_in_dim3A : vector<128000xi1>, vector<128000xf32>
    %swap3A = arith.constant 0 : index
    %swap3A_11 = vector.load %arg6[%swap3A] : memref<128000xf32, #tpu.memory_space<vmem>>, vector<128000xf32>
    tpu.vector_store %arg6[%swap3A], %select_n3A {strides = array<i32>} : memref<128000xf32, #tpu.memory_space<vmem>>, vector<128000xf32>,
    return
  }
  func.func @transform_0(%arg0: i32) -> i32 {
    %c0_i32 = arith.constant 0 : i32
    return %arg0 : i32
  }
  func.func @transform_1(%arg0: i32) -> i32 {
    %c0_i32 = arith.constant 0 : i32
    return %arg0 : i32
  }
  func.func @transform_2(%arg0: i32) -> i32 {
    %c0_i32 = arith.constant 0 : i32
    return %arg0 : i32
  }
  func.func @transform_3(%arg0: i32) -> i32 {
    %c0_i32 = arith.constant 0 : i32
    return %arg0 : i32
  }
  func.func @transform_4(%arg0: i32) -> i32 {
    %c0_i32 = arith.constant 0 : i32
    return %arg0 : i32
  }
  func.func @transform_5(%arg0: i32) -> i32 {
    %c0_i32 = arith.constant 0 : i32
    return %arg0 : i32
  }
}

module attributes {stable_mosaic.version = 14 : i64} {
  func.func @_merge_kernel(%arg0: memref<32x10000xf32, #tpu.memory_space<vmem>>, %arg1: memref<32x10000xi32, #tpu.memory_space<vmem>>, %arg2: memref<32x10000xf32, #tpu.memory_space<vmem>>, %arg3: memref<32x10000xf32, #tpu.memory_space<vmem>>, %arg4: memref<32x10000xf32, #tpu.memory_space<vmem>>, %arg5: memref<32x10000xf32, #tpu.memory_space<vmem>>, %arg6: memref<10000xi32, #tpu.memory_space<vmem>>, %arg7: memref<10000x3xf32, #tpu.memory_space<vmem>>) attributes {dimension_semantics = [], scalar_prefetch = 0 : i64, scratch_operands = 0 : i64, tpu.core_type = #tpu.core_type<tc>} {
    %get3A = arith.constant 0 : index
    %get3A_0 = arith.constant 0 : index
    %get3A_1 = vector.load %arg0[%get3A, %get3A_0] : memref<32x10000xf32, #tpu.memory_space<vmem>>, vector<1x10000xf32>
    %get3A_2 = vector.shape_cast %get3A_1 : vector<1x10000xf32> to vector<10000xf32>
    %get3A_3 = arith.constant 0 : index
    %get3A_4 = arith.constant 0 : index
    %get3A_5 = vector.load %arg1[%get3A_3, %get3A_4] : memref<32x10000xi32, #tpu.memory_space<vmem>>, vector<1x10000xi32>
    %get3A_6 = vector.shape_cast %get3A_5 : vector<1x10000xi32> to vector<10000xi32>
    %get3A_7 = arith.constant 1 : index
    %get3A_8 = arith.constant 0 : index
    %get3A_9 = vector.load %arg0[%get3A_7, %get3A_8] : memref<32x10000xf32, #tpu.memory_space<vmem>>, vector<1x10000xf32>
    %get3A_10 = vector.shape_cast %get3A_9 : vector<1x10000xf32> to vector<10000xf32>
    %get3A_11 = arith.constant 1 : index
    %get3A_12 = arith.constant 0 : index
    %get3A_13 = vector.load %arg1[%get3A_11, %get3A_12] : memref<32x10000xi32, #tpu.memory_space<vmem>>, vector<1x10000xi32>
    %get3A_14 = vector.shape_cast %get3A_13 : vector<1x10000xi32> to vector<10000xi32>
    %lt3A = arith.cmpf olt, %get3A_10, %get3A_2 : vector<10000xf32>
    %eq3A = arith.cmpf oeq, %get3A_10, %get3A_2 : vector<10000xf32>
    %lt3A_15 = arith.cmpi slt, %get3A_14, %get3A_6 : vector<10000xi32>
    %and3A = arith.andi %eq3A, %lt3A_15 : vector<10000xi1>
    %or3A = arith.ori %lt3A, %and3A : vector<10000xi1>
    %select_n3A = arith.select %or3A, %get3A_10, %get3A_2 : vector<10000xi1>, vector<10000xf32>
    %select_n3A_16 = arith.select %or3A, %get3A_14, %get3A_6 : vector<10000xi1>, vector<10000xi32>
    %get3A_17 = arith.constant 2 : index
    %get3A_18 = arith.constant 0 : index
    %get3A_19 = vector.load %arg0[%get3A_17, %get3A_18] : memref<32x10000xf32, #tpu.memory_space<vmem>>, vector<1x10000xf32>
    %get3A_20 = vector.shape_cast %get3A_19 : vector<1x10000xf32> to vector<10000xf32>
    %get3A_21 = arith.constant 2 : index
    %get3A_22 = arith.constant 0 : index
    %get3A_23 = vector.load %arg1[%get3A_21, %get3A_22] : memref<32x10000xi32, #tpu.memory_space<vmem>>, vector<1x10000xi32>
    %get3A_24 = vector.shape_cast %get3A_23 : vector<1x10000xi32> to vector<10000xi32>
    %lt3A_25 = arith.cmpf olt, %get3A_20, %select_n3A : vector<10000xf32>
    %eq3A_26 = arith.cmpf oeq, %get3A_20, %select_n3A : vector<10000xf32>
    %lt3A_27 = arith.cmpi slt, %get3A_24, %select_n3A_16 : vector<10000xi32>
    %and3A_28 = arith.andi %eq3A_26, %lt3A_27 : vector<10000xi1>
    %or3A_29 = arith.ori %lt3A_25, %and3A_28 : vector<10000xi1>
    %select_n3A_30 = arith.select %or3A_29, %get3A_20, %select_n3A : vector<10000xi1>, vector<10000xf32>
    %select_n3A_31 = arith.select %or3A_29, %get3A_24, %select_n3A_16 : vector<10000xi1>, vector<10000xi32>
    %get3A_32 = arith.constant 3 : index
    %get3A_33 = arith.constant 0 : index
    %get3A_34 = vector.load %arg0[%get3A_32, %get3A_33] : memref<32x10000xf32, #tpu.memory_space<vmem>>, vector<1x10000xf32>
    %get3A_35 = vector.shape_cast %get3A_34 : vector<1x10000xf32> to vector<10000xf32>
    %get3A_36 = arith.constant 3 : index
    %get3A_37 = arith.constant 0 : index
    %get3A_38 = vector.load %arg1[%get3A_36, %get3A_37] : memref<32x10000xi32, #tpu.memory_space<vmem>>, vector<1x10000xi32>
    %get3A_39 = vector.shape_cast %get3A_38 : vector<1x10000xi32> to vector<10000xi32>
    %lt3A_40 = arith.cmpf olt, %get3A_35, %select_n3A_30 : vector<10000xf32>
    %eq3A_41 = arith.cmpf oeq, %get3A_35, %select_n3A_30 : vector<10000xf32>
    %lt3A_42 = arith.cmpi slt, %get3A_39, %select_n3A_31 : vector<10000xi32>
    %and3A_43 = arith.andi %eq3A_41, %lt3A_42 : vector<10000xi1>
    %or3A_44 = arith.ori %lt3A_40, %and3A_43 : vector<10000xi1>
    %select_n3A_45 = arith.select %or3A_44, %get3A_35, %select_n3A_30 : vector<10000xi1>, vector<10000xf32>
    %select_n3A_46 = arith.select %or3A_44, %get3A_39, %select_n3A_31 : vector<10000xi1>, vector<10000xi32>
    %get3A_47 = arith.constant 4 : index
    %get3A_48 = arith.constant 0 : index
    %get3A_49 = vector.load %arg0[%get3A_47, %get3A_48] : memref<32x10000xf32, #tpu.memory_space<vmem>>, vector<1x10000xf32>
    %get3A_50 = vector.shape_cast %get3A_49 : vector<1x10000xf32> to vector<10000xf32>
    %get3A_51 = arith.constant 4 : index
    %get3A_52 = arith.constant 0 : index
    %get3A_53 = vector.load %arg1[%get3A_51, %get3A_52] : memref<32x10000xi32, #tpu.memory_space<vmem>>, vector<1x10000xi32>
    %get3A_54 = vector.shape_cast %get3A_53 : vector<1x10000xi32> to vector<10000xi32>
    %lt3A_55 = arith.cmpf olt, %get3A_50, %select_n3A_45 : vector<10000xf32>
    %eq3A_56 = arith.cmpf oeq, %get3A_50, %select_n3A_45 : vector<10000xf32>
    %lt3A_57 = arith.cmpi slt, %get3A_54, %select_n3A_46 : vector<10000xi32>
    %and3A_58 = arith.andi %eq3A_56, %lt3A_57 : vector<10000xi1>
    %or3A_59 = arith.ori %lt3A_55, %and3A_58 : vector<10000xi1>
    %select_n3A_60 = arith.select %or3A_59, %get3A_50, %select_n3A_45 : vector<10000xi1>, vector<10000xf32>
    %select_n3A_61 = arith.select %or3A_59, %get3A_54, %select_n3A_46 : vector<10000xi1>, vector<10000xi32>
    %get3A_62 = arith.constant 5 : index
    %get3A_63 = arith.constant 0 : index
    %get3A_64 = vector.load %arg0[%get3A_62, %get3A_63] : memref<32x10000xf32, #tpu.memory_space<vmem>>, vector<1x10000xf32>
    %get3A_65 = vector.shape_cast %get3A_64 : vector<1x10000xf32> to vector<10000xf32>
    %get3A_66 = arith.constant 5 : index
    %get3A_67 = arith.constant 0 : index
    %get3A_68 = vector.load %arg1[%get3A_66, %get3A_67] : memref<32x10000xi32, #tpu.memory_space<vmem>>, vector<1x10000xi32>
    %get3A_69 = vector.shape_cast %get3A_68 : vector<1x10000xi32> to vector<10000xi32>
    %lt3A_70 = arith.cmpf olt, %get3A_65, %select_n3A_60 : vector<10000xf32>
    %eq3A_71 = arith.cmpf oeq, %get3A_65, %select_n3A_60 : vector<10000xf32>
    %lt3A_72 = arith.cmpi slt, %get3A_69, %select_n3A_61 : vector<10000xi32>
    %and3A_73 = arith.andi %eq3A_71, %lt3A_72 : vector<10000xi1>
    %or3A_74 = arith.ori %lt3A_70, %and3A_73 : vector<10000xi1>
    %select_n3A_75 = arith.select %or3A_74, %get3A_65, %select_n3A_60 : vector<10000xi1>, vector<10000xf32>
    %select_n3A_76 = arith.select %or3A_74, %get3A_69, %select_n3A_61 : vector<10000xi1>, vector<10000xi32>
    %get3A_77 = arith.constant 6 : index
    %get3A_78 = arith.constant 0 : index
    %get3A_79 = vector.load %arg0[%get3A_77, %get3A_78] : memref<32x10000xf32, #tpu.memory_space<vmem>>, vector<1x10000xf32>
    %get3A_80 = vector.shape_cast %get3A_79 : vector<1x10000xf32> to vector<10000xf32>
    %get3A_81 = arith.constant 6 : index
    %get3A_82 = arith.constant 0 : index
    %get3A_83 = vector.load %arg1[%get3A_81, %get3A_82] : memref<32x10000xi32, #tpu.memory_space<vmem>>, vector<1x10000xi32>
    %get3A_84 = vector.shape_cast %get3A_83 : vector<1x10000xi32> to vector<10000xi32>
    %lt3A_85 = arith.cmpf olt, %get3A_80, %select_n3A_75 : vector<10000xf32>
    %eq3A_86 = arith.cmpf oeq, %get3A_80, %select_n3A_75 : vector<10000xf32>
    %lt3A_87 = arith.cmpi slt, %get3A_84, %select_n3A_76 : vector<10000xi32>
    %and3A_88 = arith.andi %eq3A_86, %lt3A_87 : vector<10000xi1>
    %or3A_89 = arith.ori %lt3A_85, %and3A_88 : vector<10000xi1>
    %select_n3A_90 = arith.select %or3A_89, %get3A_80, %select_n3A_75 : vector<10000xi1>, vector<10000xf32>
    %select_n3A_91 = arith.select %or3A_89, %get3A_84, %select_n3A_76 : vector<10000xi1>, vector<10000xi32>
    %get3A_92 = arith.constant 7 : index
    %get3A_93 = arith.constant 0 : index
    %get3A_94 = vector.load %arg0[%get3A_92, %get3A_93] : memref<32x10000xf32, #tpu.memory_space<vmem>>, vector<1x10000xf32>
    %get3A_95 = vector.shape_cast %get3A_94 : vector<1x10000xf32> to vector<10000xf32>
    %get3A_96 = arith.constant 7 : index
    %get3A_97 = arith.constant 0 : index
    %get3A_98 = vector.load %arg1[%get3A_96, %get3A_97] : memref<32x10000xi32, #tpu.memory_space<vmem>>, vector<1x10000xi32>
    %get3A_99 = vector.shape_cast %get3A_98 : vector<1x10000xi32> to vector<10000xi32>
    %lt3A_100 = arith.cmpf olt, %get3A_95, %select_n3A_90 : vector<10000xf32>
    %eq3A_101 = arith.cmpf oeq, %get3A_95, %select_n3A_90 : vector<10000xf32>
    %lt3A_102 = arith.cmpi slt, %get3A_99, %select_n3A_91 : vector<10000xi32>
    %and3A_103 = arith.andi %eq3A_101, %lt3A_102 : vector<10000xi1>
    %or3A_104 = arith.ori %lt3A_100, %and3A_103 : vector<10000xi1>
    %select_n3A_105 = arith.select %or3A_104, %get3A_95, %select_n3A_90 : vector<10000xi1>, vector<10000xf32>
    %select_n3A_106 = arith.select %or3A_104, %get3A_99, %select_n3A_91 : vector<10000xi1>, vector<10000xi32>
    %get3A_107 = arith.constant 8 : index
    %get3A_108 = arith.constant 0 : index
    %get3A_109 = vector.load %arg0[%get3A_107, %get3A_108] : memref<32x10000xf32, #tpu.memory_space<vmem>>, vector<1x10000xf32>
    %get3A_110 = vector.shape_cast %get3A_109 : vector<1x10000xf32> to vector<10000xf32>
    %get3A_111 = arith.constant 8 : index
    %get3A_112 = arith.constant 0 : index
    %get3A_113 = vector.load %arg1[%get3A_111, %get3A_112] : memref<32x10000xi32, #tpu.memory_space<vmem>>, vector<1x10000xi32>
    %get3A_114 = vector.shape_cast %get3A_113 : vector<1x10000xi32> to vector<10000xi32>
    %lt3A_115 = arith.cmpf olt, %get3A_110, %select_n3A_105 : vector<10000xf32>
    %eq3A_116 = arith.cmpf oeq, %get3A_110, %select_n3A_105 : vector<10000xf32>
    %lt3A_117 = arith.cmpi slt, %get3A_114, %select_n3A_106 : vector<10000xi32>
    %and3A_118 = arith.andi %eq3A_116, %lt3A_117 : vector<10000xi1>
    %or3A_119 = arith.ori %lt3A_115, %and3A_118 : vector<10000xi1>
    %select_n3A_120 = arith.select %or3A_119, %get3A_110, %select_n3A_105 : vector<10000xi1>, vector<10000xf32>
    %select_n3A_121 = arith.select %or3A_119, %get3A_114, %select_n3A_106 : vector<10000xi1>, vector<10000xi32>
    %get3A_122 = arith.constant 9 : index
    %get3A_123 = arith.constant 0 : index
    %get3A_124 = vector.load %arg0[%get3A_122, %get3A_123] : memref<32x10000xf32, #tpu.memory_space<vmem>>, vector<1x10000xf32>
    %get3A_125 = vector.shape_cast %get3A_124 : vector<1x10000xf32> to vector<10000xf32>
    %get3A_126 = arith.constant 9 : index
    %get3A_127 = arith.constant 0 : index
    %get3A_128 = vector.load %arg1[%get3A_126, %get3A_127] : memref<32x10000xi32, #tpu.memory_space<vmem>>, vector<1x10000xi32>
    %get3A_129 = vector.shape_cast %get3A_128 : vector<1x10000xi32> to vector<10000xi32>
    %lt3A_130 = arith.cmpf olt, %get3A_125, %select_n3A_120 : vector<10000xf32>
    %eq3A_131 = arith.cmpf oeq, %get3A_125, %select_n3A_120 : vector<10000xf32>
    %lt3A_132 = arith.cmpi slt, %get3A_129, %select_n3A_121 : vector<10000xi32>
    %and3A_133 = arith.andi %eq3A_131, %lt3A_132 : vector<10000xi1>
    %or3A_134 = arith.ori %lt3A_130, %and3A_133 : vector<10000xi1>
    %select_n3A_135 = arith.select %or3A_134, %get3A_125, %select_n3A_120 : vector<10000xi1>, vector<10000xf32>
    %select_n3A_136 = arith.select %or3A_134, %get3A_129, %select_n3A_121 : vector<10000xi1>, vector<10000xi32>
    %get3A_137 = arith.constant 10 : index
    %get3A_138 = arith.constant 0 : index
    %get3A_139 = vector.load %arg0[%get3A_137, %get3A_138] : memref<32x10000xf32, #tpu.memory_space<vmem>>, vector<1x10000xf32>
    %get3A_140 = vector.shape_cast %get3A_139 : vector<1x10000xf32> to vector<10000xf32>
    %get3A_141 = arith.constant 10 : index
    %get3A_142 = arith.constant 0 : index
    %get3A_143 = vector.load %arg1[%get3A_141, %get3A_142] : memref<32x10000xi32, #tpu.memory_space<vmem>>, vector<1x10000xi32>
    %get3A_144 = vector.shape_cast %get3A_143 : vector<1x10000xi32> to vector<10000xi32>
    %lt3A_145 = arith.cmpf olt, %get3A_140, %select_n3A_135 : vector<10000xf32>
    %eq3A_146 = arith.cmpf oeq, %get3A_140, %select_n3A_135 : vector<10000xf32>
    %lt3A_147 = arith.cmpi slt, %get3A_144, %select_n3A_136 : vector<10000xi32>
    %and3A_148 = arith.andi %eq3A_146, %lt3A_147 : vector<10000xi1>
    %or3A_149 = arith.ori %lt3A_145, %and3A_148 : vector<10000xi1>
    %select_n3A_150 = arith.select %or3A_149, %get3A_140, %select_n3A_135 : vector<10000xi1>, vector<10000xf32>
    %select_n3A_151 = arith.select %or3A_149, %get3A_144, %select_n3A_136 : vector<10000xi1>, vector<10000xi32>
    %get3A_152 = arith.constant 11 : index
    %get3A_153 = arith.constant 0 : index
    %get3A_154 = vector.load %arg0[%get3A_152, %get3A_153] : memref<32x10000xf32, #tpu.memory_space<vmem>>, vector<1x10000xf32>
    %get3A_155 = vector.shape_cast %get3A_154 : vector<1x10000xf32> to vector<10000xf32>
    %get3A_156 = arith.constant 11 : index
    %get3A_157 = arith.constant 0 : index
    %get3A_158 = vector.load %arg1[%get3A_156, %get3A_157] : memref<32x10000xi32, #tpu.memory_space<vmem>>, vector<1x10000xi32>
    %get3A_159 = vector.shape_cast %get3A_158 : vector<1x10000xi32> to vector<10000xi32>
    %lt3A_160 = arith.cmpf olt, %get3A_155, %select_n3A_150 : vector<10000xf32>
    %eq3A_161 = arith.cmpf oeq, %get3A_155, %select_n3A_150 : vector<10000xf32>
    %lt3A_162 = arith.cmpi slt, %get3A_159, %select_n3A_151 : vector<10000xi32>
    %and3A_163 = arith.andi %eq3A_161, %lt3A_162 : vector<10000xi1>
    %or3A_164 = arith.ori %lt3A_160, %and3A_163 : vector<10000xi1>
    %select_n3A_165 = arith.select %or3A_164, %get3A_155, %select_n3A_150 : vector<10000xi1>, vector<10000xf32>
    %select_n3A_166 = arith.select %or3A_164, %get3A_159, %select_n3A_151 : vector<10000xi1>, vector<10000xi32>
    %get3A_167 = arith.constant 12 : index
    %get3A_168 = arith.constant 0 : index
    %get3A_169 = vector.load %arg0[%get3A_167, %get3A_168] : memref<32x10000xf32, #tpu.memory_space<vmem>>, vector<1x10000xf32>
    %get3A_170 = vector.shape_cast %get3A_169 : vector<1x10000xf32> to vector<10000xf32>
    %get3A_171 = arith.constant 12 : index
    %get3A_172 = arith.constant 0 : index
    %get3A_173 = vector.load %arg1[%get3A_171, %get3A_172] : memref<32x10000xi32, #tpu.memory_space<vmem>>, vector<1x10000xi32>
    %get3A_174 = vector.shape_cast %get3A_173 : vector<1x10000xi32> to vector<10000xi32>
    %lt3A_175 = arith.cmpf olt, %get3A_170, %select_n3A_165 : vector<10000xf32>
    %eq3A_176 = arith.cmpf oeq, %get3A_170, %select_n3A_165 : vector<10000xf32>
    %lt3A_177 = arith.cmpi slt, %get3A_174, %select_n3A_166 : vector<10000xi32>
    %and3A_178 = arith.andi %eq3A_176, %lt3A_177 : vector<10000xi1>
    %or3A_179 = arith.ori %lt3A_175, %and3A_178 : vector<10000xi1>
    %select_n3A_180 = arith.select %or3A_179, %get3A_170, %select_n3A_165 : vector<10000xi1>, vector<10000xf32>
    %select_n3A_181 = arith.select %or3A_179, %get3A_174, %select_n3A_166 : vector<10000xi1>, vector<10000xi32>
    %get3A_182 = arith.constant 13 : index
    %get3A_183 = arith.constant 0 : index
    %get3A_184 = vector.load %arg0[%get3A_182, %get3A_183] : memref<32x10000xf32, #tpu.memory_space<vmem>>, vector<1x10000xf32>
    %get3A_185 = vector.shape_cast %get3A_184 : vector<1x10000xf32> to vector<10000xf32>
    %get3A_186 = arith.constant 13 : index
    %get3A_187 = arith.constant 0 : index
    %get3A_188 = vector.load %arg1[%get3A_186, %get3A_187] : memref<32x10000xi32, #tpu.memory_space<vmem>>, vector<1x10000xi32>
    %get3A_189 = vector.shape_cast %get3A_188 : vector<1x10000xi32> to vector<10000xi32>
    %lt3A_190 = arith.cmpf olt, %get3A_185, %select_n3A_180 : vector<10000xf32>
    %eq3A_191 = arith.cmpf oeq, %get3A_185, %select_n3A_180 : vector<10000xf32>
    %lt3A_192 = arith.cmpi slt, %get3A_189, %select_n3A_181 : vector<10000xi32>
    %and3A_193 = arith.andi %eq3A_191, %lt3A_192 : vector<10000xi1>
    %or3A_194 = arith.ori %lt3A_190, %and3A_193 : vector<10000xi1>
    %select_n3A_195 = arith.select %or3A_194, %get3A_185, %select_n3A_180 : vector<10000xi1>, vector<10000xf32>
    %select_n3A_196 = arith.select %or3A_194, %get3A_189, %select_n3A_181 : vector<10000xi1>, vector<10000xi32>
    %get3A_197 = arith.constant 14 : index
    %get3A_198 = arith.constant 0 : index
    %get3A_199 = vector.load %arg0[%get3A_197, %get3A_198] : memref<32x10000xf32, #tpu.memory_space<vmem>>, vector<1x10000xf32>
    %get3A_200 = vector.shape_cast %get3A_199 : vector<1x10000xf32> to vector<10000xf32>
    %get3A_201 = arith.constant 14 : index
    %get3A_202 = arith.constant 0 : index
    %get3A_203 = vector.load %arg1[%get3A_201, %get3A_202] : memref<32x10000xi32, #tpu.memory_space<vmem>>, vector<1x10000xi32>
    %get3A_204 = vector.shape_cast %get3A_203 : vector<1x10000xi32> to vector<10000xi32>
    %lt3A_205 = arith.cmpf olt, %get3A_200, %select_n3A_195 : vector<10000xf32>
    %eq3A_206 = arith.cmpf oeq, %get3A_200, %select_n3A_195 : vector<10000xf32>
    %lt3A_207 = arith.cmpi slt, %get3A_204, %select_n3A_196 : vector<10000xi32>
    %and3A_208 = arith.andi %eq3A_206, %lt3A_207 : vector<10000xi1>
    %or3A_209 = arith.ori %lt3A_205, %and3A_208 : vector<10000xi1>
    %select_n3A_210 = arith.select %or3A_209, %get3A_200, %select_n3A_195 : vector<10000xi1>, vector<10000xf32>
    %select_n3A_211 = arith.select %or3A_209, %get3A_204, %select_n3A_196 : vector<10000xi1>, vector<10000xi32>
    %get3A_212 = arith.constant 15 : index
    %get3A_213 = arith.constant 0 : index
    %get3A_214 = vector.load %arg0[%get3A_212, %get3A_213] : memref<32x10000xf32, #tpu.memory_space<vmem>>, vector<1x10000xf32>
    %get3A_215 = vector.shape_cast %get3A_214 : vector<1x10000xf32> to vector<10000xf32>
    %get3A_216 = arith.constant 15 : index
    %get3A_217 = arith.constant 0 : index
    %get3A_218 = vector.load %arg1[%get3A_216, %get3A_217] : memref<32x10000xi32, #tpu.memory_space<vmem>>, vector<1x10000xi32>
    %get3A_219 = vector.shape_cast %get3A_218 : vector<1x10000xi32> to vector<10000xi32>
    %lt3A_220 = arith.cmpf olt, %get3A_215, %select_n3A_210 : vector<10000xf32>
    %eq3A_221 = arith.cmpf oeq, %get3A_215, %select_n3A_210 : vector<10000xf32>
    %lt3A_222 = arith.cmpi slt, %get3A_219, %select_n3A_211 : vector<10000xi32>
    %and3A_223 = arith.andi %eq3A_221, %lt3A_222 : vector<10000xi1>
    %or3A_224 = arith.ori %lt3A_220, %and3A_223 : vector<10000xi1>
    %select_n3A_225 = arith.select %or3A_224, %get3A_215, %select_n3A_210 : vector<10000xi1>, vector<10000xf32>
    %select_n3A_226 = arith.select %or3A_224, %get3A_219, %select_n3A_211 : vector<10000xi1>, vector<10000xi32>
    %get3A_227 = arith.constant 16 : index
    %get3A_228 = arith.constant 0 : index
    %get3A_229 = vector.load %arg0[%get3A_227, %get3A_228] : memref<32x10000xf32, #tpu.memory_space<vmem>>, vector<1x10000xf32>
    %get3A_230 = vector.shape_cast %get3A_229 : vector<1x10000xf32> to vector<10000xf32>
    %get3A_231 = arith.constant 16 : index
    %get3A_232 = arith.constant 0 : index
    %get3A_233 = vector.load %arg1[%get3A_231, %get3A_232] : memref<32x10000xi32, #tpu.memory_space<vmem>>, vector<1x10000xi32>
    %get3A_234 = vector.shape_cast %get3A_233 : vector<1x10000xi32> to vector<10000xi32>
    %lt3A_235 = arith.cmpf olt, %get3A_230, %select_n3A_225 : vector<10000xf32>
    %eq3A_236 = arith.cmpf oeq, %get3A_230, %select_n3A_225 : vector<10000xf32>
    %lt3A_237 = arith.cmpi slt, %get3A_234, %select_n3A_226 : vector<10000xi32>
    %and3A_238 = arith.andi %eq3A_236, %lt3A_237 : vector<10000xi1>
    %or3A_239 = arith.ori %lt3A_235, %and3A_238 : vector<10000xi1>
    %select_n3A_240 = arith.select %or3A_239, %get3A_230, %select_n3A_225 : vector<10000xi1>, vector<10000xf32>
    %select_n3A_241 = arith.select %or3A_239, %get3A_234, %select_n3A_226 : vector<10000xi1>, vector<10000xi32>
    %get3A_242 = arith.constant 17 : index
    %get3A_243 = arith.constant 0 : index
    %get3A_244 = vector.load %arg0[%get3A_242, %get3A_243] : memref<32x10000xf32, #tpu.memory_space<vmem>>, vector<1x10000xf32>
    %get3A_245 = vector.shape_cast %get3A_244 : vector<1x10000xf32> to vector<10000xf32>
    %get3A_246 = arith.constant 17 : index
    %get3A_247 = arith.constant 0 : index
    %get3A_248 = vector.load %arg1[%get3A_246, %get3A_247] : memref<32x10000xi32, #tpu.memory_space<vmem>>, vector<1x10000xi32>
    %get3A_249 = vector.shape_cast %get3A_248 : vector<1x10000xi32> to vector<10000xi32>
    %lt3A_250 = arith.cmpf olt, %get3A_245, %select_n3A_240 : vector<10000xf32>
    %eq3A_251 = arith.cmpf oeq, %get3A_245, %select_n3A_240 : vector<10000xf32>
    %lt3A_252 = arith.cmpi slt, %get3A_249, %select_n3A_241 : vector<10000xi32>
    %and3A_253 = arith.andi %eq3A_251, %lt3A_252 : vector<10000xi1>
    %or3A_254 = arith.ori %lt3A_250, %and3A_253 : vector<10000xi1>
    %select_n3A_255 = arith.select %or3A_254, %get3A_245, %select_n3A_240 : vector<10000xi1>, vector<10000xf32>
    %select_n3A_256 = arith.select %or3A_254, %get3A_249, %select_n3A_241 : vector<10000xi1>, vector<10000xi32>
    %get3A_257 = arith.constant 18 : index
    %get3A_258 = arith.constant 0 : index
    %get3A_259 = vector.load %arg0[%get3A_257, %get3A_258] : memref<32x10000xf32, #tpu.memory_space<vmem>>, vector<1x10000xf32>
    %get3A_260 = vector.shape_cast %get3A_259 : vector<1x10000xf32> to vector<10000xf32>
    %get3A_261 = arith.constant 18 : index
    %get3A_262 = arith.constant 0 : index
    %get3A_263 = vector.load %arg1[%get3A_261, %get3A_262] : memref<32x10000xi32, #tpu.memory_space<vmem>>, vector<1x10000xi32>
    %get3A_264 = vector.shape_cast %get3A_263 : vector<1x10000xi32> to vector<10000xi32>
    %lt3A_265 = arith.cmpf olt, %get3A_260, %select_n3A_255 : vector<10000xf32>
    %eq3A_266 = arith.cmpf oeq, %get3A_260, %select_n3A_255 : vector<10000xf32>
    %lt3A_267 = arith.cmpi slt, %get3A_264, %select_n3A_256 : vector<10000xi32>
    %and3A_268 = arith.andi %eq3A_266, %lt3A_267 : vector<10000xi1>
    %or3A_269 = arith.ori %lt3A_265, %and3A_268 : vector<10000xi1>
    %select_n3A_270 = arith.select %or3A_269, %get3A_260, %select_n3A_255 : vector<10000xi1>, vector<10000xf32>
    %select_n3A_271 = arith.select %or3A_269, %get3A_264, %select_n3A_256 : vector<10000xi1>, vector<10000xi32>
    %get3A_272 = arith.constant 19 : index
    %get3A_273 = arith.constant 0 : index
    %get3A_274 = vector.load %arg0[%get3A_272, %get3A_273] : memref<32x10000xf32, #tpu.memory_space<vmem>>, vector<1x10000xf32>
    %get3A_275 = vector.shape_cast %get3A_274 : vector<1x10000xf32> to vector<10000xf32>
    %get3A_276 = arith.constant 19 : index
    %get3A_277 = arith.constant 0 : index
    %get3A_278 = vector.load %arg1[%get3A_276, %get3A_277] : memref<32x10000xi32, #tpu.memory_space<vmem>>, vector<1x10000xi32>
    %get3A_279 = vector.shape_cast %get3A_278 : vector<1x10000xi32> to vector<10000xi32>
    %lt3A_280 = arith.cmpf olt, %get3A_275, %select_n3A_270 : vector<10000xf32>
    %eq3A_281 = arith.cmpf oeq, %get3A_275, %select_n3A_270 : vector<10000xf32>
    %lt3A_282 = arith.cmpi slt, %get3A_279, %select_n3A_271 : vector<10000xi32>
    %and3A_283 = arith.andi %eq3A_281, %lt3A_282 : vector<10000xi1>
    %or3A_284 = arith.ori %lt3A_280, %and3A_283 : vector<10000xi1>
    %select_n3A_285 = arith.select %or3A_284, %get3A_275, %select_n3A_270 : vector<10000xi1>, vector<10000xf32>
    %select_n3A_286 = arith.select %or3A_284, %get3A_279, %select_n3A_271 : vector<10000xi1>, vector<10000xi32>
    %get3A_287 = arith.constant 20 : index
    %get3A_288 = arith.constant 0 : index
    %get3A_289 = vector.load %arg0[%get3A_287, %get3A_288] : memref<32x10000xf32, #tpu.memory_space<vmem>>, vector<1x10000xf32>
    %get3A_290 = vector.shape_cast %get3A_289 : vector<1x10000xf32> to vector<10000xf32>
    %get3A_291 = arith.constant 20 : index
    %get3A_292 = arith.constant 0 : index
    %get3A_293 = vector.load %arg1[%get3A_291, %get3A_292] : memref<32x10000xi32, #tpu.memory_space<vmem>>, vector<1x10000xi32>
    %get3A_294 = vector.shape_cast %get3A_293 : vector<1x10000xi32> to vector<10000xi32>
    %lt3A_295 = arith.cmpf olt, %get3A_290, %select_n3A_285 : vector<10000xf32>
    %eq3A_296 = arith.cmpf oeq, %get3A_290, %select_n3A_285 : vector<10000xf32>
    %lt3A_297 = arith.cmpi slt, %get3A_294, %select_n3A_286 : vector<10000xi32>
    %and3A_298 = arith.andi %eq3A_296, %lt3A_297 : vector<10000xi1>
    %or3A_299 = arith.ori %lt3A_295, %and3A_298 : vector<10000xi1>
    %select_n3A_300 = arith.select %or3A_299, %get3A_290, %select_n3A_285 : vector<10000xi1>, vector<10000xf32>
    %select_n3A_301 = arith.select %or3A_299, %get3A_294, %select_n3A_286 : vector<10000xi1>, vector<10000xi32>
    %get3A_302 = arith.constant 21 : index
    %get3A_303 = arith.constant 0 : index
    %get3A_304 = vector.load %arg0[%get3A_302, %get3A_303] : memref<32x10000xf32, #tpu.memory_space<vmem>>, vector<1x10000xf32>
    %get3A_305 = vector.shape_cast %get3A_304 : vector<1x10000xf32> to vector<10000xf32>
    %get3A_306 = arith.constant 21 : index
    %get3A_307 = arith.constant 0 : index
    %get3A_308 = vector.load %arg1[%get3A_306, %get3A_307] : memref<32x10000xi32, #tpu.memory_space<vmem>>, vector<1x10000xi32>
    %get3A_309 = vector.shape_cast %get3A_308 : vector<1x10000xi32> to vector<10000xi32>
    %lt3A_310 = arith.cmpf olt, %get3A_305, %select_n3A_300 : vector<10000xf32>
    %eq3A_311 = arith.cmpf oeq, %get3A_305, %select_n3A_300 : vector<10000xf32>
    %lt3A_312 = arith.cmpi slt, %get3A_309, %select_n3A_301 : vector<10000xi32>
    %and3A_313 = arith.andi %eq3A_311, %lt3A_312 : vector<10000xi1>
    %or3A_314 = arith.ori %lt3A_310, %and3A_313 : vector<10000xi1>
    %select_n3A_315 = arith.select %or3A_314, %get3A_305, %select_n3A_300 : vector<10000xi1>, vector<10000xf32>
    %select_n3A_316 = arith.select %or3A_314, %get3A_309, %select_n3A_301 : vector<10000xi1>, vector<10000xi32>
    %get3A_317 = arith.constant 22 : index
    %get3A_318 = arith.constant 0 : index
    %get3A_319 = vector.load %arg0[%get3A_317, %get3A_318] : memref<32x10000xf32, #tpu.memory_space<vmem>>, vector<1x10000xf32>
    %get3A_320 = vector.shape_cast %get3A_319 : vector<1x10000xf32> to vector<10000xf32>
    %get3A_321 = arith.constant 22 : index
    %get3A_322 = arith.constant 0 : index
    %get3A_323 = vector.load %arg1[%get3A_321, %get3A_322] : memref<32x10000xi32, #tpu.memory_space<vmem>>, vector<1x10000xi32>
    %get3A_324 = vector.shape_cast %get3A_323 : vector<1x10000xi32> to vector<10000xi32>
    %lt3A_325 = arith.cmpf olt, %get3A_320, %select_n3A_315 : vector<10000xf32>
    %eq3A_326 = arith.cmpf oeq, %get3A_320, %select_n3A_315 : vector<10000xf32>
    %lt3A_327 = arith.cmpi slt, %get3A_324, %select_n3A_316 : vector<10000xi32>
    %and3A_328 = arith.andi %eq3A_326, %lt3A_327 : vector<10000xi1>
    %or3A_329 = arith.ori %lt3A_325, %and3A_328 : vector<10000xi1>
    %select_n3A_330 = arith.select %or3A_329, %get3A_320, %select_n3A_315 : vector<10000xi1>, vector<10000xf32>
    %select_n3A_331 = arith.select %or3A_329, %get3A_324, %select_n3A_316 : vector<10000xi1>, vector<10000xi32>
    %get3A_332 = arith.constant 23 : index
    %get3A_333 = arith.constant 0 : index
    %get3A_334 = vector.load %arg0[%get3A_332, %get3A_333] : memref<32x10000xf32, #tpu.memory_space<vmem>>, vector<1x10000xf32>
    %get3A_335 = vector.shape_cast %get3A_334 : vector<1x10000xf32> to vector<10000xf32>
    %get3A_336 = arith.constant 23 : index
    %get3A_337 = arith.constant 0 : index
    %get3A_338 = vector.load %arg1[%get3A_336, %get3A_337] : memref<32x10000xi32, #tpu.memory_space<vmem>>, vector<1x10000xi32>
    %get3A_339 = vector.shape_cast %get3A_338 : vector<1x10000xi32> to vector<10000xi32>
    %lt3A_340 = arith.cmpf olt, %get3A_335, %select_n3A_330 : vector<10000xf32>
    %eq3A_341 = arith.cmpf oeq, %get3A_335, %select_n3A_330 : vector<10000xf32>
    %lt3A_342 = arith.cmpi slt, %get3A_339, %select_n3A_331 : vector<10000xi32>
    %and3A_343 = arith.andi %eq3A_341, %lt3A_342 : vector<10000xi1>
    %or3A_344 = arith.ori %lt3A_340, %and3A_343 : vector<10000xi1>
    %select_n3A_345 = arith.select %or3A_344, %get3A_335, %select_n3A_330 : vector<10000xi1>, vector<10000xf32>
    %select_n3A_346 = arith.select %or3A_344, %get3A_339, %select_n3A_331 : vector<10000xi1>, vector<10000xi32>
    %get3A_347 = arith.constant 24 : index
    %get3A_348 = arith.constant 0 : index
    %get3A_349 = vector.load %arg0[%get3A_347, %get3A_348] : memref<32x10000xf32, #tpu.memory_space<vmem>>, vector<1x10000xf32>
    %get3A_350 = vector.shape_cast %get3A_349 : vector<1x10000xf32> to vector<10000xf32>
    %get3A_351 = arith.constant 24 : index
    %get3A_352 = arith.constant 0 : index
    %get3A_353 = vector.load %arg1[%get3A_351, %get3A_352] : memref<32x10000xi32, #tpu.memory_space<vmem>>, vector<1x10000xi32>
    %get3A_354 = vector.shape_cast %get3A_353 : vector<1x10000xi32> to vector<10000xi32>
    %lt3A_355 = arith.cmpf olt, %get3A_350, %select_n3A_345 : vector<10000xf32>
    %eq3A_356 = arith.cmpf oeq, %get3A_350, %select_n3A_345 : vector<10000xf32>
    %lt3A_357 = arith.cmpi slt, %get3A_354, %select_n3A_346 : vector<10000xi32>
    %and3A_358 = arith.andi %eq3A_356, %lt3A_357 : vector<10000xi1>
    %or3A_359 = arith.ori %lt3A_355, %and3A_358 : vector<10000xi1>
    %select_n3A_360 = arith.select %or3A_359, %get3A_350, %select_n3A_345 : vector<10000xi1>, vector<10000xf32>
    %select_n3A_361 = arith.select %or3A_359, %get3A_354, %select_n3A_346 : vector<10000xi1>, vector<10000xi32>
    %get3A_362 = arith.constant 25 : index
    %get3A_363 = arith.constant 0 : index
    %get3A_364 = vector.load %arg0[%get3A_362, %get3A_363] : memref<32x10000xf32, #tpu.memory_space<vmem>>, vector<1x10000xf32>
    %get3A_365 = vector.shape_cast %get3A_364 : vector<1x10000xf32> to vector<10000xf32>
    %get3A_366 = arith.constant 25 : index
    %get3A_367 = arith.constant 0 : index
    %get3A_368 = vector.load %arg1[%get3A_366, %get3A_367] : memref<32x10000xi32, #tpu.memory_space<vmem>>, vector<1x10000xi32>
    %get3A_369 = vector.shape_cast %get3A_368 : vector<1x10000xi32> to vector<10000xi32>
    %lt3A_370 = arith.cmpf olt, %get3A_365, %select_n3A_360 : vector<10000xf32>
    %eq3A_371 = arith.cmpf oeq, %get3A_365, %select_n3A_360 : vector<10000xf32>
    %lt3A_372 = arith.cmpi slt, %get3A_369, %select_n3A_361 : vector<10000xi32>
    %and3A_373 = arith.andi %eq3A_371, %lt3A_372 : vector<10000xi1>
    %or3A_374 = arith.ori %lt3A_370, %and3A_373 : vector<10000xi1>
    %select_n3A_375 = arith.select %or3A_374, %get3A_365, %select_n3A_360 : vector<10000xi1>, vector<10000xf32>
    %select_n3A_376 = arith.select %or3A_374, %get3A_369, %select_n3A_361 : vector<10000xi1>, vector<10000xi32>
    %get3A_377 = arith.constant 26 : index
    %get3A_378 = arith.constant 0 : index
    %get3A_379 = vector.load %arg0[%get3A_377, %get3A_378] : memref<32x10000xf32, #tpu.memory_space<vmem>>, vector<1x10000xf32>
    %get3A_380 = vector.shape_cast %get3A_379 : vector<1x10000xf32> to vector<10000xf32>
    %get3A_381 = arith.constant 26 : index
    %get3A_382 = arith.constant 0 : index
    %get3A_383 = vector.load %arg1[%get3A_381, %get3A_382] : memref<32x10000xi32, #tpu.memory_space<vmem>>, vector<1x10000xi32>
    %get3A_384 = vector.shape_cast %get3A_383 : vector<1x10000xi32> to vector<10000xi32>
    %lt3A_385 = arith.cmpf olt, %get3A_380, %select_n3A_375 : vector<10000xf32>
    %eq3A_386 = arith.cmpf oeq, %get3A_380, %select_n3A_375 : vector<10000xf32>
    %lt3A_387 = arith.cmpi slt, %get3A_384, %select_n3A_376 : vector<10000xi32>
    %and3A_388 = arith.andi %eq3A_386, %lt3A_387 : vector<10000xi1>
    %or3A_389 = arith.ori %lt3A_385, %and3A_388 : vector<10000xi1>
    %select_n3A_390 = arith.select %or3A_389, %get3A_380, %select_n3A_375 : vector<10000xi1>, vector<10000xf32>
    %select_n3A_391 = arith.select %or3A_389, %get3A_384, %select_n3A_376 : vector<10000xi1>, vector<10000xi32>
    %get3A_392 = arith.constant 27 : index
    %get3A_393 = arith.constant 0 : index
    %get3A_394 = vector.load %arg0[%get3A_392, %get3A_393] : memref<32x10000xf32, #tpu.memory_space<vmem>>, vector<1x10000xf32>
    %get3A_395 = vector.shape_cast %get3A_394 : vector<1x10000xf32> to vector<10000xf32>
    %get3A_396 = arith.constant 27 : index
    %get3A_397 = arith.constant 0 : index
    %get3A_398 = vector.load %arg1[%get3A_396, %get3A_397] : memref<32x10000xi32, #tpu.memory_space<vmem>>, vector<1x10000xi32>
    %get3A_399 = vector.shape_cast %get3A_398 : vector<1x10000xi32> to vector<10000xi32>
    %lt3A_400 = arith.cmpf olt, %get3A_395, %select_n3A_390 : vector<10000xf32>
    %eq3A_401 = arith.cmpf oeq, %get3A_395, %select_n3A_390 : vector<10000xf32>
    %lt3A_402 = arith.cmpi slt, %get3A_399, %select_n3A_391 : vector<10000xi32>
    %and3A_403 = arith.andi %eq3A_401, %lt3A_402 : vector<10000xi1>
    %or3A_404 = arith.ori %lt3A_400, %and3A_403 : vector<10000xi1>
    %select_n3A_405 = arith.select %or3A_404, %get3A_395, %select_n3A_390 : vector<10000xi1>, vector<10000xf32>
    %select_n3A_406 = arith.select %or3A_404, %get3A_399, %select_n3A_391 : vector<10000xi1>, vector<10000xi32>
    %get3A_407 = arith.constant 28 : index
    %get3A_408 = arith.constant 0 : index
    %get3A_409 = vector.load %arg0[%get3A_407, %get3A_408] : memref<32x10000xf32, #tpu.memory_space<vmem>>, vector<1x10000xf32>
    %get3A_410 = vector.shape_cast %get3A_409 : vector<1x10000xf32> to vector<10000xf32>
    %get3A_411 = arith.constant 28 : index
    %get3A_412 = arith.constant 0 : index
    %get3A_413 = vector.load %arg1[%get3A_411, %get3A_412] : memref<32x10000xi32, #tpu.memory_space<vmem>>, vector<1x10000xi32>
    %get3A_414 = vector.shape_cast %get3A_413 : vector<1x10000xi32> to vector<10000xi32>
    %lt3A_415 = arith.cmpf olt, %get3A_410, %select_n3A_405 : vector<10000xf32>
    %eq3A_416 = arith.cmpf oeq, %get3A_410, %select_n3A_405 : vector<10000xf32>
    %lt3A_417 = arith.cmpi slt, %get3A_414, %select_n3A_406 : vector<10000xi32>
    %and3A_418 = arith.andi %eq3A_416, %lt3A_417 : vector<10000xi1>
    %or3A_419 = arith.ori %lt3A_415, %and3A_418 : vector<10000xi1>
    %select_n3A_420 = arith.select %or3A_419, %get3A_410, %select_n3A_405 : vector<10000xi1>, vector<10000xf32>
    %select_n3A_421 = arith.select %or3A_419, %get3A_414, %select_n3A_406 : vector<10000xi1>, vector<10000xi32>
    %get3A_422 = arith.constant 29 : index
    %get3A_423 = arith.constant 0 : index
    %get3A_424 = vector.load %arg0[%get3A_422, %get3A_423] : memref<32x10000xf32, #tpu.memory_space<vmem>>, vector<1x10000xf32>
    %get3A_425 = vector.shape_cast %get3A_424 : vector<1x10000xf32> to vector<10000xf32>
    %get3A_426 = arith.constant 29 : index
    %get3A_427 = arith.constant 0 : index
    %get3A_428 = vector.load %arg1[%get3A_426, %get3A_427] : memref<32x10000xi32, #tpu.memory_space<vmem>>, vector<1x10000xi32>
    %get3A_429 = vector.shape_cast %get3A_428 : vector<1x10000xi32> to vector<10000xi32>
    %lt3A_430 = arith.cmpf olt, %get3A_425, %select_n3A_420 : vector<10000xf32>
    %eq3A_431 = arith.cmpf oeq, %get3A_425, %select_n3A_420 : vector<10000xf32>
    %lt3A_432 = arith.cmpi slt, %get3A_429, %select_n3A_421 : vector<10000xi32>
    %and3A_433 = arith.andi %eq3A_431, %lt3A_432 : vector<10000xi1>
    %or3A_434 = arith.ori %lt3A_430, %and3A_433 : vector<10000xi1>
    %select_n3A_435 = arith.select %or3A_434, %get3A_425, %select_n3A_420 : vector<10000xi1>, vector<10000xf32>
    %select_n3A_436 = arith.select %or3A_434, %get3A_429, %select_n3A_421 : vector<10000xi1>, vector<10000xi32>
    %get3A_437 = arith.constant 30 : index
    %get3A_438 = arith.constant 0 : index
    %get3A_439 = vector.load %arg0[%get3A_437, %get3A_438] : memref<32x10000xf32, #tpu.memory_space<vmem>>, vector<1x10000xf32>
    %get3A_440 = vector.shape_cast %get3A_439 : vector<1x10000xf32> to vector<10000xf32>
    %get3A_441 = arith.constant 30 : index
    %get3A_442 = arith.constant 0 : index
    %get3A_443 = vector.load %arg1[%get3A_441, %get3A_442] : memref<32x10000xi32, #tpu.memory_space<vmem>>, vector<1x10000xi32>
    %get3A_444 = vector.shape_cast %get3A_443 : vector<1x10000xi32> to vector<10000xi32>
    %lt3A_445 = arith.cmpf olt, %get3A_440, %select_n3A_435 : vector<10000xf32>
    %eq3A_446 = arith.cmpf oeq, %get3A_440, %select_n3A_435 : vector<10000xf32>
    %lt3A_447 = arith.cmpi slt, %get3A_444, %select_n3A_436 : vector<10000xi32>
    %and3A_448 = arith.andi %eq3A_446, %lt3A_447 : vector<10000xi1>
    %or3A_449 = arith.ori %lt3A_445, %and3A_448 : vector<10000xi1>
    %select_n3A_450 = arith.select %or3A_449, %get3A_440, %select_n3A_435 : vector<10000xi1>, vector<10000xf32>
    %select_n3A_451 = arith.select %or3A_449, %get3A_444, %select_n3A_436 : vector<10000xi1>, vector<10000xi32>
    %get3A_452 = arith.constant 31 : index
    %get3A_453 = arith.constant 0 : index
    %get3A_454 = vector.load %arg0[%get3A_452, %get3A_453] : memref<32x10000xf32, #tpu.memory_space<vmem>>, vector<1x10000xf32>
    %get3A_455 = vector.shape_cast %get3A_454 : vector<1x10000xf32> to vector<10000xf32>
    %get3A_456 = arith.constant 31 : index
    %get3A_457 = arith.constant 0 : index
    %get3A_458 = vector.load %arg1[%get3A_456, %get3A_457] : memref<32x10000xi32, #tpu.memory_space<vmem>>, vector<1x10000xi32>
    %get3A_459 = vector.shape_cast %get3A_458 : vector<1x10000xi32> to vector<10000xi32>
    %lt3A_460 = arith.cmpf olt, %get3A_455, %select_n3A_450 : vector<10000xf32>
    %eq3A_461 = arith.cmpf oeq, %get3A_455, %select_n3A_450 : vector<10000xf32>
    %lt3A_462 = arith.cmpi slt, %get3A_459, %select_n3A_451 : vector<10000xi32>
    %and3A_463 = arith.andi %eq3A_461, %lt3A_462 : vector<10000xi1>
    %or3A_464 = arith.ori %lt3A_460, %and3A_463 : vector<10000xi1>
    %select_n3A_465 = arith.select %or3A_464, %get3A_459, %select_n3A_451 : vector<10000xi1>, vector<10000xi32>
    %max3A = arith.constant 0 : i32
    %max3A_466 = vector.broadcast %max3A : i32 to vector<10000xi32>
    %max3A_467 = arith.maxsi %select_n3A_465, %max3A_466 : vector<10000xi32>
    %min3A = arith.constant 3199999 : i32
    %min3A_468 = vector.broadcast %min3A : i32 to vector<10000xi32>
    %min3A_469 = arith.minsi %max3A_467, %min3A_468 : vector<10000xi32>
    %swap3A = arith.constant 0 : index
    %swap3A_470 = vector.load %arg6[%swap3A] : memref<10000xi32, #tpu.memory_space<vmem>>, vector<10000xi32>
    tpu.vector_store %arg6[%swap3A], %min3A_469 {strides = array<i32>} : memref<10000xi32, #tpu.memory_space<vmem>>, vector<10000xi32>,
    %get3A_471 = arith.constant 0 : index
    %get3A_472 = arith.constant 0 : index
    %get3A_473 = vector.load %arg2[%get3A_471, %get3A_472] : memref<32x10000xf32, #tpu.memory_space<vmem>>, vector<32x10000xf32>
    %reduce_sum3A = arith.constant dense<0.000000e+00> : vector<10000xf32>
    %reduce_sum3A_474 = vector.multi_reduction <add>, %get3A_473, %reduce_sum3A [0] : vector<32x10000xf32> to vector<10000xf32>
    %get3A_475 = arith.constant 0 : index
    %get3A_476 = arith.constant 0 : index
    %get3A_477 = vector.load %arg3[%get3A_475, %get3A_476] : memref<32x10000xf32, #tpu.memory_space<vmem>>, vector<32x10000xf32>
    %reduce_sum3A_478 = arith.constant dense<0.000000e+00> : vector<10000xf32>
    %reduce_sum3A_479 = vector.multi_reduction <add>, %get3A_477, %reduce_sum3A_478 [0] : vector<32x10000xf32> to vector<10000xf32>
    %get3A_480 = arith.constant 0 : index
    %get3A_481 = arith.constant 0 : index
    %get3A_482 = vector.load %arg4[%get3A_480, %get3A_481] : memref<32x10000xf32, #tpu.memory_space<vmem>>, vector<32x10000xf32>
    %reduce_sum3A_483 = arith.constant dense<0.000000e+00> : vector<10000xf32>
    %reduce_sum3A_484 = vector.multi_reduction <add>, %get3A_482, %reduce_sum3A_483 [0] : vector<32x10000xf32> to vector<10000xf32>
    %get3A_485 = arith.constant 0 : index
    %get3A_486 = arith.constant 0 : index
    %get3A_487 = vector.load %arg5[%get3A_485, %get3A_486] : memref<32x10000xf32, #tpu.memory_space<vmem>>, vector<32x10000xf32>
    %reduce_sum3A_488 = arith.constant dense<0.000000e+00> : vector<10000xf32>
    %reduce_sum3A_489 = vector.multi_reduction <add>, %get3A_487, %reduce_sum3A_488 [0] : vector<32x10000xf32> to vector<10000xf32>
    %stack3A = vector.shape_cast %reduce_sum3A_474 : vector<10000xf32> to vector<10000x1xf32>
    %stack3A_490 = vector.shape_cast %reduce_sum3A_479 : vector<10000xf32> to vector<10000x1xf32>
    %stack3A_491 = vector.shape_cast %reduce_sum3A_484 : vector<10000xf32> to vector<10000x1xf32>
    %stack3A_492 = tpu.concatenate %stack3A, %stack3A_490, %stack3A_491 in 1 : vector<10000x1xf32>, vector<10000x1xf32>, vector<10000x1xf32> -> vector<10000x3xf32>
    %broadcast_in_dim3A = vector.shape_cast %reduce_sum3A_489 : vector<10000xf32> to vector<10000x1xf32>
    %div3A = vector.broadcast %broadcast_in_dim3A : vector<10000x1xf32> to vector<10000x3xf32>
    %div3A_493 = arith.divf %stack3A_492, %div3A : vector<10000x3xf32>
    %swap3A_494 = arith.constant 0 : index
    %swap3A_495 = arith.constant 0 : index
    %swap3A_496 = vector.load %arg7[%swap3A_494, %swap3A_495] : memref<10000x3xf32, #tpu.memory_space<vmem>>, vector<10000x3xf32>
    tpu.vector_store %arg7[%swap3A_494, %swap3A_495], %div3A_493 {strides = array<i32>} : memref<10000x3xf32, #tpu.memory_space<vmem>>, vector<10000x3xf32>,
    return
  }
}

module attributes {stable_mosaic.version = 14 : i64} {
  func.func @_final_kernel(%arg0: memref<10000xf32, #tpu.memory_space<vmem>>, %arg1: memref<10000xf32, #tpu.memory_space<vmem>>, %arg2: memref<10000xf32, #tpu.memory_space<vmem>>, %arg3: memref<10000xf32, #tpu.memory_space<vmem>>, %arg4: memref<10000xf32, #tpu.memory_space<vmem>>, %arg5: memref<10000xf32, #tpu.memory_space<vmem>>, %arg6: memref<10000x3xf32, #tpu.memory_space<vmem>>, %arg7: memref<10000xf32, #tpu.memory_space<vmem>>, %arg8: memref<10000x3xf32, #tpu.memory_space<vmem>>, %arg9: memref<10000x3xf32, #tpu.memory_space<vmem>>) attributes {dimension_semantics = [], scalar_prefetch = 0 : i64, scratch_operands = 0 : i64, tpu.core_type = #tpu.core_type<tc>} {
    %get3A = arith.constant 0 : index
    %get3A_0 = vector.load %arg0[%get3A] : memref<10000xf32, #tpu.memory_space<vmem>>, vector<10000xf32>
    %get3A_1 = arith.constant 0 : index
    %get3A_2 = vector.load %arg1[%get3A_1] : memref<10000xf32, #tpu.memory_space<vmem>>, vector<10000xf32>
    %get3A_3 = arith.constant 0 : index
    %get3A_4 = vector.load %arg2[%get3A_3] : memref<10000xf32, #tpu.memory_space<vmem>>, vector<10000xf32>
    %mul3A = arith.mulf %get3A_0, %get3A_0 : vector<10000xf32>
    %mul3A_5 = arith.mulf %get3A_2, %get3A_2 : vector<10000xf32>
    %add3A = arith.addf %mul3A, %mul3A_5 : vector<10000xf32>
    %mul3A_6 = arith.mulf %get3A_4, %get3A_4 : vector<10000xf32>
    %add3A_7 = arith.addf %add3A, %mul3A_6 : vector<10000xf32>
    %sqrt3A = math.sqrt %add3A_7 : vector<10000xf32>
    %swap3A = arith.constant 0 : index
    %swap3A_8 = vector.load %arg7[%swap3A] : memref<10000xf32, #tpu.memory_space<vmem>>, vector<10000xf32>
    tpu.vector_store %arg7[%swap3A], %sqrt3A {strides = array<i32>} : memref<10000xf32, #tpu.memory_space<vmem>>, vector<10000xf32>,
    %stack3A = vector.shape_cast %get3A_0 : vector<10000xf32> to vector<10000x1xf32>
    %stack3A_9 = vector.shape_cast %get3A_2 : vector<10000xf32> to vector<10000x1xf32>
    %stack3A_10 = vector.shape_cast %get3A_4 : vector<10000xf32> to vector<10000x1xf32>
    %stack3A_11 = tpu.concatenate %stack3A, %stack3A_9, %stack3A_10 in 1 : vector<10000x1xf32>, vector<10000x1xf32>, vector<10000x1xf32> -> vector<10000x3xf32>
    %swap3A_12 = arith.constant 0 : index
    %swap3A_13 = arith.constant 0 : index
    %swap3A_14 = vector.load %arg8[%swap3A_12, %swap3A_13] : memref<10000x3xf32, #tpu.memory_space<vmem>>, vector<10000x3xf32>
    tpu.vector_store %arg8[%swap3A_12, %swap3A_13], %stack3A_11 {strides = array<i32>} : memref<10000x3xf32, #tpu.memory_space<vmem>>, vector<10000x3xf32>,
    %get3A_15 = arith.constant 0 : index
    %get3A_16 = arith.constant 0 : index
    %get3A_17 = vector.load %arg6[%get3A_15, %get3A_16] : memref<10000x3xf32, #tpu.memory_space<vmem>>, vector<10000x3xf32>
    %get3A_18 = arith.constant 0 : index
    %get3A_19 = vector.load %arg3[%get3A_18] : memref<10000xf32, #tpu.memory_space<vmem>>, vector<10000xf32>
    %get3A_20 = arith.constant 0 : index
    %get3A_21 = vector.load %arg4[%get3A_20] : memref<10000xf32, #tpu.memory_space<vmem>>, vector<10000xf32>
    %get3A_22 = arith.constant 0 : index
    %get3A_23 = vector.load %arg5[%get3A_22] : memref<10000xf32, #tpu.memory_space<vmem>>, vector<10000xf32>
    %stack3A_24 = vector.shape_cast %get3A_19 : vector<10000xf32> to vector<10000x1xf32>
    %stack3A_25 = vector.shape_cast %get3A_21 : vector<10000xf32> to vector<10000x1xf32>
    %stack3A_26 = vector.shape_cast %get3A_23 : vector<10000xf32> to vector<10000x1xf32>
    %stack3A_27 = tpu.concatenate %stack3A_24, %stack3A_25, %stack3A_26 in 1 : vector<10000x1xf32>, vector<10000x1xf32>, vector<10000x1xf32> -> vector<10000x3xf32>
    %sub3A = arith.subf %get3A_17, %stack3A_27 : vector<10000x3xf32>
    %swap3A_28 = arith.constant 0 : index
    %swap3A_29 = arith.constant 0 : index
    %swap3A_30 = vector.load %arg9[%swap3A_28, %swap3A_29] : memref<10000x3xf32, #tpu.memory_space<vmem>>, vector<10000x3xf32>
    tpu.vector_store %arg9[%swap3A_28, %swap3A_29], %sub3A {strides = array<i32>} : memref<10000x3xf32, #tpu.memory_space<vmem>>, vector<10000x3xf32>,
    return
  }
}

</mosaic_0001>

<sc_bundles>
// kernel: kernel.10.cloned.1.call-start
scs
__scs_entry_jumppad:
0x0: {  	(pc) =	sbr.rel $0x88, $3  }
0x1: {  	(tag) =	ssettag $0x0;
	lr =	simm.s32 $0x1  }
0x2: {  	[smem:$0x3F9D] =	sst lr;
	_ =	strace $0xD0000000  }
0x3: {  	_ = 	snop  }
0x4: {  	_ = 	snop  }
0x5: {  	_ = 	snop  }
0x6: {  	_ = 	snop  }
0x7: {  	_ = 	snop  }
__scs_overlays_trampoline_lowered:
0x8: {  	[smem:$0x3FAC] =	sst s0  }
0x9: {  	[smem:$0x3FAD] =	sst s1  }
0xa: {  	[smem:$0x3FAE] =	sst s2  }
0xb: {  	[smem:$0x3FAF] =	sst s3  }
0xc: {  	[smem:$0x3FB0] =	sst s4  }
0xd: {  	[smem:$0x3FB1] =	sst s5  }
0xe: {  	[smem:$0x3FB2] =	sst s6  }
0xf: {  	[smem:$0x3FB3] =	sst s7  }
0x10: {  	[smem:$0x3FB4] =	sst s8  }
0x11: {  	[smem:$0x3FB5] =	sst s9;
	s0 =	simm.s32 @!p0 $0x0  }
0x12: {  	s1 =	sld [smem:$0x3F9B];
	s0 =	simm.s32 @p0 $0x1  }
0x13: {  	[smem:$0x3FB6] =	sst s0;
	s0 =	simm.s32 @!p1 $0x0  }
0x14: {  	s2 =	sld [smem:$0x3F9A];
	s0 =	simm.s32 @p1 $0x1  }
0x15: {  	[smem:$0x3FB7] =	sst s0;
	s0 =	simm.s32 @!p2 $0x0  }
0x16: {  	s3 =	sld [smem:$0x3FDB];
	s0 =	simm.s32 @p2 $0x1  }
0x17: {  	s4 =	simm.s32 $0x1BF5;
	[smem:$0x3FB9] =	sst s0  }
0x18: {  	s0 =	sld [smem:$0x3F9C];
	_ =	swait.ge [sflag:s4], $0x0  }
0x19: {  	s7 =	sld [smem:$0x3F9D]  }
0x1a: {  	s8 =	sadd.s32 $0xFFFFE003, lr  }
0x1b: {  	s9 =	sadd.s32 $0xFFFFFEF7, lr;
	s5 =	simm.s32 $0xFFFFFFFF;
	p2 =	slt.u32 s8, $0xFFFFF086  }
0x1c: {  	p1 =	slt.u32 s9, $0xF7A;
	s5 =	simm.s32 @!p2 $0x0  }
0x1d: {  	s5 =	simm.s32 @p1 $0x1;
	p0 =	seq.s32 s7, s2  }
0x1e: {  	s7 =	smul.u32 @!p0 $0xF7A, s2;
	p2 =	seq.s32 @!p0 s5, $0x0  }
0x1f: {  	s9 =	smul.u32 $0xF7A, s1;
	s8 =	simm.s32 @!p0 $0x1BF5;
	p2 =	por !p2, p0  }
0x20: {  	[sflag:s8] =	ssyncset.s32 @!p0 $0xFFFFF086;
	s6 =	sadd.s32 @!p0 s3, s7;
	s7 =	simm.s32 @!p0 $0x108  }
0x21: {  	s3 =	sadd.s32 s3, s9;
	s6 =	sadd.s32 @!p0 $0x88, s6;
	s7 =	simm.s32 @p2 $0x1082  }
0x22: {  	[simem:s7], [sflag:s8] =	dma.local @!p0 [hbm:s6], $0xF7A  }
0x23: {  	s9 =	sor.u32 $0xD0000000, s2;
	s6 =	simm.s32 $0x108;
	_ =	swait.ge @!p0 [sflag:s8], $0x0  }
0x24: {  	s3 =	sadd.s32 $0x88, s3;
	s6 =	simm.s32 @!p1 $0x1082;
	[sflag:s4] =	ssyncset.s32 $0xFFFFF086  }
0x25: {  	[simem:s6], [sflag:s4] =	dma.local [hbm:s3], $0xF7A  }
0x26: {  	[smem:$0x3F9D] =	sst s1;
	(tag) =	ssettag s2;
	_ =	strace s9  }
0x27: {  	s1 =	sld [smem:$0x3FAD]  }
0x28: {  	s2 =	sld [smem:$0x3FAE]  }
0x29: {  	s4 =	sld [smem:$0x3FB0]  }
0x2a: {  	p0 =	seq.s32 s5, $0x0;
	s5 =	sld [smem:$0x3FB1]  }
0x2b: {  	s6 =	sld [smem:$0x3FB2]  }
0x2c: {  	s7 =	sld [smem:$0x3FB3]  }
0x2d: {  	s3 =	simm.s32 $0x108;
	s8 =	sld [smem:$0x3FB4]  }
0x2e: {  	s3 =	simm.s32 @!p0 $0x1082;
	s9 =	sld [smem:$0x3FB5]  }
0x2f: {  	lr =	sadd.s32 s0, s3;
	s0 =	sld [smem:$0x3FAC]  }
0x30: {  	s3 =	sld [smem:$0x3FAF]  }
0x31: {  	[smem:$0x3FB8] =	sst s10  }
0x32: {  	s10 =	sld [smem:$0x3FB6];
	_ =	sdelay $0x3  }
0x33: {  	p0 =	seq.s32 s10, $0x1;
	s10 =	sld [smem:$0x3FB8];
	_ =	sdelay $0x3  }
0x34: {  	[smem:$0x3FB8] =	sst s10  }
0x35: {  	s10 =	sld [smem:$0x3FB7];
	_ =	sdelay $0x3  }
0x36: {  	p1 =	seq.s32 s10, $0x1;
	s10 =	sld [smem:$0x3FB8];
	_ =	sdelay $0x3  }
0x37: {  	[smem:$0x3FB8] =	sst s10  }
0x38: {  	s10 =	sld [smem:$0x3FB9]  }
0x39: {  	_ = 	snop;
	(pc) =	sbr.ind lr, $3  }
0x3a: {  	_ = 	snop  }
0x3b: {  	_ = 	snop  }
0x3c: {  	p2 =	seq.s32 s10, $0x1;
	s10 =	sld [smem:$0x3FB8]  }
0x3d: {  	_ =	shalt  }
0x3e: {  	_ =	shalt  }
0x3f: {  	_ =	shalt  }
0x40: {  	_ =	shalt  }
0x41: {  	_ =	shalt  }
0x42: {  	_ =	shalt  }
0x43: {  	_ =	shalt  }
0x44: {  	_ =	shalt  }
0x45: {  	_ =	shalt  }
0x46: {  	_ =	shalt  }
0x47: {  	_ =	shalt  }
0x48: {  	_ =	shalt  }
0x49: {  	_ =	shalt  }
0x4a: {  	_ =	shalt  }
0x4b: {  	_ =	shalt  }
0x4c: {  	_ =	shalt  }
0x4d: {  	_ =	shalt  }
0x4e: {  	_ =	shalt  }
0x4f: {  	_ =	shalt  }
0x50: {  	_ =	shalt  }
0x51: {  	_ =	shalt  }
0x52: {  	_ =	shalt  }
0x53: {  	_ =	shalt  }
0x54: {  	_ =	shalt  }
0x55: {  	_ =	shalt  }
0x56: {  	_ =	shalt  }
0x57: {  	_ =	shalt  }
0x58: {  	_ =	shalt  }
0x59: {  	_ =	shalt  }
0x5a: {  	_ =	shalt  }
0x5b: {  	_ =	shalt  }
0x5c: {  	_ =	shalt  }
0x5d: {  	_ =	shalt  }
0x5e: {  	_ =	shalt  }
0x5f: {  	_ =	shalt  }
0x60: {  	_ =	shalt  }
0x61: {  	_ =	shalt  }
0x62: {  	_ =	shalt  }
0x63: {  	_ =	shalt  }
0x64: {  	_ =	shalt  }
0x65: {  	_ =	shalt  }
0x66: {  	_ =	shalt  }
0x67: {  	_ =	shalt  }
0x68: {  	_ =	shalt  }
0x69: {  	_ =	shalt  }
0x6a: {  	_ =	shalt  }
0x6b: {  	_ =	shalt  }
0x6c: {  	_ =	shalt  }
0x6d: {  	_ =	shalt  }
0x6e: {  	_ =	shalt  }
0x6f: {  	_ =	shalt  }
0x70: {  	_ =	shalt  }
0x71: {  	_ =	shalt  }
0x72: {  	_ =	shalt  }
0x73: {  	_ =	shalt  }
0x74: {  	_ =	shalt  }
0x75: {  	_ =	shalt  }
0x76: {  	_ =	shalt  }
0x77: {  	_ =	shalt  }
0x78: {  	_ =	shalt  }
0x79: {  	_ =	shalt  }
0x7a: {  	_ =	shalt  }
0x7b: {  	_ =	shalt  }
0x7c: {  	_ =	shalt  }
0x7d: {  	_ =	shalt  }
0x7e: {  	_ =	shalt  }
0x7f: {  	_ =	shalt  }
0x80: {  	_ =	shalt  }
0x81: {  	_ =	shalt  }
0x82: {  	_ =	shalt  }
0x83: {  	_ =	shalt  }
0x84: {  	_ =	shalt  }
0x85: {  	_ =	shalt  }
0x86: {  	_ =	shalt  }
0x87: {  	_ =	shalt  }
.Lfunc_end0:
.L_simem_size_0:
called_computation.1_lowered:
.L_overlay_start_0:
0x88: {  	s2 =	sld [smem:$0x3FD9]  }
0x89: {  	s3 =	sld [smem:$0x3FFE];
	_ =	sdelay $0x1  }
0x8a: {  	s1 =	srdreg.scid  }
0x8b: {  	s0 =	sand.u32 $0x1, s1  }
0x8c: {  	s14 =	sshll.u32 s0, $0xA;
	s2 =	sadd.s32 s3, s2  }
0x8d: {  	s2 =	sadd.s32 s2, s14  }
0x8e: {  	[smem:$0x3FC4] =	sst s2  }
0x8f: {  	_ = 	snop  }
0x90: {  	s2 =	sld [smem:$0x3FD0];
	_ =	sdelay $0x2  }
0x91: {  	s15 =	simm.s32 $0xA;
	s4 =	simm.s32 $0x10  }
0x92: {  	[smem:s4], [sflag:s15] =	dma.local [hbm:s2], $0x1  }
0x93: {  	_ =	swait.eq [sflag:s15], $0x1  }
0x94: {  	s16 =	sld [smem:$0x10];
	[sflag:s15] =	ssyncset.done $0x0  }
0x95: {  	s17 =	sld [smem:$0x11];
	[sflag:s15] =	ssyncadd.s32 $0xFFFFFFFF  }
0x96: {  	s18 =	sld [smem:$0x12];
	(tm) =	ssettm $0x1  }
0x97: {  	s5 =	sld [smem:$0x3FFB];
	_ =	sdelay $0x3  }
0x98: {  	_ =	strace s5  }
0x99: {  	s5 =	sld [smem:$0x3FFC];
	_ =	sdelay $0x3  }
0x9a: {  	_ =	strace s5  }
0x9b: {  	s5 =	sld [smem:$0x3FFD];
	_ =	sdelay $0x3  }
0x9c: {  	_ =	strace s5  }
0x9d: {  	_ =	strace $0x8FFFFFFF  }
0x9e: {  	s19 =	sld [smem:$0x3FDB];
	_ =	sdelay $0x1  }
0x9f: {  	s6 =	simm.s32 $_scs_section_size  }
0xa0: {  	s7 =	simm.s32 $_size__tile_overlayer_lowered;
	s8 =	simm.s32 $_tile_overlayer_lowered  }
0xa1: {  	s22 =	simm.s32 $0x1BFF;
	s21 =	sshll.u32 s8, $0x1;
	s5 =	sadd.s32 s6, s19  }
0xa2: {  	s9 =	simm.s32 $0x0;
	s20 =	sshll.u32 s7, $0x1;
	s7 =	sadd.s32 s21, s5  }
0xa3: {  	[timem:s9], [sflag:s22] =	dma.local [hbm:s7], s20  }
0xa4: {  	_ =	swait.ge [sflag:s22], s20  }
0xa5: {  	s6 =	ssub.s32 $0x0, s20;
	[sflag:s22] =	ssyncset.done $0x0  }
0xa6: {  	[sflag:s22] =	ssyncadd.s32 s6;
	_ =	sdelay $0x1  }
0xa7: {  	s23 =	simm.s32 $0x1B8B  }
0xa8: {  	_ =	swait.ge [sflag:s23], $0x1  }
0xa9: {  	[sflag:s23] =	ssyncset.done $0x0  }
0xaa: {  	s25 =	simm.s32 $0x1B8E;
	s24 =	sld [smem:$0x3FFE];
	[sflag:s23] =	ssyncadd.s32 $0xFFFFFFFF  }
0xab: {  	s26 =	simm.s32 $execute0_lowered;
	[smem:$0x3FD2] =	sst s25  }
0xac: {  	s7 =	sshll.u32 s26, $0x1;
	_ =	strace $0x80000049;
	[dreg:$0x1] =	wrdreg $0xFFFFFFFF  }
0xad: {  	s28 =	simm.s32 $_size_execute0_lowered;
	s5 =	sadd.s32 s5, s7;
	[dreg:$0x0] =	wrdreg $0x0  }
0xae: {  	s7 =	sshll.u32 s28, $0x1;
	[dreg:$0x2] =	wrdreg s5  }
0xaf: {  	[dreg:$0x3] =	wrdreg s7  }
0xb0: {  	[dreg:$0x4] =	wrdreg $0xC0  }
0xb1: {  	_ =	task [dreg:s9], $0x5FFFF  }
0xb2: {  	[dreg:$0x1] =	wrdreg $0xFFFFFFFF  }
0xb3: {  	[dreg:$0x0] =	wrdreg $0x60  }
0xb4: {  	[dreg:$0x2] =	wrdreg s24  }
0xb5: {  	[dreg:$0x3] =	wrdreg s16  }
0xb6: {  	[dreg:$0x4] =	wrdreg s18  }
0xb7: {  	[dreg:$0x5] =	wrdreg s17  }
0xb8: {  	[dreg:$0x6] =	wrdreg $0x9  }
0xb9: {  	_ =	task.clear_ibuf [dreg:s9], $0x7FFFF;
	_ =	strace $0x90000049  }
0xba: {  	s29 =	simm.s32 $0x9;
	_ =	strace $0x8000004B  }
0xbb: {  	_ =	swait.ge [sflag:s29], $0x1  }
0xbc: {  	[sflag:s29] =	ssyncadd.s32 $0xFFFFFFFF  }
0xbd: {  	_ =	strace $0x9000004B  }
0xbe: {  	_ =	sfence  }
0xbf: {  	s30 =	sld [smem:$0x0];
	_ =	sdelay $0x2  }
0xc0: {  	s31 =	sshll.u32 s1, $0xD;
	s1 =	sshrl.u32 s1, $0x2  }
0xc1: {  	s3 =	sand.u32 $0x4000, s31;
	s1 =	sadd.s32 s1, s30  }
0xc2: {  	s0 =	sor.u32 s3, s0;
	s1 =	sshll.u32 s1, $0x11  }
0xc3: {  	s0 =	sor.u32 s1, s0  }
0xc4: {  	s0 =	sadd.s32 $0x8F2B, s0  }
0xc5: {  	[sflag:s0] =	ssyncadd.remote.s32 $0x1  }
0xc6: {  	_ =	sfence.sel $0xFFFF  }
0xc7: {  	[dreg:$0x0] =	wrdreg $0xFFFFFFFF;
	(pc) =	sbr.abs _section_cstart, $3  }
0xc8: {  	[dreg:$0x1] =	wrdreg $0xFFFFFFFF  }
0xc9: {  	_ =	task.clear_ibuf [dreg:s9], $0x2FFFF;
	_ =	strace $0x9FFFFFFF  }
0xca: {  	(tm) =	ssettm $0x7FFFFFFF  }
0xcb: {  	_ =	shalt  }
tec
execute0_lowered:
.L_overlay_start_1:
0x0: {  	(tag) =	ssettag $0x1  }
0x1: {  	s1 =	srdreg.scid;
	s0 =	stileid.u32  }
0x2: {  	s28 =	sand.u32 $0x1, s1;
	s4 =	sshll.u32 s0, $0x1  }
0x3: {  	s4 =	sor.u32 s28, s4  }
0x4: {  	s25 =	rddreg [dreg:$0x0];
	p0 =	sgt.u32 s4, $0x18  }
.Ltmp0:
0x5: {  	s3 =	rddreg [dreg:$0x1];
	(pc) =	sbr.rel @p0 .LBB2_4-.Ltmp0, $4  }
0x6: {  	s23 =	rddreg [dreg:$0x2]  }
0x7: {  	s24 =	rddreg [dreg:$0x3];
	s2 =	simm.s32 $0x0  }
0x8: {  	[smem:$0x7FF] =	sst s2  }
0x9: {  	s1 =	rddreg [dreg:$0x4];
	_ =	strace $0x8000004A  }
0xa: {  	s26 =	smul.u32 $0x32, s4;
	_ =	sdelay $0x1  }
0xb: {  	s4 =	sadd.s32 s3, s26;
	s3 =	simm.s32 $0x7  }
0xc: {  	[tilespmem:s2], [sflag:$0x7] =	stream.linear.gather [hbm4b:s4+s2], $0x190, $0x38;
	[tilespmem:$0xAF0] =	vst v63  }
0xd: {  	_ =	swait.ge [sflag:s3], $0x190  }
0xe: {  	[sflag:s3] =	ssyncset.done $0x0  }
0xf: {  	s5 =	sadd.s32 $0x311400, s25;
	s6 =	simm.s32 $0x190;
	[sflag:s3] =	ssyncadd.s32 $0xFFFFFE70  }
0x10: {  	[tilespmem:s6], [sflag:$0x1] =	stream.indirect.gather [hbm4b:s5+s6], $0x1, s2, s6, $0xb8;
	[tilespmem:$0xAF0] =	vst v63  }
0x11: {  	s7 =	sadd.s32 $0x102000, s25;
	s8 =	simm.s32 $0x320  }
0x12: {  	[tilespmem:s8], [sflag:$0x2] =	stream.indirect.gather [hbm4b:s7+s6], $0x1, s2, s6, $0xb8;
	[tilespmem:$0xAF0] =	vst v63  }
0x13: {  	s9 =	sadd.s32 $0xA0400, s25;
	s10 =	simm.s32 $0x4B0  }
0x14: {  	[tilespmem:s10], [sflag:$0x3] =	stream.indirect.gather [hbm4b:s9+s6], $0x1, s2, s6, $0xb8;
	[tilespmem:$0xAF0] =	vst v63  }
0x15: {  	s11 =	sadd.s32 $0x2AF800, s25;
	s12 =	simm.s32 $0x640  }
0x16: {  	[tilespmem:s12], [sflag:$0x4] =	stream.indirect.gather [hbm4b:s11+s6], $0x1, s2, s6, $0xb8;
	[tilespmem:$0xAF0] =	vst v63  }
0x17: {  	s13 =	sadd.s32 $0x24DC00, s25;
	s14 =	simm.s32 $0x7D0  }
0x18: {  	[tilespmem:s14], [sflag:$0x5] =	stream.indirect.gather [hbm4b:s13+s6], $0x1, s2, s6, $0xb8;
	[tilespmem:$0xAF0] =	vst v63  }
0x19: {  	s15 =	sadd.s32 $0x1EC000, s25;
	s16 =	simm.s32 $0x960;
	s17 =	simm.s32 $0x1  }
0x1a: {  	[tilespmem:s16], [sflag:$0x6] =	stream.indirect.gather [hbm4b:s15+s6], $0x1, s2, s6, $0xb8;
	[tilespmem:$0xAF0] =	vst v63  }
0x1b: {  	_ =	swait.ge [sflag:s17], $0x190  }
0x1c: {  	[sflag:s17] =	ssyncset.done $0x0  }
0x1d: {  	s18 =	simm.s32 $0x2;
	[sflag:s17] =	ssyncadd.s32 $0xFFFFFE70  }
0x1e: {  	_ =	swait.ge [sflag:s18], $0x190  }
0x1f: {  	[sflag:s18] =	ssyncset.done $0x0  }
0x20: {  	s19 =	simm.s32 $0x3;
	[sflag:s18] =	ssyncadd.s32 $0xFFFFFE70  }
0x21: {  	_ =	swait.ge [sflag:s19], $0x190  }
0x22: {  	[sflag:s19] =	ssyncset.done $0x0  }
0x23: {  	s20 =	simm.s32 $0x4;
	[sflag:s19] =	ssyncadd.s32 $0xFFFFFE70  }
0x24: {  	_ =	swait.ge [sflag:s20], $0x190  }
0x25: {  	[sflag:s20] =	ssyncset.done $0x0  }
0x26: {  	s21 =	simm.s32 $0x5;
	[sflag:s20] =	ssyncadd.s32 $0xFFFFFE70  }
0x27: {  	_ =	swait.ge [sflag:s21], $0x190  }
0x28: {  	[sflag:s21] =	ssyncset.done $0x0  }
0x29: {  	s22 =	simm.s32 $0x6;
	[sflag:s21] =	ssyncadd.s32 $0xFFFFFE70  }
0x2a: {  	_ =	swait.ge [sflag:s22], $0x190  }
0x2b: {  	[sflag:s22] =	ssyncset.done $0x0  }
0x2c: {  	s23 =	sadd.s32 s23, s26;
	[sflag:s22] =	ssyncadd.s32 $0xFFFFFE70  }
0x2d: {  	[hbm4b:s23+s2] =	stream.linear.scatter [tilespmem:s6], [sflag:$0x7], $0x190, $0x38;
	[tilespmem:$0xAF0] =	vst v63  }
0x2e: {  	_ =	swait.ge [sflag:s3], $0x190  }
0x2f: {  	[sflag:s3] =	ssyncset.done $0x0  }
0x30: {  	s24 =	sadd.s32 s24, s26;
	[sflag:s3] =	ssyncadd.s32 $0xFFFFFE70  }
0x31: {  	[hbm4b:s24+s2] =	stream.linear.scatter [tilespmem:s8], [sflag:$0x7], $0x190, $0x38;
	[tilespmem:$0xAF0] =	vst v63  }
0x32: {  	_ =	swait.ge [sflag:s3], $0x190  }
0x33: {  	s29 =	sadd.s32 s26, s25;
	[sflag:s3] =	ssyncset.done $0x0  }
0x34: {  	s25 =	sadd.s32 $0x163C00, s29;
	[sflag:s3] =	ssyncadd.s32 $0xFFFFFE70  }
0x35: {  	[hbm4b:s25+s2] =	stream.linear.scatter [tilespmem:s10], [sflag:$0x7], $0x190, $0x38;
	[tilespmem:$0xAF0] =	vst v63  }
0x36: {  	_ =	swait.ge [sflag:s3], $0x190  }
0x37: {  	[sflag:s3] =	ssyncset.done $0x0  }
0x38: {  	s30 =	ssub.s32 $0x2, s28;
	s26 =	sadd.s32 $0x164200, s29;
	[sflag:s3] =	ssyncadd.s32 $0xFFFFFE70  }
0x39: {  	[hbm4b:s26+s2] =	stream.linear.scatter [tilespmem:s12], [sflag:$0x7], $0x190, $0x38;
	[tilespmem:$0xAF0] =	vst v63  }
0x3a: {  	s31 =	sshrl.u32 s30, $0x1;
	_ =	swait.ge [sflag:s3], $0x190  }
0x3b: {  	s30 =	ssub.s32 s30, s31;
	[sflag:s3] =	ssyncset.done $0x0  }
0x3c: {  	s28 =	sadd.s32 $0x164800, s29;
	s30 =	smax.u32 s30, $0x1;
	[sflag:s3] =	ssyncadd.s32 $0xFFFFFE70  }
0x3d: {  	[hbm4b:s28+s2] =	stream.linear.scatter [tilespmem:s14], [sflag:$0x7], $0x190, $0x38;
	[tilespmem:$0xAF0] =	vst v63  }
0x3e: {  	p0 =	sne.s32 s30, $0x1;
	_ =	swait.ge [sflag:s3], $0x190  }
.Ltmp1:
0x3f: {  	[sflag:s3] =	ssyncset.done $0x0;
	(pc) =	sbr.rel @!p0 .LBB2_3-.Ltmp1, $4  }
0x40: {  	s29 =	sadd.s32 $0x164E00, s29;
	[sflag:s3] =	ssyncadd.s32 $0xFFFFFE70  }
0x41: {  	[hbm4b:s29+s2] =	stream.linear.scatter [tilespmem:s16], [sflag:$0x7], $0x190, $0x38;
	[tilespmem:$0xAF0] =	vst v63  }
0x42: {  	_ =	swait.ge [sflag:s3], $0x190  }
0x43: {  	s30 =	sadd.s32 $0xFFFFFFFF, s30;
	[sflag:s3] =	ssyncset.done $0x0  }
.LBB2_2:
0x44: {  	p0 =	sne.s32 s30, $0x1;
	s30 =	sadd.s32 $0xFFFFFFFF, s30;
	[sflag:s3] =	ssyncadd.s32 $0xFFFFFE70  }
0x45: {  	[tilespmem:s2], [sflag:$0x7] =	stream.linear.gather [hbm4b:s4+s2], $0x190, $0x38;
	[tilespmem:$0xAF0] =	vst v63  }
0x46: {  	_ =	swait.ge [sflag:s3], $0x190  }
0x47: {  	[sflag:s3] =	ssyncset.done $0x0  }
0x48: {  	[sflag:s3] =	ssyncadd.s32 $0xFFFFFE70  }
0x49: {  	[tilespmem:s6], [sflag:$0x1] =	stream.indirect.gather [hbm4b:s5+s6], $0x1, s2, s6, $0xb8;
	[tilespmem:$0xAF0] =	vst v63  }
0x4a: {  	_ = 	snop  }
0x4b: {  	[tilespmem:s8], [sflag:$0x2] =	stream.indirect.gather [hbm4b:s7+s6], $0x1, s2, s6, $0xb8;
	[tilespmem:$0xAF0] =	vst v63  }
0x4c: {  	_ = 	snop  }
0x4d: {  	[tilespmem:s10], [sflag:$0x3] =	stream.indirect.gather [hbm4b:s9+s6], $0x1, s2, s6, $0xb8;
	[tilespmem:$0xAF0] =	vst v63  }
0x4e: {  	_ = 	snop  }
0x4f: {  	[tilespmem:s12], [sflag:$0x4] =	stream.indirect.gather [hbm4b:s11+s6], $0x1, s2, s6, $0xb8;
	[tilespmem:$0xAF0] =	vst v63  }
0x50: {  	_ = 	snop  }
0x51: {  	[tilespmem:s14], [sflag:$0x5] =	stream.indirect.gather [hbm4b:s13+s6], $0x1, s2, s6, $0xb8;
	[tilespmem:$0xAF0] =	vst v63  }
0x52: {  	_ = 	snop  }
0x53: {  	[tilespmem:s16], [sflag:$0x6] =	stream.indirect.gather [hbm4b:s15+s6], $0x1, s2, s6, $0xb8;
	[tilespmem:$0xAF0] =	vst v63  }
0x54: {  	_ =	swait.ge [sflag:s17], $0x190  }
0x55: {  	[sflag:s17] =	ssyncset.done $0x0  }
0x56: {  	[sflag:s17] =	ssyncadd.s32 $0xFFFFFE70  }
0x57: {  	_ =	swait.ge [sflag:s18], $0x190  }
0x58: {  	[sflag:s18] =	ssyncset.done $0x0  }
0x59: {  	[sflag:s18] =	ssyncadd.s32 $0xFFFFFE70  }
0x5a: {  	_ =	swait.ge [sflag:s19], $0x190  }
0x5b: {  	[sflag:s19] =	ssyncset.done $0x0  }
0x5c: {  	[sflag:s19] =	ssyncadd.s32 $0xFFFFFE70  }
0x5d: {  	_ =	swait.ge [sflag:s20], $0x190  }
0x5e: {  	[sflag:s20] =	ssyncset.done $0x0  }
0x5f: {  	[sflag:s20] =	ssyncadd.s32 $0xFFFFFE70  }
0x60: {  	_ =	swait.ge [sflag:s21], $0x190  }
0x61: {  	[sflag:s21] =	ssyncset.done $0x0  }
0x62: {  	[sflag:s21] =	ssyncadd.s32 $0xFFFFFE70  }
0x63: {  	_ =	swait.ge [sflag:s22], $0x190  }
0x64: {  	[sflag:s22] =	ssyncset.done $0x0  }
0x65: {  	[sflag:s22] =	ssyncadd.s32 $0xFFFFFE70  }
0x66: {  	[hbm4b:s23+s2] =	stream.linear.scatter [tilespmem:s6], [sflag:$0x7], $0x190, $0x38;
	[tilespmem:$0xAF0] =	vst v63  }
0x67: {  	_ =	swait.ge [sflag:s3], $0x190  }
0x68: {  	[sflag:s3] =	ssyncset.done $0x0  }
0x69: {  	[sflag:s3] =	ssyncadd.s32 $0xFFFFFE70  }
0x6a: {  	[hbm4b:s24+s2] =	stream.linear.scatter [tilespmem:s8], [sflag:$0x7], $0x190, $0x38;
	[tilespmem:$0xAF0] =	vst v63  }
0x6b: {  	_ =	swait.ge [sflag:s3], $0x190  }
0x6c: {  	[sflag:s3] =	ssyncset.done $0x0  }
0x6d: {  	[sflag:s3] =	ssyncadd.s32 $0xFFFFFE70  }
0x6e: {  	[hbm4b:s25+s2] =	stream.linear.scatter [tilespmem:s10], [sflag:$0x7], $0x190, $0x38;
	[tilespmem:$0xAF0] =	vst v63  }
0x6f: {  	_ =	swait.ge [sflag:s3], $0x190  }
0x70: {  	[sflag:s3] =	ssyncset.done $0x0  }
0x71: {  	[sflag:s3] =	ssyncadd.s32 $0xFFFFFE70  }
0x72: {  	[hbm4b:s26+s2] =	stream.linear.scatter [tilespmem:s12], [sflag:$0x7], $0x190, $0x38;
	[tilespmem:$0xAF0] =	vst v63  }
0x73: {  	_ =	swait.ge [sflag:s3], $0x190  }
0x74: {  	[sflag:s3] =	ssyncset.done $0x0  }
0x75: {  	[sflag:s3] =	ssyncadd.s32 $0xFFFFFE70  }
0x76: {  	[hbm4b:s28+s2] =	stream.linear.scatter [tilespmem:s14], [sflag:$0x7], $0x190, $0x38;
	[tilespmem:$0xAF0] =	vst v63  }
0x77: {  	_ =	swait.ge [sflag:s3], $0x190  }
.Ltmp2:
0x78: {  	[sflag:s3] =	ssyncset.done $0x0;
	(pc) =	sbr.rel @p0 .LBB2_2-.Ltmp2, $4  }
0x79: {  	[sflag:s3] =	ssyncadd.s32 $0xFFFFFE70  }
0x7a: {  	[hbm4b:s29+s2] =	stream.linear.scatter [tilespmem:s16], [sflag:$0x7], $0x190, $0x38;
	[tilespmem:$0xAF0] =	vst v63  }
0x7b: {  	_ =	swait.ge [sflag:s3], $0x190  }
0x7c: {  	[sflag:s3] =	ssyncset.done $0x0  }
.LBB2_3:
0x7d: {  	[sflag:s3] =	ssyncadd.s32 $0xFFFFFE70  }
.LBB2_4:
0x7e: {  	_ =	sfence.sel $0x180000  }
0x7f: {  	[bflag:$0x0] =	sbarrier.arrive $0xFFFF  }
0x80: {  	p0 =	sne.s32 s0, $0x0;
	_ =	strace $0x9000004A  }
0x81: {  	s0 =	sadd.s32 @!p0 $0x100000, s1;
	[bflag:$0x2] =	sbarrier.arrive $0xFFFF  }
0x82: {  	[sflag:s0] =	ssyncadd.tile.s32 @!p0 $0x1;
	_ =	shalt  }
.Lfunc_end2:
_tile_overlayer_lowered:
.L_overlay_start_2:
0x83: {  	(tag) =	ssettag $0x2  }
0x84: {  	s0 =	rddreg [dreg:$0x0];
	s2 =	stileid.u32  }
0x85: {  	s1 =	rddreg [dreg:$0x1];
	p0 =	sne.s32 s2, $0x0  }
0x86: {  	s3 =	rddreg [dreg:$0x2];
	[bflag:$0x3] =	sbarrier.arrive $0xFFFF;
	s2 =	simm.s32 @!p0 $0x1C07  }
0x87: {  	[timem:s3], [sflag:s2] =	dma.local @!p0 [hbm:s0], s1  }
0x88: {  	s0 =	simm.s32 @!p0 $0x7  }
0x89: {  	_ =	swait.ge @!p0 [sflag:s0], s1  }
0x8a: {  	s1 =	ssub.s32 @!p0 $0x0, s1;
	[sflag:s0] =	ssyncset.done @!p0 $0x0  }
0x8b: {  	[sflag:s0] =	ssyncadd.s32 @!p0 s1  }
0x8c: {  	[bflag:$0x3] =	sbarrier.arrive $0xFFFF  }
0x8d: {  	_ =	shalt  }

// kernel: kernel.7.cloned.1.call-start
scs
__scs_entry_jumppad:
0x0: {  	(pc) =	sbr.rel $0x88, $3  }
0x1: {  	(tag) =	ssettag $0x0;
	lr =	simm.s32 $0x1  }
0x2: {  	[smem:$0x3F9D] =	sst lr;
	_ =	strace $0xD0000000  }
0x3: {  	_ = 	snop  }
0x4: {  	_ = 	snop  }
0x5: {  	_ = 	snop  }
0x6: {  	_ = 	snop  }
0x7: {  	_ = 	snop  }
__scs_overlays_trampoline_lowered:
0x8: {  	[smem:$0x3FAC] =	sst s0  }
0x9: {  	[smem:$0x3FAD] =	sst s1  }
0xa: {  	[smem:$0x3FAE] =	sst s2  }
0xb: {  	[smem:$0x3FAF] =	sst s3  }
0xc: {  	[smem:$0x3FB0] =	sst s4  }
0xd: {  	[smem:$0x3FB1] =	sst s5  }
0xe: {  	[smem:$0x3FB2] =	sst s6  }
0xf: {  	[smem:$0x3FB3] =	sst s7  }
0x10: {  	[smem:$0x3FB4] =	sst s8  }
0x11: {  	[smem:$0x3FB5] =	sst s9;
	s0 =	simm.s32 @!p0 $0x0  }
0x12: {  	s1 =	sld [smem:$0x3F9B];
	s0 =	simm.s32 @p0 $0x1  }
0x13: {  	[smem:$0x3FB6] =	sst s0;
	s0 =	simm.s32 @!p1 $0x0  }
0x14: {  	s2 =	sld [smem:$0x3F9A];
	s0 =	simm.s32 @p1 $0x1  }
0x15: {  	[smem:$0x3FB7] =	sst s0;
	s0 =	simm.s32 @!p2 $0x0  }
0x16: {  	s3 =	sld [smem:$0x3FDB];
	s0 =	simm.s32 @p2 $0x1  }
0x17: {  	s4 =	simm.s32 $0x1BF5;
	[smem:$0x3FB9] =	sst s0  }
0x18: {  	s0 =	sld [smem:$0x3F9C];
	_ =	swait.ge [sflag:s4], $0x0  }
0x19: {  	s7 =	sld [smem:$0x3F9D]  }
0x1a: {  	s8 =	sadd.s32 $0xFFFFE003, lr  }
0x1b: {  	s9 =	sadd.s32 $0xFFFFFEF7, lr;
	s5 =	simm.s32 $0xFFFFFFFF;
	p2 =	slt.u32 s8, $0xFFFFF086  }
0x1c: {  	p1 =	slt.u32 s9, $0xF7A;
	s5 =	simm.s32 @!p2 $0x0  }
0x1d: {  	s5 =	simm.s32 @p1 $0x1;
	p0 =	seq.s32 s7, s2  }
0x1e: {  	s7 =	smul.u32 @!p0 $0xF7A, s2;
	p2 =	seq.s32 @!p0 s5, $0x0  }
0x1f: {  	s9 =	smul.u32 $0xF7A, s1;
	s8 =	simm.s32 @!p0 $0x1BF5;
	p2 =	por !p2, p0  }
0x20: {  	[sflag:s8] =	ssyncset.s32 @!p0 $0xFFFFF086;
	s6 =	sadd.s32 @!p0 s3, s7;
	s7 =	simm.s32 @!p0 $0x108  }
0x21: {  	s3 =	sadd.s32 s3, s9;
	s6 =	sadd.s32 @!p0 $0x88, s6;
	s7 =	simm.s32 @p2 $0x1082  }
0x22: {  	[simem:s7], [sflag:s8] =	dma.local @!p0 [hbm:s6], $0xF7A  }
0x23: {  	s9 =	sor.u32 $0xD0000000, s2;
	s6 =	simm.s32 $0x108;
	_ =	swait.ge @!p0 [sflag:s8], $0x0  }
0x24: {  	s3 =	sadd.s32 $0x88, s3;
	s6 =	simm.s32 @!p1 $0x1082;
	[sflag:s4] =	ssyncset.s32 $0xFFFFF086  }
0x25: {  	[simem:s6], [sflag:s4] =	dma.local [hbm:s3], $0xF7A  }
0x26: {  	[smem:$0x3F9D] =	sst s1;
	(tag) =	ssettag s2;
	_ =	strace s9  }
0x27: {  	s1 =	sld [smem:$0x3FAD]  }
0x28: {  	s2 =	sld [smem:$0x3FAE]  }
0x29: {  	s4 =	sld [smem:$0x3FB0]  }
0x2a: {  	p0 =	seq.s32 s5, $0x0;
	s5 =	sld [smem:$0x3FB1]  }
0x2b: {  	s6 =	sld [smem:$0x3FB2]  }
0x2c: {  	s7 =	sld [smem:$0x3FB3]  }
0x2d: {  	s3 =	simm.s32 $0x108;
	s8 =	sld [smem:$0x3FB4]  }
0x2e: {  	s3 =	simm.s32 @!p0 $0x1082;
	s9 =	sld [smem:$0x3FB5]  }
0x2f: {  	lr =	sadd.s32 s0, s3;
	s0 =	sld [smem:$0x3FAC]  }
0x30: {  	s3 =	sld [smem:$0x3FAF]  }
0x31: {  	[smem:$0x3FB8] =	sst s10  }
0x32: {  	s10 =	sld [smem:$0x3FB6];
	_ =	sdelay $0x3  }
0x33: {  	p0 =	seq.s32 s10, $0x1;
	s10 =	sld [smem:$0x3FB8];
	_ =	sdelay $0x3  }
0x34: {  	[smem:$0x3FB8] =	sst s10  }
0x35: {  	s10 =	sld [smem:$0x3FB7];
	_ =	sdelay $0x3  }
0x36: {  	p1 =	seq.s32 s10, $0x1;
	s10 =	sld [smem:$0x3FB8];
	_ =	sdelay $0x3  }
0x37: {  	[smem:$0x3FB8] =	sst s10  }
0x38: {  	s10 =	sld [smem:$0x3FB9]  }
0x39: {  	_ = 	snop;
	(pc) =	sbr.ind lr, $3  }
0x3a: {  	_ = 	snop  }
0x3b: {  	_ = 	snop  }
0x3c: {  	p2 =	seq.s32 s10, $0x1;
	s10 =	sld [smem:$0x3FB8]  }
0x3d: {  	_ =	shalt  }
0x3e: {  	_ =	shalt  }
0x3f: {  	_ =	shalt  }
0x40: {  	_ =	shalt  }
0x41: {  	_ =	shalt  }
0x42: {  	_ =	shalt  }
0x43: {  	_ =	shalt  }
0x44: {  	_ =	shalt  }
0x45: {  	_ =	shalt  }
0x46: {  	_ =	shalt  }
0x47: {  	_ =	shalt  }
0x48: {  	_ =	shalt  }
0x49: {  	_ =	shalt  }
0x4a: {  	_ =	shalt  }
0x4b: {  	_ =	shalt  }
0x4c: {  	_ =	shalt  }
0x4d: {  	_ =	shalt  }
0x4e: {  	_ =	shalt  }
0x4f: {  	_ =	shalt  }
0x50: {  	_ =	shalt  }
0x51: {  	_ =	shalt  }
0x52: {  	_ =	shalt  }
0x53: {  	_ =	shalt  }
0x54: {  	_ =	shalt  }
0x55: {  	_ =	shalt  }
0x56: {  	_ =	shalt  }
0x57: {  	_ =	shalt  }
0x58: {  	_ =	shalt  }
0x59: {  	_ =	shalt  }
0x5a: {  	_ =	shalt  }
0x5b: {  	_ =	shalt  }
0x5c: {  	_ =	shalt  }
0x5d: {  	_ =	shalt  }
0x5e: {  	_ =	shalt  }
0x5f: {  	_ =	shalt  }
0x60: {  	_ =	shalt  }
0x61: {  	_ =	shalt  }
0x62: {  	_ =	shalt  }
0x63: {  	_ =	shalt  }
0x64: {  	_ =	shalt  }
0x65: {  	_ =	shalt  }
0x66: {  	_ =	shalt  }
0x67: {  	_ =	shalt  }
0x68: {  	_ =	shalt  }
0x69: {  	_ =	shalt  }
0x6a: {  	_ =	shalt  }
0x6b: {  	_ =	shalt  }
0x6c: {  	_ =	shalt  }
0x6d: {  	_ =	shalt  }
0x6e: {  	_ =	shalt  }
0x6f: {  	_ =	shalt  }
0x70: {  	_ =	shalt  }
0x71: {  	_ =	shalt  }
0x72: {  	_ =	shalt  }
0x73: {  	_ =	shalt  }
0x74: {  	_ =	shalt  }
0x75: {  	_ =	shalt  }
0x76: {  	_ =	shalt  }
0x77: {  	_ =	shalt  }
0x78: {  	_ =	shalt  }
0x79: {  	_ =	shalt  }
0x7a: {  	_ =	shalt  }
0x7b: {  	_ =	shalt  }
0x7c: {  	_ =	shalt  }
0x7d: {  	_ =	shalt  }
0x7e: {  	_ =	shalt  }
0x7f: {  	_ =	shalt  }
0x80: {  	_ =	shalt  }
0x81: {  	_ =	shalt  }
0x82: {  	_ =	shalt  }
0x83: {  	_ =	shalt  }
0x84: {  	_ =	shalt  }
0x85: {  	_ =	shalt  }
0x86: {  	_ =	shalt  }
0x87: {  	_ =	shalt  }
.Lfunc_end0:
.L_simem_size_0:
called_computation_lowered:
.L_overlay_start_0:
0x88: {  	s2 =	sld [smem:$0x3FD9]  }
0x89: {  	s3 =	sld [smem:$0x3FFE];
	_ =	sdelay $0x1  }
0x8a: {  	s1 =	srdreg.scid  }
0x8b: {  	s0 =	sand.u32 $0x1, s1  }
0x8c: {  	s17 =	sshll.u32 s0, $0xA;
	s2 =	sadd.s32 s3, s2  }
0x8d: {  	s2 =	sadd.s32 s2, s17  }
0x8e: {  	[smem:$0x3FC4] =	sst s2  }
0x8f: {  	_ = 	snop  }
0x90: {  	s2 =	sld [smem:$0x3FC6];
	(tm) =	ssettm $0x1  }
0x91: {  	s18 =	sld [smem:$0x3FFB];
	_ =	sdelay $0x3  }
0x92: {  	_ =	strace s18  }
0x93: {  	s3 =	sld [smem:$0x3FFC];
	_ =	sdelay $0x3  }
0x94: {  	_ =	strace s3  }
0x95: {  	s3 =	sld [smem:$0x3FFD];
	_ =	sdelay $0x3  }
0x96: {  	_ =	strace s3  }
0x97: {  	_ =	strace $0x8FFFFFFF  }
0x98: {  	s19 =	sld [smem:$0x3FDB];
	_ =	sdelay $0x1  }
0x99: {  	s4 =	simm.s32 $_scs_section_size  }
0x9a: {  	s5 =	simm.s32 $_size__tile_overlayer_lowered;
	s6 =	simm.s32 $_tile_overlayer_lowered  }
0x9b: {  	s22 =	simm.s32 $0x1BFF;
	s21 =	sshll.u32 s6, $0x1;
	s3 =	sadd.s32 s4, s19  }
0x9c: {  	s7 =	simm.s32 $0x0;
	s20 =	sshll.u32 s5, $0x1;
	s5 =	sadd.s32 s21, s3  }
0x9d: {  	[timem:s7], [sflag:s22] =	dma.local [hbm:s5], s20  }
0x9e: {  	_ =	swait.ge [sflag:s22], s20  }
0x9f: {  	s4 =	ssub.s32 $0x0, s20;
	[sflag:s22] =	ssyncset.done $0x0  }
0xa0: {  	[sflag:s22] =	ssyncadd.s32 s4;
	_ =	sdelay $0x1  }
0xa1: {  	s23 =	simm.s32 $0x1B8B  }
0xa2: {  	_ =	swait.ge [sflag:s23], $0x1  }
0xa3: {  	[sflag:s23] =	ssyncset.done $0x0  }
0xa4: {  	s25 =	simm.s32 $0x1B8E;
	s24 =	sld [smem:$0x3FFE];
	[sflag:s23] =	ssyncadd.s32 $0xFFFFFFFF  }
0xa5: {  	s26 =	simm.s32 $execute0_lowered;
	[smem:$0x3FD2] =	sst s25  }
0xa6: {  	s5 =	sshll.u32 s26, $0x1;
	_ =	strace $0x80000046;
	[dreg:$0x1] =	wrdreg $0xFFFFFFFF  }
0xa7: {  	s28 =	simm.s32 $_size_execute0_lowered;
	s3 =	sadd.s32 s3, s5;
	[dreg:$0x0] =	wrdreg $0x0  }
0xa8: {  	s5 =	sshll.u32 s28, $0x1;
	[dreg:$0x2] =	wrdreg s3  }
0xa9: {  	[dreg:$0x3] =	wrdreg s5  }
0xaa: {  	[dreg:$0x4] =	wrdreg $0xC0  }
0xab: {  	_ =	task [dreg:s7], $0x5FFFF  }
0xac: {  	[dreg:$0x1] =	wrdreg $0xFFFFFFFF  }
0xad: {  	[dreg:$0x0] =	wrdreg $0x60  }
0xae: {  	[dreg:$0x2] =	wrdreg s24  }
0xaf: {  	[dreg:$0x3] =	wrdreg s2  }
0xb0: {  	[dreg:$0x4] =	wrdreg $0x9  }
0xb1: {  	_ =	task.clear_ibuf [dreg:s7], $0x5FFFF;
	_ =	strace $0x90000046  }
0xb2: {  	s29 =	simm.s32 $0x9;
	_ =	strace $0x80000048  }
0xb3: {  	_ =	swait.ge [sflag:s29], $0x1  }
0xb4: {  	[sflag:s29] =	ssyncadd.s32 $0xFFFFFFFF  }
0xb5: {  	_ =	strace $0x90000048  }
0xb6: {  	_ =	sfence  }
0xb7: {  	s30 =	sld [smem:$0x0];
	_ =	sdelay $0x2  }
0xb8: {  	s31 =	sshll.u32 s1, $0xD;
	s1 =	sshrl.u32 s1, $0x2  }
0xb9: {  	s3 =	sand.u32 $0x4000, s31;
	s1 =	sadd.s32 s1, s30  }
0xba: {  	s0 =	sor.u32 s3, s0;
	s1 =	sshll.u32 s1, $0x11  }
0xbb: {  	s0 =	sor.u32 s1, s0  }
0xbc: {  	s0 =	sadd.s32 $0x8F2B, s0  }
0xbd: {  	[sflag:s0] =	ssyncadd.remote.s32 $0x1  }
0xbe: {  	_ =	sfence.sel $0xFFFF  }
0xbf: {  	[dreg:$0x0] =	wrdreg $0xFFFFFFFF;
	(pc) =	sbr.abs _section_cstart, $3  }
0xc0: {  	[dreg:$0x1] =	wrdreg $0xFFFFFFFF  }
0xc1: {  	_ =	task.clear_ibuf [dreg:s7], $0x2FFFF;
	_ =	strace $0x9FFFFFFF  }
0xc2: {  	(tm) =	ssettm $0x7FFFFFFF  }
0xc3: {  	_ =	shalt  }
tec
execute0_lowered:
.L_overlay_start_1:
0x0: {  	(tag) =	ssettag $0x1  }
0x1: {  	s0 =	rddreg [dreg:$0x0]  }
0x2: {  	s2 =	rddreg [dreg:$0x1];
	s18 =	simm.s32 $0x0  }
0x3: {  	s1 =	srdreg.scid;
	s12 =	stileid.u32;
	s28 =	simm.s32 $0x4000  }
0x4: {  	s29 =	simm.s32 $0x4800;
	s30 =	simm.s32 $0x5000;
	s31 =	simm.s32 $0x5800  }
0x5: {  	[smem:$0x7FF] =	sst s18;
	s1 =	sand.u32 $0x1, s1;
	s3 =	sshll.u32 s12, $0x1  }
0x6: {  	s5 =	sshrl.u32 s12, $0x2;
	s4 =	sadd.s32 $0x18A400, s0;
	s6 =	sadd.s32 $0x2AF800, s0  }
0x7: {  	s19 =	smul.u32 $0x30D40, s12;
	s12 =	simm.s32 $0xD680;
	s3 =	sor.u32 s1, s3  }
0x8: {  	_ =	strace $0x80000047;
	s7 =	sshll.u32 s3, $0x7;
	s3 =	smul.u32 $0x186A0, s3  }
0x9: {  	s8 =	smul.u32 $0x13C00, s5;
	s5 =	sadd.s32 $0x3400, s0;
	s10 =	ssub.s32 $0x2, s1  }
0xa: {  	s1 =	smul.u32 $0x186A0, s1;
	s25 =	sshrl.u32 s10, $0x1;
	s11 =	sshrl.u32 s3, $0x3  }
0xb: {  	v0 =	vimm.s32 $0xEDCBA987;
	s9 =	sand.u32 $0x380, s7;
	s7 =	sadd.s32 $0x24DC00, s0;
	s26 =	sadd.s32 s5, s11  }
0xc: {  	v1 =	vimm.s32 $0x65432100;
	v4 =	vimm.s32 $0xDCBA9876;
	v5 =	vimm.s32 $0x54321000;
	s9 =	sor.u32 s8, s9;
	s13 =	sadd.s32 s4, s11;
	[dreg:$0x4] =	wrdreg s26  }
0xd: {  	v6 =	vimm.s32 $0xBA987654;
	v7 =	vimm.s32 $0xE40000;
	v8 =	vimm.s32 $0x32100000;
	s8 =	sadd.s32 $0x1EC000, s0;
	s14 =	sadd.s32 s6, s11;
	[dreg:$0x5] =	wrdreg s13  }
0xe: {  	v9 =	vimm.s32 $0x7060504;
	vm0 =	vcmask $0x3F30;
	v0 =	vunpack.c.l.s4.s8 v0;
	s9 =	sshrl.u32 s9, $0x3;
	s15 =	sadd.s32 s7, s11;
	[dreg:$0x6] =	wrdreg s14  }
0xf: {  	v2 =	vunpack.c.l.s4.s8 v1;
	v1 =	vimm.s32 $0x30D400;
	v4 =	vunpack.c.l.s4.s8 v4;
	s16 =	sadd.s32 s8, s11;
	s17 =	sadd.s32 s2, s11;
	[dreg:$0x7] =	wrdreg s15  }
0x10: {  	v5 =	vunpack.c.l.s4.s8 v5;
	v6 =	vunpack.c.l.s4.s8 v6;
	v3 =	vunpack.c.0.s8.s32 v0;
	s11 =	simm.s32 $0xAF00;
	s0 =	sadd.s32 s9, s0;
	[dreg:$0x8] =	wrdreg s16  }
0x11: {  	v7 =	vunpack.c.l.s2.s4 v7;
	v2 =	vunpack.c.0.s8.s32 v2;
	v4 =	vunpack.c.0.s8.s32 v4;
	s9 =	ssub.s32 s10, s25;
	[dreg:$0x9] =	wrdreg s17;
	s25 =	sadd.s32 s1, s19  }
0x12: {  	v8 =	vunpack.c.l.s4.s8 v8;
	v5 =	vunpack.c.0.s8.s32 v5;
	v3 =	vand.u32 $0xF, v3;
	s15 =	sadd.s32 $0x7D0, s3;
	s20 =	sadd.s32 $0x65000, s0;
	[dreg:$0x10] =	wrdreg s25  }
0x13: {  	v2 =	vcombine.low v2, v3;
	v3 =	vand.u32 $0xF, v4;
	v4 =	vunpack.c.l.s4.s8 v7;
	s16 =	sadd.s32 $0xFA0, s3;
	s21 =	sadd.s32 $0x6EE00, s0;
	[dreg:$0xa] =	wrdreg s20  }
0x14: {  	v6 =	vunpack.c.0.s8.s32 v6;
	v3 =	vcombine.low v5, v3;
	v5 =	vunpack.c.0.s8.s32 v8;
	s10 =	simm.s32 $0x8780;
	s22 =	sadd.s32 $0x78C00, s0;
	[dreg:$0xb] =	wrdreg s21  }
0x15: {  	v8 =	vimm.s32 $0x87654321;
	s13 =	simm.s32 $0xFE00;
	s23 =	sadd.s32 $0x82A00, s0;
	v7 =	vunpack.c.0.s8.s32 v4;
	v4 =	vimm.s32 $0xFFEDCBA9;
	[dreg:$0xc] =	wrdreg s22  }
0x16: {  	v6 =	vand.u32 $0xF, v6;
	s14 =	simm.s32 $0x12580;
	s24 =	sadd.s32 $0x8C800, s0;
	v8 =	vunpack.c.l.s4.s8 v8;
	[dreg:$0xd] =	wrdreg s23;
	v10 =	vunpack.c.l.s4.s8 v4  }
0x17: {  	v0 =	vimm.f32 $+Inf;
	s17 =	simm.s32 $0x2;
	s0 =	sadd.s32 $0x96600, s0;
	[dreg:$0xe] =	wrdreg s24;
	v4 =	vcombine.low v5, v6;
	v6 =	vunpack.c.0.s8.s32 v9  }
0x18: {  	s26 =	smax.u32 s9, $0x1;
	s9 =	simm.s32 $0x6000;
	[dreg:$0xf] =	wrdreg s0;
	v7 =	vand.u32 $0x3, v7;
	v8 =	vunpack.c.0.s8.s32 v8;
	v9 =	vunpack.c.0.s8.s32 v10  }
0x19: {  	[dreg:$0x11] =	wrdreg s26;
	s0 =	sadd.s32 $0x7D0, s25;
	s26 =	simm.s32 $0x3800;
	v5 =	vimm.f32 $0.0e+00;
	v6 =	vsel vm0, v6, v7;
	v7 =	vlaneseq.u32  }
0x1a: {  	s21 =	simm.s32 $0x0;
	[dreg:$0x12] =	wrdreg s0;
	s0 =	simm.s32 $0x1;
	vm0 =	vcmask $0x3F3C;
	v8 =	vcombine.low v8, v9;
	v9 =	vor.u32 $0x80000000, v7  }
.LBB2_1:
0x1b: {  	s3 =	simm.s32 $0x0  }
0x1c: {  	[tilespmem:s3+$0x12580] =	vst v5  }
0x1d: {  	[tilespmem:s3+$0x6000] =	vst v0  }
0x1e: {  	[tilespmem:s3+$0x8780] =	vst v1  }
0x1f: {  	[tilespmem:s3+$0xAF00] =	vst v5  }
0x20: {  	[dreg:$0x3] =	wrdreg s18;
	s18 =	simm.s32 $0x40;
	[tilespmem:s3+$0xD680] =	vst v5  }
.LBB2_2:
0x21: {  	p0 =	sne.s32 s18, $0x9C00;
	[tilespmem:s3+$0xFE00] =	vst v5;
	s3 =	sshra.s32 s18, $0x2;
	s18 =	sadd.s32 $0x40, s18  }
.Ltmp0:
0x22: {  	[tilespmem:s3+$0x12580] =	vst v5;
	(pc) =	sbr.rel @p0 .LBB2_2-.Ltmp0, $4  }
0x23: {  	[tilespmem:s3+$0x6000] =	vst v0  }
0x24: {  	[tilespmem:s3+$0x8780] =	vst v1  }
0x25: {  	[tilespmem:s3+$0xAF00] =	vst v5  }
0x26: {  	[tilespmem:s3+$0xD680] =	vst v5  }
0x27: {  	s1 =	rddreg [dreg:$0x4]  }
0x28: {  	[tilespmem:s3+$0xFE00] =	vst v5;
	s24 =	rddreg [dreg:$0x5]  }
0x29: {  	[tilespmem:s21], [sflag:$0x1] =	stream.linear.gather [hbm4b:s1+s21], $0x7D0, $0x38;
	[tilespmem:$0x14D00] =	vst v63  }
0x2a: {  	s25 =	simm.s32 $0x800;
	s3 =	rddreg [dreg:$0x6]  }
0x2b: {  	[tilespmem:s25], [sflag:$0x1] =	stream.linear.gather [hbm4b:s24+s21], $0x7D0, $0x38;
	[tilespmem:$0x14D00] =	vst v63  }
0x2c: {  	s18 =	simm.s32 $0x1000;
	s19 =	rddreg [dreg:$0x7]  }
0x2d: {  	[tilespmem:s18], [sflag:$0x1] =	stream.linear.gather [hbm4b:s3+s21], $0x7D0, $0x38;
	[tilespmem:$0x14D00] =	vst v63  }
0x2e: {  	s20 =	simm.s32 $0x1800;
	s22 =	rddreg [dreg:$0x8]  }
0x2f: {  	[tilespmem:s20], [sflag:$0x1] =	stream.linear.gather [hbm4b:s19+s21], $0x7D0, $0x38;
	[tilespmem:$0x14D00] =	vst v63  }
0x30: {  	s23 =	simm.s32 $0x2000;
	s24 =	rddreg [dreg:$0x9]  }
0x31: {  	[tilespmem:s23], [sflag:$0x1] =	stream.linear.gather [hbm4b:s22+s21], $0x7D0, $0x38;
	[tilespmem:$0x14D00] =	vst v63  }
0x32: {  	s25 =	simm.s32 $0x2800;
	s18 =	rddreg [dreg:$0x10]  }
0x33: {  	[tilespmem:s25], [sflag:$0x1] =	stream.linear.gather [hbm4b:s24+s21], $0x7D0, $0x38;
	[tilespmem:$0x14D00] =	vst v63  }
0x34: {  	s22 =	simm.s32 $0x0;
	s25 =	rddreg [dreg:$0x12]  }
.LBB2_4:
0x35: {  	_ =	swait.ge [sflag:s0], $0x7D0  }
0x36: {  	[sflag:s0] =	ssyncset.done $0x0  }
0x37: {  	[sflag:s0] =	ssyncadd.s32 $0xFFFFF830  }
0x38: {  	_ =	swait.ge [sflag:s0], $0x7D0  }
0x39: {  	[sflag:s0] =	ssyncset.done $0x0  }
0x3a: {  	[sflag:s0] =	ssyncadd.s32 $0xFFFFF830  }
0x3b: {  	_ =	swait.ge [sflag:s0], $0x7D0  }
0x3c: {  	[sflag:s0] =	ssyncset.done $0x0  }
0x3d: {  	[sflag:s0] =	ssyncadd.s32 $0xFFFFF830  }
0x3e: {  	_ =	swait.ge [sflag:s0], $0x7D0  }
0x3f: {  	[sflag:s0] =	ssyncset.done $0x0  }
0x40: {  	[sflag:s0] =	ssyncadd.s32 $0xFFFFF830  }
0x41: {  	_ =	swait.ge [sflag:s0], $0x7D0  }
0x42: {  	s24 =	smul.u32 $0xFA0, s22;
	[sflag:s0] =	ssyncset.done $0x0  }
0x43: {  	[sflag:s0] =	ssyncadd.s32 $0xFFFFF830  }
0x44: {  	s3 =	sadd.s32 s24, s15;
	_ =	swait.ge [sflag:s0], $0x7D0  }
0x45: {  	s3 =	sshrl.u32 s3, $0x3;
	[sflag:s0] =	ssyncset.done $0x0  }
0x46: {  	s1 =	simm.s32 $0x3000;
	s19 =	sadd.s32 s5, s3;
	[sflag:s0] =	ssyncadd.s32 $0xFFFFF830  }
0x47: {  	[tilespmem:s1], [sflag:$0x2] =	stream.linear.gather [hbm4b:s19+s21], $0x7D0, $0x38;
	[tilespmem:$0x14D00] =	vst v63  }
0x48: {  	s20 =	sadd.s32 s4, s3  }
0x49: {  	[tilespmem:s26], [sflag:$0x2] =	stream.linear.gather [hbm4b:s20+s21], $0x7D0, $0x38;
	[tilespmem:$0x14D00] =	vst v63  }
0x4a: {  	s23 =	sadd.s32 s6, s3  }
0x4b: {  	[tilespmem:s28], [sflag:$0x2] =	stream.linear.gather [hbm4b:s23+s21], $0x7D0, $0x38;
	[tilespmem:$0x14D00] =	vst v63  }
0x4c: {  	s1 =	sadd.s32 s7, s3  }
0x4d: {  	[tilespmem:s29], [sflag:$0x2] =	stream.linear.gather [hbm4b:s1+s21], $0x7D0, $0x38;
	[tilespmem:$0x14D00] =	vst v63  }
0x4e: {  	s20 =	sadd.s32 s8, s3  }
0x4f: {  	[tilespmem:s30], [sflag:$0x2] =	stream.linear.gather [hbm4b:s20+s21], $0x7D0, $0x38;
	[tilespmem:$0x14D00] =	vst v63  }
0x50: {  	s3 =	sadd.s32 s2, s3;
	s23 =	simm.s32 $0x0  }
0x51: {  	[tilespmem:s31], [sflag:$0x2] =	stream.linear.gather [hbm4b:s3+s21], $0x7D0, $0x38;
	[tilespmem:$0x14D00] =	vst v63  }
0x52: {  	v11 =	vld [tilespmem:s23+$0x0];
	_ =	sdelay $0x4  }
0x53: {  	v10 =	vld [tilespmem:s23+$0x2800];
	vm1 =	vlt.f32 v11, $+Inf;
	vm2 =	vgt.f32 v11, $+Inf  }
0x54: {  	v12 =	vor.u32 s18, v7;
	vm1 =	vmor vm2, vm1  }
0x55: {  	v12 =	vnsel vm1, $0x30D400, v12  }
0x56: {  	v13 =	vperm.xlane v11, v2;
	v14 =	vperm.xlane v12, v2;
	_ =	sdelay $0x1  }
0x57: {  	v15 =	vperm.xlane v10, v2;
	vm1 =	veq.f32 v13, v11;
	vm2 =	vlt.s32 v14, v12  }
0x58: {  	vm3 =	vlt.f32 v13, v11;
	vm1 =	vmand vm1, vm2  }
0x59: {  	vm2 =	veq.s32 v15, v10;
	vm1 =	vmor vm3, vm1  }
0x5a: {  	vm1 =	vmand vm2, vm1  }
0x5b: {  	v15 =	vld [tilespmem:s23+$0x2000];
	v11 =	vsel vm1, v13, v11;
	v12 =	vsel vm1, v14, v12  }
0x5c: {  	v13 =	vld [tilespmem:s23+$0x800];
	v14 =	vperm.xlane v11, v3;
	v16 =	vperm.xlane v12, v3  }
0x5d: {  	v17 =	vld [tilespmem:s23+$0x1800]  }
0x5e: {  	v18 =	vperm.xlane v10, v3;
	vm1 =	veq.f32 v14, v11;
	vm3 =	vlt.s32 v16, v12  }
0x5f: {  	v19 =	vld [tilespmem:s23+$0x1000];
	vm4 =	vlt.f32 v14, v11;
	vm1 =	vmand vm1, vm3  }
0x60: {  	vm3 =	veq.s32 v18, v10;
	vm1 =	vmor vm4, vm1  }
0x61: {  	v15 =	vmul.f32 v15, v13;
	vm1 =	vmand vm3, vm1  }
0x62: {  	(xrf2) =	vadd.scan.msk.f32 $0xffff, v13;
	v17 =	vmul.f32 v17, v13;
	v11 =	vsel vm1, v14, v11;
	v12 =	vsel vm1, v16, v12  }
0x63: {  	(xrf2) =	vadd.scan.msk.f32 $0xffff, v15;
	v14 =	vsel vm2, $0x80000000, v9;
	v57 =	vperm.xlane v11, v4;
	v58 =	vperm.xlane v12, v4  }
0x64: {  	v19 =	vmul.f32 v19, v13;
	(xrf0) =	vmax.scan.msk.u32 $0xffff, v14  }
0x65: {  	v14 =	vperm.xlane v10, v4;
	(xrf2) =	vadd.scan.msk.f32 $0xffff, v17;
	vm1 =	veq.f32 v57, v11;
	vm2 =	vlt.s32 v58, v12  }
0x66: {  	(xrf2) =	vadd.scan.msk.f32 $0xffff, v19;
	vm3 =	vlt.f32 v57, v11;
	vm1 =	vmand vm1, vm2  }
0x67: {  	vm2 =	veq.s32 v14, v10;
	vm1 =	vmor vm3, vm1  }
0x68: {  	v20 =	vperm.xlane v10, v8;
	vm1 =	vmand vm2, vm1  }
0x69: {  	v14 =	vperm.xlane v10, v6;
	v11 =	vsel vm1, v57, v11;
	v12 =	vsel vm1, v58, v12  }
0x6a: {  	v16 =	vperm.xlane v11, v6;
	v18 =	vperm.xlane v12, v6  }
0x6b: {  	v59 =	vld.idx.msk [tilespmem:v10+s10+$0x0], $0xffff;
	vm2 =	veq.s32 v14, v10;
	vm1 =	vne.s32 v10, v20;
	v21, _, _ =	vpop (xrf0)  }
0x6c: {  	v22 =	vld.idx.msk [tilespmem:v10+s9+$0x0], $0xffff;
	v23 =	vxor.u32 $0x80000000, v21;
	vm3 =	veq.f32 v16, v11;
	vm13 =	vlt.s32 v18, v12  }
0x6d: {  	v14, _, _ =	vpop (xrf2);
	v24 =	vadd.s32 $0x80000010, v21;
	vm5 =	vlt.f32 v16, v11;
	vm3 =	vmand vm3, vm13  }
0x6e: {  	vm14 =	vlt.s32 v21, $0x0;
	vm1 =	vmor vm1, vm0;
	v60, _, _ =	vpop (xrf2);
	vm3 =	vmor vm5, vm3  }
0x6f: {  	v13 =	vsub.f32 v14, v13;
	v23 =	vsel vm14, v23, v24;
	v61, _, _ =	vpop (xrf2);
	vm2 =	vmand vm2, vm3  }
0x70: {  	v15 =	vsub.f32 v60, v15;
	v62, _, _ =	vpop (xrf2);
	v11 =	vsel vm2, v16, v11;
	v12 =	vsel vm2, v18, v12  }
0x71: {  	v63 =	vsub.f32 v62, v19;
	vm2 =	veq.f32 v11, v22;
	vm3 =	vlt.s32 v12, v59  }
0x72: {  	v17 =	vsub.f32 v61, v17;
	vm15 =	vlt.f32 v11, v22;
	vm2 =	vmand vm2, vm3  }
0x73: {  	v13 =	vperm.xlane v13, v23;
	v18 =	vperm.xlane v63, v23;
	vm2 =	vmor vm15, vm2  }
0x74: {  	v15 =	vperm.xlane v15, v23;
	v17 =	vperm.xlane v17, v23;
	v11 =	vsel vm2, v11, v22  }
0x75: {  	v16 =	vsub.f32 v62, v18;
	v12 =	vsel vm2, v12, v59;
	[tilespmem:v10+s9+$0x0] =	vst.idx.msk vm1, v11  }
0x76: {  	v13 =	vsub.f32 v14, v13;
	[tilespmem:v10+s10+$0x0] =	vst.idx.msk vm1, v12  }
0x77: {  	s19 =	simm.s32 $0x40;
	s3 =	simm.s32 $0x80;
	s23 =	smov.u32 s18;
	v11 =	vsub.f32 v60, v15;
	v12 =	vsub.f32 v61, v17;
	[tilespmem:v10+s11+$0x0] =	vst.idx.add.f32.msk vm1, v16  }
.LBB2_5:
0x78: {  	s1 =	sshra.s32 s19, $0x2  }
0x79: {  	[tilespmem:v10+s12+$0x0] =	vst.idx.add.f32.msk vm1, v12;
	s23 =	sadd.s32 $0x10, s23;
	s19 =	smov.u32 s3;
	s20 =	sadd.s32 $0x40, s3  }
0x7a: {  	p0 =	sne.s32 s3, $0x1F00;
	[tilespmem:v10+s13+$0x0] =	vst.idx.add.f32.msk vm1, v11  }
0x7b: {  	[tilespmem:v10+s14+$0x0] =	vst.idx.add.f32.msk vm1, v13  }
0x7c: {  	v11 =	vld [tilespmem:s1+$0x0]  }
0x7d: {  	v12 =	vld [tilespmem:s1+$0x2000]  }
0x7e: {  	v13 =	vld [tilespmem:s1+$0x1800]  }
0x7f: {  	v10 =	vld [tilespmem:s1+$0x2800]  }
0x80: {  	v14 =	vld [tilespmem:s1+$0x800]  }
0x81: {  	v15 =	vld [tilespmem:s1+$0x1000];
	vm1 =	vlt.f32 v11, $+Inf;
	vm2 =	vgt.f32 v11, $+Inf  }
0x82: {  	v16 =	vor.u32 s23, v7;
	v17 =	vperm.xlane v11, v2;
	vm1 =	vmor vm2, vm1  }
0x83: {  	v16 =	vnsel vm1, $0x30D400, v16  }
0x84: {  	vm1 =	veq.f32 v17, v11;
	v18 =	vperm.xlane v16, v2;
	v19 =	vperm.xlane v10, v3  }
0x85: {  	vm2 =	vlt.f32 v17, v11;
	v20 =	vperm.xlane v10, v2;
	v13 =	vmul.f32 v13, v14;
	(xrf2) =	vadd.scan.msk.f32 $0xffff, v14  }
0x86: {  	v21 =	vperm.xlane v10, v4;
	v12 =	vmul.f32 v12, v14;
	vm3 =	vlt.s32 v18, v16  }
0x87: {  	vm5 =	veq.s32 v20, v10;
	vm4 =	veq.s32 v19, v10;
	vm1 =	vmand vm1, vm3  }
0x88: {  	v15 =	vmul.f32 v15, v14;
	vm3 =	veq.s32 v21, v10;
	vm1 =	vmor vm2, vm1;
	(xrf2) =	vadd.scan.msk.f32 $0xffff, v12  }
0x89: {  	v19 =	vperm.xlane v10, v6;
	v20 =	vsel vm5, $0x80000000, v9;
	vm1 =	vmand vm5, vm1  }
0x8a: {  	v11 =	vsel vm1, v17, v11;
	v16 =	vsel vm1, v18, v16;
	v17 =	vperm.xlane v10, v8;
	(xrf0) =	vmax.scan.msk.u32 $0xffff, v20  }
0x8b: {  	vm2 =	veq.s32 v19, v10;
	v18 =	vperm.xlane v11, v3;
	v20 =	vperm.xlane v16, v3  }
0x8c: {  	vm1 =	vne.s32 v10, v17;
	(xrf2) =	vadd.scan.msk.f32 $0xffff, v13  }
0x8d: {  	vm5 =	vlt.f32 v18, v11;
	vm6 =	veq.f32 v18, v11;
	vm7 =	vlt.s32 v20, v16  }
0x8e: {  	vm6 =	vmand vm6, vm7  }
0x8f: {  	vm5 =	vmor vm5, vm6;
	(xrf2) =	vadd.scan.msk.f32 $0xffff, v15;
	v17, _, _ =	vpop (xrf2)  }
0x90: {  	vm4 =	vmand vm4, vm5;
	v14 =	vsub.f32 v17, v14;
	v19, _, _ =	vpop (xrf0)  }
0x91: {  	v11 =	vsel vm4, v18, v11;
	v16 =	vsel vm4, v20, v16;
	v18 =	vxor.u32 $0x80000000, v19  }
0x92: {  	v22 =	vadd.s32 $0x80000010, v19;
	v20 =	vperm.xlane v11, v4;
	v21 =	vperm.xlane v16, v4;
	v23, _, _ =	vpop (xrf2)  }
0x93: {  	vm4 =	vlt.s32 v19, $0x0;
	v12 =	vsub.f32 v23, v12  }
0x94: {  	vm5 =	vlt.f32 v20, v11;
	vm6 =	veq.f32 v20, v11;
	vm7 =	vlt.s32 v21, v16  }
0x95: {  	v18 =	vsel vm4, v18, v22;
	vm6 =	vmand vm6, vm7  }
0x96: {  	v14 =	vperm.xlane v14, v18;
	v12 =	vperm.xlane v12, v18;
	vm4 =	vmor vm5, vm6;
	v19, _, _ =	vpop (xrf2)  }
0x97: {  	vm3 =	vmand vm3, vm4;
	v13 =	vsub.f32 v19, v13  }
0x98: {  	v20 =	vsel vm3, v20, v11;
	v16 =	vsel vm3, v21, v16;
	v21 =	vld.idx.msk [tilespmem:v10+s10+$0x0], $0xffff;
	v11 =	vsub.f32 v23, v12  }
0x99: {  	v22 =	vperm.xlane v20, v6;
	v23 =	vperm.xlane v16, v6;
	v24 =	vld.idx.msk [tilespmem:v10+s9+$0x0], $0xffff;
	v25, _, _ =	vpop (xrf2)  }
0x9a: {  	v13 =	vperm.xlane v13, v18;
	v12 =	vsub.f32 v25, v15  }
0x9b: {  	vm3 =	vlt.f32 v22, v20;
	vm4 =	veq.f32 v22, v20;
	vm5 =	vlt.s32 v23, v16  }
0x9c: {  	vm4 =	vmand vm4, vm5;
	v15 =	vperm.xlane v12, v18;
	v12 =	vsub.f32 v19, v13  }
0x9d: {  	vm1 =	vmor vm1, vm0;
	vm3 =	vmor vm3, vm4  }
0x9e: {  	vm2 =	vmand vm2, vm3;
	v13 =	vsub.f32 v25, v15  }
0x9f: {  	v15 =	vsel vm2, v22, v20;
	v16 =	vsel vm2, v23, v16  }
0xa0: {  	vm2 =	vlt.f32 v15, v24;
	vm3 =	veq.f32 v15, v24;
	vm4 =	vlt.s32 v16, v21  }
0xa1: {  	vm3 =	vmand vm3, vm4  }
.Ltmp1:
0xa2: {  	vm2 =	vmor vm2, vm3;
	(pc) =	sbr.rel @p0 .LBB2_5-.Ltmp1, $4  }
0xa3: {  	v15 =	vsel vm2, v15, v24;
	v16 =	vsel vm2, v16, v21  }
0xa4: {  	[tilespmem:v10+s9+$0x0] =	vst.idx.msk vm1, v15  }
0xa5: {  	[tilespmem:v10+s10+$0x0] =	vst.idx.msk vm1, v16  }
0xa6: {  	s3 =	smov.u32 s20;
	[tilespmem:v10+s11+$0x0] =	vst.idx.add.f32.msk vm1, v13;
	v13 =	vsub.f32 v17, v14  }
0xa7: {  	_ =	sdelay $0x4  }
0xa8: {  	[tilespmem:v10+s12+$0x0] =	vst.idx.add.f32.msk vm1, v12  }
0xa9: {  	[tilespmem:v10+s13+$0x0] =	vst.idx.add.f32.msk vm1, v11  }
0xaa: {  	s1 =	sshra.s32 s19, $0x2;
	[tilespmem:v10+s14+$0x0] =	vst.idx.add.f32.msk vm1, v13  }
0xab: {  	v10 =	vld [tilespmem:s1+$0x0];
	_ =	sdelay $0x4  }
0xac: {  	s3 =	sadd.s32 $0x10, s23;
	v11 =	vld [tilespmem:s1+$0x2800];
	vm1 =	vlt.f32 v10, $+Inf;
	vm2 =	vgt.f32 v10, $+Inf  }
0xad: {  	v12 =	vor.u32 s3, v7;
	vm1 =	vmor vm2, vm1  }
0xae: {  	v12 =	vnsel vm1, $0x30D400, v12  }
0xaf: {  	v13 =	vperm.xlane v10, v2;
	v14 =	vperm.xlane v12, v2;
	_ =	sdelay $0x1  }
0xb0: {  	v15 =	vperm.xlane v11, v2;
	vm1 =	veq.f32 v13, v10;
	vm2 =	vlt.s32 v14, v12  }
0xb1: {  	vm3 =	vlt.f32 v13, v10;
	vm1 =	vmand vm1, vm2  }
0xb2: {  	vm2 =	veq.s32 v15, v11;
	vm1 =	vmor vm3, vm1  }
0xb3: {  	vm1 =	vmand vm2, vm1  }
0xb4: {  	v15 =	vld [tilespmem:s1+$0x2000];
	v10 =	vsel vm1, v13, v10;
	v12 =	vsel vm1, v14, v12  }
0xb5: {  	v13 =	vld [tilespmem:s1+$0x800];
	v14 =	vperm.xlane v10, v3;
	v16 =	vperm.xlane v12, v3  }
0xb6: {  	v17 =	vld [tilespmem:s1+$0x1800]  }
0xb7: {  	v18 =	vperm.xlane v11, v3;
	vm1 =	veq.f32 v14, v10;
	vm3 =	vlt.s32 v16, v12  }
0xb8: {  	v19 =	vld [tilespmem:s1+$0x1000];
	vm4 =	vlt.f32 v14, v10;
	vm1 =	vmand vm1, vm3  }
0xb9: {  	vm3 =	veq.s32 v18, v11;
	vm1 =	vmor vm4, vm1  }
0xba: {  	v15 =	vmul.f32 v15, v13;
	vm1 =	vmand vm3, vm1  }
0xbb: {  	v17 =	vmul.f32 v17, v13;
	(xrf2) =	vadd.scan.msk.f32 $0xffff, v13;
	v10 =	vsel vm1, v14, v10;
	v12 =	vsel vm1, v16, v12  }
0xbc: {  	(xrf2) =	vadd.scan.msk.f32 $0xffff, v15;
	v14 =	vsel vm2, $0x80000000, v9;
	v41 =	vperm.xlane v10, v4;
	v42 =	vperm.xlane v12, v4  }
0xbd: {  	v19 =	vmul.f32 v19, v13;
	(xrf0) =	vmax.scan.msk.u32 $0xffff, v14  }
0xbe: {  	v14 =	vperm.xlane v11, v4;
	(xrf2) =	vadd.scan.msk.f32 $0xffff, v17;
	vm1 =	veq.f32 v41, v10;
	vm2 =	vlt.s32 v42, v12  }
0xbf: {  	(xrf2) =	vadd.scan.msk.f32 $0xffff, v19;
	vm3 =	vlt.f32 v41, v10;
	vm1 =	vmand vm1, vm2  }
0xc0: {  	vm2 =	veq.s32 v14, v11;
	vm1 =	vmor vm3, vm1  }
0xc1: {  	v20 =	vperm.xlane v11, v8;
	vm1 =	vmand vm2, vm1  }
0xc2: {  	v14 =	vperm.xlane v11, v6;
	v10 =	vsel vm1, v41, v10;
	v12 =	vsel vm1, v42, v12  }
0xc3: {  	v16 =	vperm.xlane v10, v6;
	v18 =	vperm.xlane v12, v6  }
0xc4: {  	v21 =	vld.idx.msk [tilespmem:v11+s9+$0x0], $0xffff;
	vm2 =	vne.s32 v11, v20  }
0xc5: {  	vm1 =	veq.s32 v14, v11;
	v14 =	vld.idx.msk [tilespmem:v11+s10+$0x0], $0xffff;
	v43, _, _ =	vpop (xrf0);
	vm3 =	veq.f32 v16, v10;
	vm8 =	vlt.s32 v18, v12  }
0xc6: {  	v22, _, _ =	vpop (xrf2);
	v23 =	vxor.u32 $0x80000000, v43;
	vm5 =	vlt.f32 v16, v10;
	vm3 =	vmand vm3, vm8  }
0xc7: {  	v24 =	vadd.s32 $0x80000010, v43;
	vm9 =	vlt.s32 v43, $0x0;
	v44, _, _ =	vpop (xrf2);
	vm3 =	vmor vm5, vm3  }
0xc8: {  	vm2 =	vmor vm2, vm0;
	v23 =	vsel vm9, v23, v24;
	v45, _, _ =	vpop (xrf2);
	vm1 =	vmand vm1, vm3  }
0xc9: {  	v15 =	vsub.f32 v44, v15;
	v46, _, _ =	vpop (xrf2);
	v10 =	vsel vm1, v16, v10;
	v12 =	vsel vm1, v18, v12  }
0xca: {  	v47 =	vsub.f32 v46, v19;
	vm1 =	veq.f32 v10, v21;
	vm3 =	vlt.s32 v12, v14  }
0xcb: {  	v17 =	vsub.f32 v45, v17;
	vm10 =	vlt.f32 v10, v21;
	vm1 =	vmand vm1, vm3  }
0xcc: {  	v13 =	vsub.f32 v22, v13;
	v18 =	vperm.xlane v47, v23;
	vm1 =	vmor vm10, vm1  }
0xcd: {  	v15 =	vperm.xlane v15, v23;
	v17 =	vperm.xlane v17, v23;
	v10 =	vsel vm1, v10, v21  }
0xce: {  	v16 =	vsub.f32 v46, v18;
	v12 =	vsel vm1, v12, v14;
	[tilespmem:v11+s9+$0x0] =	vst.idx.msk vm2, v10  }
0xcf: {  	v10 =	vperm.xlane v13, v23;
	v13 =	vsub.f32 v45, v17;
	[tilespmem:v11+s10+$0x0] =	vst.idx.msk vm2, v12  }
0xd0: {  	v12 =	vsub.f32 v44, v15;
	[tilespmem:v11+s11+$0x0] =	vst.idx.add.f32.msk vm2, v16  }
0xd1: {  	v10 =	vsub.f32 v22, v10;
	[tilespmem:v11+s12+$0x0] =	vst.idx.add.f32.msk vm2, v13  }
0xd2: {  	[tilespmem:v11+s13+$0x0] =	vst.idx.add.f32.msk vm2, v12  }
0xd3: {  	[tilespmem:v11+s14+$0x0] =	vst.idx.add.f32.msk vm2, v10  }
0xd4: {  	_ =	swait.ge [sflag:s17], $0x7D0  }
0xd5: {  	[sflag:s17] =	ssyncset.done $0x0  }
0xd6: {  	[sflag:s17] =	ssyncadd.s32 $0xFFFFF830  }
0xd7: {  	_ =	swait.ge [sflag:s17], $0x7D0  }
0xd8: {  	[sflag:s17] =	ssyncset.done $0x0  }
0xd9: {  	[sflag:s17] =	ssyncadd.s32 $0xFFFFF830  }
0xda: {  	_ =	swait.ge [sflag:s17], $0x7D0  }
0xdb: {  	[sflag:s17] =	ssyncset.done $0x0  }
0xdc: {  	[sflag:s17] =	ssyncadd.s32 $0xFFFFF830  }
0xdd: {  	_ =	swait.ge [sflag:s17], $0x7D0  }
0xde: {  	[sflag:s17] =	ssyncset.done $0x0  }
0xdf: {  	[sflag:s17] =	ssyncadd.s32 $0xFFFFF830  }
0xe0: {  	_ =	swait.ge [sflag:s17], $0x7D0  }
0xe1: {  	[sflag:s17] =	ssyncset.done $0x0  }
0xe2: {  	p0 =	seq.s32 s22, $0x18;
	[sflag:s17] =	ssyncadd.s32 $0xFFFFF830  }
0xe3: {  	s1 =	sadd.s32 @!p0 s24, s16;
	_ =	swait.ge [sflag:s17], $0x7D0  }
0xe4: {  	s1 =	sshrl.u32 @!p0 s1, $0x3;
	[sflag:s17] =	ssyncset.done $0x0  }
0xe5: {  	s19 =	simm.s32 @!p0 $0x0;
	s3 =	sadd.s32 @!p0 s5, s1;
	[sflag:s17] =	ssyncadd.s32 $0xFFFFF830  }
0xe6: {  	[tilespmem:s19], [sflag:$0x1] =	stream.linear.gather @!p0 [hbm4b:s3+s19], $0x7D0, $0x38;
	[tilespmem:$0x14D00] =	vst v63  }
0xe7: {  	s20 =	simm.s32 @!p0 $0x800;
	s3 =	sadd.s32 @!p0 s4, s1  }
0xe8: {  	[tilespmem:s20], [sflag:$0x1] =	stream.linear.gather @!p0 [hbm4b:s3+s19], $0x7D0, $0x38;
	[tilespmem:$0x14D00] =	vst v63  }
0xe9: {  	s3 =	sadd.s32 @!p0 s6, s1;
	s20 =	simm.s32 @!p0 $0x1000  }
0xea: {  	[tilespmem:s20], [sflag:$0x1] =	stream.linear.gather @!p0 [hbm4b:s3+s19], $0x7D0, $0x38;
	[tilespmem:$0x14D00] =	vst v63  }
0xeb: {  	s3 =	sadd.s32 @!p0 s7, s1;
	s20 =	simm.s32 @!p0 $0x1800  }
0xec: {  	[tilespmem:s20], [sflag:$0x1] =	stream.linear.gather @!p0 [hbm4b:s3+s19], $0x7D0, $0x38;
	[tilespmem:$0x14D00] =	vst v63  }
0xed: {  	s3 =	sadd.s32 @!p0 s8, s1;
	s20 =	simm.s32 @!p0 $0x2000  }
0xee: {  	[tilespmem:s20], [sflag:$0x1] =	stream.linear.gather @!p0 [hbm4b:s3+s19], $0x7D0, $0x38;
	[tilespmem:$0x14D00] =	vst v63  }
0xef: {  	s24 =	simm.s32 $0x0;
	s1 =	sadd.s32 @!p0 s2, s1;
	s3 =	simm.s32 @!p0 $0x2800  }
0xf0: {  	[tilespmem:s3], [sflag:$0x1] =	stream.linear.gather @!p0 [hbm4b:s1+s19], $0x7D0, $0x38;
	[tilespmem:$0x14D00] =	vst v63  }
0xf1: {  	v11 =	vld [tilespmem:s24+$0x3000];
	_ =	sdelay $0x4  }
0xf2: {  	v10 =	vld [tilespmem:s24+$0x5800];
	vm1 =	vlt.f32 v11, $+Inf;
	vm2 =	vgt.f32 v11, $+Inf  }
0xf3: {  	v12 =	vor.u32 s25, v7;
	vm1 =	vmor vm2, vm1  }
0xf4: {  	v12 =	vnsel vm1, $0x30D400, v12  }
0xf5: {  	v13 =	vperm.xlane v11, v2;
	v14 =	vperm.xlane v12, v2;
	_ =	sdelay $0x1  }
0xf6: {  	v15 =	vperm.xlane v10, v2;
	vm1 =	veq.f32 v13, v11;
	vm2 =	vlt.s32 v14, v12  }
0xf7: {  	vm3 =	vlt.f32 v13, v11;
	vm1 =	vmand vm1, vm2  }
0xf8: {  	vm2 =	veq.s32 v15, v10;
	vm1 =	vmor vm3, vm1  }
0xf9: {  	vm1 =	vmand vm2, vm1  }
0xfa: {  	v15 =	vld [tilespmem:s24+$0x5000];
	v11 =	vsel vm1, v13, v11;
	v12 =	vsel vm1, v14, v12  }
0xfb: {  	v13 =	vld [tilespmem:s24+$0x3800];
	v14 =	vperm.xlane v11, v3;
	v48 =	vperm.xlane v12, v3  }
0xfc: {  	v49 =	vld [tilespmem:s24+$0x4800]  }
0xfd: {  	v50 =	vperm.xlane v10, v3;
	vm1 =	veq.f32 v14, v11;
	vm3 =	vlt.s32 v48, v12  }
0xfe: {  	v51 =	vld [tilespmem:s24+$0x4000];
	vm11 =	vlt.f32 v14, v11;
	vm1 =	vmand vm1, vm3  }
0xff: {  	vm3 =	veq.s32 v50, v10;
	vm1 =	vmor vm11, vm1  }
0x100: {  	v15 =	vmul.f32 v15, v13;
	vm1 =	vmand vm3, vm1  }
0x101: {  	(xrf2) =	vadd.scan.msk.f32 $0xffff, v13;
	v17 =	vmul.f32 v49, v13;
	v11 =	vsel vm1, v14, v11;
	v12 =	vsel vm1, v48, v12  }
0x102: {  	(xrf2) =	vadd.scan.msk.f32 $0xffff, v15;
	v14 =	vsel vm2, $0x80000000, v9;
	v52 =	vperm.xlane v11, v4;
	v53 =	vperm.xlane v12, v4  }
0x103: {  	v19 =	vmul.f32 v51, v13;
	(xrf0) =	vmax.scan.msk.u32 $0xffff, v14  }
0x104: {  	v14 =	vperm.xlane v10, v4;
	(xrf2) =	vadd.scan.msk.f32 $0xffff, v17;
	vm1 =	veq.f32 v52, v11;
	vm2 =	vlt.s32 v53, v12  }
0x105: {  	(xrf2) =	vadd.scan.msk.f32 $0xffff, v19;
	vm3 =	vlt.f32 v52, v11;
	vm1 =	vmand vm1, vm2  }
0x106: {  	vm2 =	veq.s32 v14, v10;
	vm1 =	vmor vm3, vm1  }
0x107: {  	v54 =	vperm.xlane v10, v8;
	vm1 =	vmand vm2, vm1  }
0x108: {  	v14 =	vperm.xlane v10, v6;
	v11 =	vsel vm1, v52, v11;
	v12 =	vsel vm1, v53, v12  }
0x109: {  	v16 =	vperm.xlane v11, v6;
	v18 =	vperm.xlane v12, v6  }
0x10a: {  	v55 =	vld.idx.msk [tilespmem:v10+s10+$0x0], $0xffff;
	vm2 =	veq.s32 v14, v10;
	vm1 =	vne.s32 v10, v54;
	v56, _, _ =	vpop (xrf0)  }
0x10b: {  	v57 =	vld.idx.msk [tilespmem:v10+s9+$0x0], $0xffff;
	v58 =	vxor.u32 $0x80000000, v56;
	vm3 =	veq.f32 v16, v11;
	vm12 =	vlt.s32 v18, v12  }
0x10c: {  	v14, _, _ =	vpop (xrf2);
	v59 =	vadd.s32 $0x80000010, v56;
	vm13 =	vlt.f32 v16, v11;
	vm3 =	vmand vm3, vm12  }
0x10d: {  	vm14 =	vlt.s32 v56, $0x0;
	vm1 =	vmor vm1, vm0;
	v60, _, _ =	vpop (xrf2);
	vm3 =	vmor vm13, vm3  }
0x10e: {  	v13 =	vsub.f32 v14, v13;
	v23 =	vsel vm14, v58, v59;
	v61, _, _ =	vpop (xrf2);
	vm2 =	vmand vm2, vm3  }
0x10f: {  	v15 =	vsub.f32 v60, v15;
	v62, _, _ =	vpop (xrf2);
	v11 =	vsel vm2, v16, v11;
	v12 =	vsel vm2, v18, v12  }
0x110: {  	v63 =	vsub.f32 v62, v19;
	vm2 =	veq.f32 v11, v57;
	vm3 =	vlt.s32 v12, v55  }
0x111: {  	v17 =	vsub.f32 v61, v17;
	vm15 =	vlt.f32 v11, v57;
	vm2 =	vmand vm2, vm3  }
0x112: {  	v13 =	vperm.xlane v13, v23;
	v18 =	vperm.xlane v63, v23;
	vm2 =	vmor vm15, vm2  }
0x113: {  	v15 =	vperm.xlane v15, v23;
	v17 =	vperm.xlane v17, v23;
	v11 =	vsel vm2, v11, v57  }
0x114: {  	v16 =	vsub.f32 v62, v18;
	v12 =	vsel vm2, v12, v55;
	[tilespmem:v10+s9+$0x0] =	vst.idx.msk vm1, v11  }
0x115: {  	v13 =	vsub.f32 v14, v13;
	[tilespmem:v10+s10+$0x0] =	vst.idx.msk vm1, v12  }
0x116: {  	s23 =	smov.u32 s25;
	s20 =	simm.s32 $0x80;
	s19 =	simm.s32 $0x40;
	v11 =	vsub.f32 v60, v15;
	v12 =	vsub.f32 v61, v17;
	[tilespmem:v10+s11+$0x0] =	vst.idx.add.f32.msk vm1, v16  }
.LBB2_7:
0x117: {  	s1 =	sshra.s32 s19, $0x2  }
0x118: {  	[tilespmem:v10+s12+$0x0] =	vst.idx.add.f32.msk vm1, v12;
	s23 =	sadd.s32 $0x10, s23;
	s19 =	smov.u32 s20;
	s3 =	sadd.s32 $0x40, s20  }
0x119: {  	p0 =	sne.s32 s20, $0x1F00;
	[tilespmem:v10+s13+$0x0] =	vst.idx.add.f32.msk vm1, v11  }
0x11a: {  	[tilespmem:v10+s14+$0x0] =	vst.idx.add.f32.msk vm1, v13  }
0x11b: {  	v11 =	vld [tilespmem:s1+$0x3000]  }
0x11c: {  	v12 =	vld [tilespmem:s1+$0x5000]  }
0x11d: {  	v13 =	vld [tilespmem:s1+$0x4800]  }
0x11e: {  	v10 =	vld [tilespmem:s1+$0x5800]  }
0x11f: {  	v14 =	vld [tilespmem:s1+$0x3800]  }
0x120: {  	v15 =	vld [tilespmem:s1+$0x4000];
	vm1 =	vlt.f32 v11, $+Inf;
	vm2 =	vgt.f32 v11, $+Inf  }
0x121: {  	v16 =	vor.u32 s23, v7;
	v17 =	vperm.xlane v11, v2;
	vm1 =	vmor vm2, vm1  }
0x122: {  	v16 =	vnsel vm1, $0x30D400, v16  }
0x123: {  	vm1 =	veq.f32 v17, v11;
	v18 =	vperm.xlane v16, v2;
	v19 =	vperm.xlane v10, v3  }
0x124: {  	vm2 =	vlt.f32 v17, v11;
	v20 =	vperm.xlane v10, v2;
	v13 =	vmul.f32 v13, v14;
	(xrf2) =	vadd.scan.msk.f32 $0xffff, v14  }
0x125: {  	v21 =	vperm.xlane v10, v4;
	v12 =	vmul.f32 v12, v14;
	vm3 =	vlt.s32 v18, v16  }
0x126: {  	vm5 =	veq.s32 v20, v10;
	vm4 =	veq.s32 v19, v10;
	vm1 =	vmand vm1, vm3  }
0x127: {  	v15 =	vmul.f32 v15, v14;
	vm3 =	veq.s32 v21, v10;
	vm1 =	vmor vm2, vm1;
	(xrf2) =	vadd.scan.msk.f32 $0xffff, v12  }
0x128: {  	v19 =	vperm.xlane v10, v6;
	v20 =	vsel vm5, $0x80000000, v9;
	vm1 =	vmand vm5, vm1  }
0x129: {  	v11 =	vsel vm1, v17, v11;
	v16 =	vsel vm1, v18, v16;
	v17 =	vperm.xlane v10, v8;
	(xrf0) =	vmax.scan.msk.u32 $0xffff, v20  }
0x12a: {  	vm2 =	veq.s32 v19, v10;
	v18 =	vperm.xlane v11, v3;
	v20 =	vperm.xlane v16, v3  }
0x12b: {  	vm1 =	vne.s32 v10, v17;
	(xrf2) =	vadd.scan.msk.f32 $0xffff, v13  }
0x12c: {  	vm5 =	vlt.f32 v18, v11;
	vm6 =	veq.f32 v18, v11;
	vm7 =	vlt.s32 v20, v16  }
0x12d: {  	vm6 =	vmand vm6, vm7  }
0x12e: {  	vm5 =	vmor vm5, vm6;
	(xrf2) =	vadd.scan.msk.f32 $0xffff, v15;
	v17, _, _ =	vpop (xrf2)  }
0x12f: {  	vm4 =	vmand vm4, vm5;
	v14 =	vsub.f32 v17, v14;
	v19, _, _ =	vpop (xrf0)  }
0x130: {  	v11 =	vsel vm4, v18, v11;
	v16 =	vsel vm4, v20, v16;
	v18 =	vxor.u32 $0x80000000, v19  }
0x131: {  	v22 =	vadd.s32 $0x80000010, v19;
	v20 =	vperm.xlane v11, v4;
	v21 =	vperm.xlane v16, v4;
	v23, _, _ =	vpop (xrf2)  }
0x132: {  	vm4 =	vlt.s32 v19, $0x0;
	v12 =	vsub.f32 v23, v12  }
0x133: {  	vm5 =	vlt.f32 v20, v11;
	vm6 =	veq.f32 v20, v11;
	vm7 =	vlt.s32 v21, v16  }
0x134: {  	v18 =	vsel vm4, v18, v22;
	vm6 =	vmand vm6, vm7  }
0x135: {  	v14 =	vperm.xlane v14, v18;
	v12 =	vperm.xlane v12, v18;
	vm4 =	vmor vm5, vm6;
	v19, _, _ =	vpop (xrf2)  }
0x136: {  	vm3 =	vmand vm3, vm4;
	v13 =	vsub.f32 v19, v13  }
0x137: {  	v20 =	vsel vm3, v20, v11;
	v16 =	vsel vm3, v21, v16;
	v21 =	vld.idx.msk [tilespmem:v10+s10+$0x0], $0xffff;
	v11 =	vsub.f32 v23, v12  }
0x138: {  	v22 =	vperm.xlane v20, v6;
	v23 =	vperm.xlane v16, v6;
	v24 =	vld.idx.msk [tilespmem:v10+s9+$0x0], $0xffff;
	v25, _, _ =	vpop (xrf2)  }
0x139: {  	v13 =	vperm.xlane v13, v18;
	v12 =	vsub.f32 v25, v15  }
0x13a: {  	vm3 =	vlt.f32 v22, v20;
	vm4 =	veq.f32 v22, v20;
	vm5 =	vlt.s32 v23, v16  }
0x13b: {  	vm4 =	vmand vm4, vm5;
	v15 =	vperm.xlane v12, v18;
	v12 =	vsub.f32 v19, v13  }
0x13c: {  	vm1 =	vmor vm1, vm0;
	vm3 =	vmor vm3, vm4  }
0x13d: {  	vm2 =	vmand vm2, vm3;
	v13 =	vsub.f32 v25, v15  }
0x13e: {  	v15 =	vsel vm2, v22, v20;
	v16 =	vsel vm2, v23, v16  }
0x13f: {  	vm2 =	vlt.f32 v15, v24;
	vm3 =	veq.f32 v15, v24;
	vm4 =	vlt.s32 v16, v21  }
0x140: {  	vm3 =	vmand vm3, vm4  }
.Ltmp2:
0x141: {  	vm2 =	vmor vm2, vm3;
	(pc) =	sbr.rel @p0 .LBB2_7-.Ltmp2, $4  }
0x142: {  	v15 =	vsel vm2, v15, v24;
	v16 =	vsel vm2, v16, v21  }
0x143: {  	[tilespmem:v10+s9+$0x0] =	vst.idx.msk vm1, v15  }
0x144: {  	[tilespmem:v10+s10+$0x0] =	vst.idx.msk vm1, v16  }
0x145: {  	s20 =	smov.u32 s3;
	[tilespmem:v10+s11+$0x0] =	vst.idx.add.f32.msk vm1, v13;
	v13 =	vsub.f32 v17, v14  }
0x146: {  	_ =	sdelay $0x4  }
0x147: {  	[tilespmem:v10+s12+$0x0] =	vst.idx.add.f32.msk vm1, v12  }
0x148: {  	[tilespmem:v10+s13+$0x0] =	vst.idx.add.f32.msk vm1, v11  }
0x149: {  	s1 =	sshra.s32 s19, $0x2;
	[tilespmem:v10+s14+$0x0] =	vst.idx.add.f32.msk vm1, v13  }
0x14a: {  	v10 =	vld [tilespmem:s1+$0x3000];
	_ =	sdelay $0x4  }
0x14b: {  	s3 =	sadd.s32 $0x10, s23;
	v11 =	vld [tilespmem:s1+$0x5800];
	vm1 =	vlt.f32 v10, $+Inf;
	vm2 =	vgt.f32 v10, $+Inf  }
0x14c: {  	v46 =	vor.u32 s3, v7;
	vm1 =	vmor vm2, vm1  }
0x14d: {  	v12 =	vnsel vm1, $0x30D400, v46  }
0x14e: {  	v47 =	vperm.xlane v10, v2;
	v14 =	vperm.xlane v12, v2;
	_ =	sdelay $0x1  }
0x14f: {  	v15 =	vperm.xlane v11, v2;
	vm1 =	veq.f32 v47, v10;
	vm2 =	vlt.s32 v14, v12  }
0x150: {  	vm3 =	vlt.f32 v47, v10;
	vm1 =	vmand vm1, vm2  }
0x151: {  	vm2 =	veq.s32 v15, v11;
	vm1 =	vmor vm3, vm1  }
0x152: {  	vm1 =	vmand vm2, vm1  }
0x153: {  	v48 =	vld [tilespmem:s1+$0x5000];
	v10 =	vsel vm1, v47, v10;
	v12 =	vsel vm1, v14, v12  }
0x154: {  	v49 =	vld [tilespmem:s1+$0x3800];
	v50 =	vperm.xlane v10, v3;
	v16 =	vperm.xlane v12, v3  }
0x155: {  	v17 =	vld [tilespmem:s1+$0x4800]  }
0x156: {  	v18 =	vperm.xlane v11, v3;
	vm1 =	veq.f32 v50, v10;
	vm3 =	vlt.s32 v16, v12  }
0x157: {  	v19 =	vld [tilespmem:s1+$0x4000];
	vm4 =	vlt.f32 v50, v10;
	vm1 =	vmand vm1, vm3  }
0x158: {  	vm3 =	veq.s32 v18, v11;
	vm1 =	vmor vm4, vm1  }
0x159: {  	v15 =	vmul.f32 v48, v49;
	vm1 =	vmand vm3, vm1  }
0x15a: {  	v17 =	vmul.f32 v17, v49;
	(xrf2) =	vadd.scan.msk.f32 $0xffff, v49;
	v10 =	vsel vm1, v50, v10;
	v12 =	vsel vm1, v16, v12  }
0x15b: {  	v51 =	vsel vm2, $0x80000000, v9;
	(xrf2) =	vadd.scan.msk.f32 $0xffff, v15;
	v52 =	vperm.xlane v10, v4;
	v53 =	vperm.xlane v12, v4  }
0x15c: {  	v19 =	vmul.f32 v19, v49;
	(xrf0) =	vmax.scan.msk.u32 $0xffff, v51  }
0x15d: {  	v54 =	vperm.xlane v11, v4;
	(xrf2) =	vadd.scan.msk.f32 $0xffff, v17;
	vm1 =	veq.f32 v52, v10;
	vm2 =	vlt.s32 v53, v12  }
0x15e: {  	(xrf2) =	vadd.scan.msk.f32 $0xffff, v19;
	vm3 =	vlt.f32 v52, v10;
	vm1 =	vmand vm1, vm2  }
0x15f: {  	vm2 =	veq.s32 v54, v11;
	vm1 =	vmor vm3, vm1  }
0x160: {  	vm1 =	vmand vm2, vm1  }
0x161: {  	v10 =	vsel vm1, v52, v10;
	v12 =	vsel vm1, v53, v12  }
0x162: {  	v57, _, _ =	vpop (xrf0);
	v16 =	vperm.xlane v10, v6;
	v18 =	vperm.xlane v12, v6  }
0x163: {  	v55 =	vperm.xlane v11, v6;
	v20 =	vperm.xlane v11, v8;
	v56 =	vld.idx.msk [tilespmem:v11+s10+$0x0], $0xffff;
	v23 =	vxor.u32 $0x80000000, v57  }
0x164: {  	v21 =	vld.idx.msk [tilespmem:v11+s9+$0x0], $0xffff;
	v24 =	vadd.s32 $0x80000010, v57;
	vm3 =	veq.f32 v16, v10;
	vm13 =	vlt.s32 v18, v12  }
0x165: {  	v22, _, _ =	vpop (xrf2);
	vm14 =	vlt.s32 v57, $0x0;
	vm5 =	vlt.f32 v16, v10;
	vm3 =	vmand vm3, vm13  }
0x166: {  	v58, _, _ =	vpop (xrf2);
	vm2 =	vne.s32 v11, v20;
	vm1 =	veq.s32 v55, v11;
	vm3 =	vmor vm5, vm3  }
0x167: {  	v23 =	vsel vm14, v23, v24;
	v59, _, _ =	vpop (xrf2);
	vm2 =	vmor vm2, vm0;
	vm1 =	vmand vm1, vm3  }
0x168: {  	v15 =	vsub.f32 v58, v15;
	v60, _, _ =	vpop (xrf2);
	v10 =	vsel vm1, v16, v10;
	v12 =	vsel vm1, v18, v12  }
0x169: {  	v61 =	vsub.f32 v60, v19;
	vm1 =	veq.f32 v10, v21;
	vm3 =	vlt.s32 v12, v56  }
0x16a: {  	v17 =	vsub.f32 v59, v17;
	vm15 =	vlt.f32 v10, v21;
	vm1 =	vmand vm1, vm3  }
0x16b: {  	v13 =	vsub.f32 v22, v49;
	v18 =	vperm.xlane v61, v23;
	vm1 =	vmor vm15, vm1  }
0x16c: {  	s22 =	sadd.s32 $0x1, s22;
	v15 =	vperm.xlane v15, v23;
	v17 =	vperm.xlane v17, v23;
	v10 =	vsel vm1, v10, v21  }
0x16d: {  	p0 =	sne.s32 s22, $0x19;
	v16 =	vsub.f32 v60, v18;
	v12 =	vsel vm1, v12, v56;
	[tilespmem:v11+s9+$0x0] =	vst.idx.msk vm2, v10  }
.Ltmp3:
0x16e: {  	v62 =	vsub.f32 v59, v17;
	v10 =	vperm.xlane v13, v23;
	[tilespmem:v11+s10+$0x0] =	vst.idx.msk vm2, v12;
	(pc) =	sbr.rel @p0 .LBB2_4-.Ltmp3, $4  }
0x16f: {  	v63 =	vsub.f32 v58, v15;
	[tilespmem:v11+s11+$0x0] =	vst.idx.add.f32.msk vm2, v16  }
0x170: {  	v10 =	vsub.f32 v22, v10;
	[tilespmem:v11+s12+$0x0] =	vst.idx.add.f32.msk vm2, v62  }
0x171: {  	[tilespmem:v11+s13+$0x0] =	vst.idx.add.f32.msk vm2, v63  }
0x172: {  	s18 =	sadd.s32 $0xFA0, s18;
	s25 =	sadd.s32 $0xFA0, s25;
	[tilespmem:v11+s14+$0x0] =	vst.idx.add.f32.msk vm2, v10  }
0x173: {  	s1 =	rddreg [dreg:$0xa]  }
0x174: {  	s3 =	simm.s32 $0x80;
	s18 =	simm.s32 $0x400;
	s19 =	simm.s32 $0x3  }
0x175: {  	[hbm4b:s1+s3] =	stream.strided.scatter [tilespmem:s9], [sflag:$0x3], $0x2780, s18, s3, $0x38;
	[tilespmem:$0x14D00] =	vst v63  }
0x176: {  	_ =	swait.ge [sflag:s19], $0x2780  }
0x177: {  	[sflag:s19] =	ssyncset.done $0x0  }
0x178: {  	s24 =	rddreg [dreg:$0xb];
	[sflag:s19] =	ssyncadd.s32 $0xFFFFD880  }
0x179: {  	[hbm4b:s24+s3] =	stream.strided.scatter [tilespmem:s10], [sflag:$0x3], $0x2780, s18, s3, $0x38;
	[tilespmem:$0x14D00] =	vst v63  }
0x17a: {  	_ =	swait.ge [sflag:s19], $0x2780  }
0x17b: {  	[sflag:s19] =	ssyncset.done $0x0  }
0x17c: {  	s25 =	rddreg [dreg:$0xc];
	[sflag:s19] =	ssyncadd.s32 $0xFFFFD880  }
0x17d: {  	[hbm4b:s25+s3] =	stream.strided.scatter [tilespmem:s11], [sflag:$0x3], $0x2780, s18, s3, $0x38;
	[tilespmem:$0x14D00] =	vst v63  }
0x17e: {  	_ =	swait.ge [sflag:s19], $0x2780  }
0x17f: {  	[sflag:s19] =	ssyncset.done $0x0  }
0x180: {  	s20 =	rddreg [dreg:$0xd];
	[sflag:s19] =	ssyncadd.s32 $0xFFFFD880  }
0x181: {  	[hbm4b:s20+s3] =	stream.strided.scatter [tilespmem:s12], [sflag:$0x3], $0x2780, s18, s3, $0x38;
	[tilespmem:$0x14D00] =	vst v63  }
0x182: {  	_ =	swait.ge [sflag:s19], $0x2780  }
0x183: {  	[sflag:s19] =	ssyncset.done $0x0  }
0x184: {  	s22 =	rddreg [dreg:$0xe];
	[sflag:s19] =	ssyncadd.s32 $0xFFFFD880  }
0x185: {  	[hbm4b:s22+s3] =	stream.strided.scatter [tilespmem:s13], [sflag:$0x3], $0x2780, s18, s3, $0x38;
	[tilespmem:$0x14D00] =	vst v63  }
0x186: {  	_ =	swait.ge [sflag:s19], $0x2780  }
0x187: {  	[sflag:s19] =	ssyncset.done $0x0  }
0x188: {  	s23 =	rddreg [dreg:$0xf];
	[sflag:s19] =	ssyncadd.s32 $0xFFFFD880  }
0x189: {  	[hbm4b:s23+s3] =	stream.strided.scatter [tilespmem:s14], [sflag:$0x3], $0x2780, s18, s3, $0x38;
	[tilespmem:$0x14D00] =	vst v63  }
0x18a: {  	_ =	swait.ge [sflag:s19], $0x2780  }
0x18b: {  	s24 =	rddreg [dreg:$0x3]  }
0x18c: {  	s25 =	rddreg [dreg:$0x11];
	s18 =	sadd.s32 $0x1, s24  }
0x18d: {  	p0 =	sne.s32 s18, s25  }
.Ltmp4:
0x18e: {  	_ = 	snop;
	(pc) =	sbr.rel @p0 .LBB2_1-.Ltmp4, $3  }
0x18f: {  	_ =	sdelay $0x1  }
0x190: {  	[sflag:s19] =	ssyncset.done $0x0  }
0x191: {  	[sflag:s19] =	ssyncadd.s32 $0xFFFFD880  }
0x192: {  	_ =	sfence.sel $0x180000  }
0x193: {  	[bflag:$0x0] =	sbarrier.arrive $0xFFFF  }
0x194: {  	_ =	strace $0x90000047  }
0x195: {  	s0 =	stileid.u32;
	[bflag:$0x2] =	sbarrier.arrive $0xFFFF  }
0x196: {  	p0 =	sne.s32 s0, $0x0;
	s0 =	rddreg [dreg:$0x2]  }
0x197: {  	s0 =	sadd.s32 @!p0 $0x100000, s0  }
0x198: {  	[sflag:s0] =	ssyncadd.tile.s32 @!p0 $0x1;
	_ =	shalt  }
.Lfunc_end2:
_tile_overlayer_lowered:
.L_overlay_start_2:
0x199: {  	(tag) =	ssettag $0x2  }
0x19a: {  	s0 =	rddreg [dreg:$0x0];
	s2 =	stileid.u32  }
0x19b: {  	s1 =	rddreg [dreg:$0x1];
	p0 =	sne.s32 s2, $0x0  }
0x19c: {  	s3 =	rddreg [dreg:$0x2];
	[bflag:$0x3] =	sbarrier.arrive $0xFFFF;
	s2 =	simm.s32 @!p0 $0x1C03  }
0x19d: {  	[timem:s3], [sflag:s2] =	dma.local @!p0 [hbm:s0], s1  }
0x19e: {  	s0 =	simm.s32 @!p0 $0x3  }
0x19f: {  	_ =	swait.ge @!p0 [sflag:s0], s1  }
0x1a0: {  	s1 =	ssub.s32 @!p0 $0x0, s1;
	[sflag:s0] =	ssyncset.done @!p0 $0x0  }
0x1a1: {  	[sflag:s0] =	ssyncadd.s32 @!p0 s1  }
0x1a2: {  	[bflag:$0x3] =	sbarrier.arrive $0xFFFF  }
0x1a3: {  	_ =	shalt  }

</sc_bundles>
